<compile_context>
chip_gen: v7x
topology: tpu7x:2x2x1
jax: 0.10.2.dev20260603
libtpu: 0.0.44.dev20260713+nightly
codegen_flags: <defaults>
</compile_context>

<pallas_src>
import functools

import jax
import jax.numpy as jnp
from jax import lax
from jax.experimental import pallas as pl
from jax.experimental.pallas import tpu as pltpu
from jax.experimental.pallas import tpu_sc as plsc

BATCH = 16384
EMB = 32
EPS = 1e-5

NC = 2
NS = 16
NW = NC * NS
BPW = BATCH // NW
CHUNK = 128
NCHUNK = BPW // CHUNK


def _sc_gather_body(uidx, iidx, Ug, Ig, Um, Im,
                    o_ug, o_ig, o_um, o_im,
                    vu, vi, st_ug, st_ig, st_um, st_im, sem):
    wid = lax.axis_index("s") * NC + lax.axis_index("c")
    base = wid * BPW
    pltpu.sync_copy(uidx.at[pl.ds(base, BPW)], vu)
    pltpu.sync_copy(iidx.at[pl.ds(base, BPW)], vi)

    def chunk(c, _):
        off = c * CHUNK

        @plsc.parallel_loop(0, CHUNK // 16, step=1, unroll=2)
        def group(g):
            o2 = off + g * 16
            uvec = vu[pl.ds(o2, 16)]
            ivec = vi[pl.ds(o2, 16)]
            for k in range(16):
                u = uvec[k]
                t = ivec[k]
                r = g * 16 + k
                pltpu.make_async_copy(Ug.at[u], st_ug.at[r], sem).start()
                pltpu.make_async_copy(Um.at[u], st_um.at[r], sem).start()
                pltpu.make_async_copy(Ig.at[t], st_ig.at[r], sem).start()
                pltpu.make_async_copy(Im.at[t], st_im.at[r], sem).start()
        for st in (st_ug, st_um, st_ig, st_im):
            pltpu.make_async_copy(Ug.at[pl.ds(0, CHUNK)], st, sem).wait()
        dst = pl.ds(base + off, CHUNK)
        pltpu.sync_copy(st_ug, o_ug.at[dst])
        pltpu.sync_copy(st_um, o_um.at[dst])
        pltpu.sync_copy(st_ig, o_ig.at[dst])
        pltpu.sync_copy(st_im, o_im.at[dst])
        return ()

    lax.fori_loop(0, NCHUNK, chunk, (), unroll=False)


def _sc_gather(uidx, iidx, Ug, Ig, Um, Im):
    mesh = plsc.VectorSubcoreMesh(core_axis_name="c", subcore_axis_name="s",
                                  num_cores=NC, num_subcores=NS)
    row = jax.ShapeDtypeStruct((BATCH, EMB), jnp.float32)
    f = pl.kernel(
        _sc_gather_body,
        out_type=(row, row, row, row),
        mesh=mesh,
        compiler_params=pltpu.CompilerParams(use_tc_tiling_on_sc=True),
        scratch_types=[
            pltpu.VMEM((BPW,), jnp.int32),
            pltpu.VMEM((BPW,), jnp.int32),
            pltpu.VMEM((CHUNK, EMB), jnp.float32),
            pltpu.VMEM((CHUNK, EMB), jnp.float32),
            pltpu.VMEM((CHUNK, EMB), jnp.float32),
            pltpu.VMEM((CHUNK, EMB), jnp.float32),
            pltpu.SemaphoreType.DMA,
        ],
    )
    return f(uidx, iidx, Ug, Ig, Um, Im)


def _tc_tail_body(ug_ref, ig_ref, um_ref, im_ref, w1_ref, b1_ref, g1_ref,
                  be1_ref, w2_ref, b2_ref, g2_ref, be2_ref, wh_ref, bh_ref,
                  out_ref):
    f32 = jnp.float32
    um = um_ref[...]
    im = im_ref[...]
    w1 = w1_ref[...]
    inv1 = g1_ref[...] / jnp.sqrt(1.0 + EPS)
    inv2 = g2_ref[...] / jnp.sqrt(1.0 + EPS)
    h = lax.dot_general(um, w1[:, :EMB], (((1,), (1,)), ((), ())),
                        preferred_element_type=f32)
    h += lax.dot_general(im, w1[:, EMB:], (((1,), (1,)), ((), ())),
                         preferred_element_type=f32)
    h = (h + b1_ref[...]) * inv1 + be1_ref[...]
    h = jnp.maximum(h, 0.0)
    h = lax.dot_general(h, w2_ref[...], (((1,), (1,)), ((), ())),
                        preferred_element_type=f32)
    h = (h + b2_ref[...]) * inv2 + be2_ref[...]
    h = jnp.maximum(h, 0.0)
    wh = wh_ref[...]
    gmf = ug_ref[...] * ig_ref[...]
    out = jnp.sum(gmf * wh[:, :EMB], axis=1) + jnp.sum(h * wh[:, EMB:], axis=1)
    out = out + bh_ref[0, 0]
    out_ref[...] = jnp.clip(out, -2.0, 2.0)


def _tc_tail(ug, ig, um, im, W1, b1, g1, be1, W2, b2, g2, be2, Wh, bh):
    blk = 2048
    grid = (BATCH // blk,)
    rows = pl.BlockSpec((blk, EMB), lambda i: (i, 0))
    full = lambda a: pl.BlockSpec(a.shape, lambda i: (0,) * a.ndim)
    args = (W1, b1, g1, be1, W2, b2, g2, be2, Wh, bh)
    return pl.pallas_call(
        _tc_tail_body,
        grid=grid,
        in_specs=[rows, rows, rows, rows] + [full(a) for a in args],
        out_specs=pl.BlockSpec((blk,), lambda i: (i,)),
        out_shape=jax.ShapeDtypeStruct((BATCH,), jnp.float32),
    )(ug, ig, um, im, *args)


def kernel(x, Ug, Ig, Um, Im, W1, b1, g1, be1, W2, b2, g2, be2, Wh, bh):
    xi = x.astype(jnp.int32)
    uidx = xi[:, 0]
    iidx = xi[:, 1]
    ug, ig, um, im = _sc_gather(uidx, iidx, Ug, Ig, Um, Im)
    return _tc_tail(ug, ig, um, im,
                    W1, b1.reshape(1, -1), g1.reshape(1, -1),
                    be1.reshape(1, -1), W2, b2.reshape(1, -1),
                    g2.reshape(1, -1), be2.reshape(1, -1), Wh,
                    bh.reshape(1, -1))

# --- scband reference (transcript-rebuilt; emitter-appended) ---
"""Pipeline reference for scband-neu-mf-66924180406980 (READ-ONLY COPY).

The authoritative reference and input builder live on the scoring server;
editing this copy changes nothing except your own understanding.
"""

import jax, jax.numpy as jnp
import numpy as np

NUM_USERS = 1000000
NUM_ITEMS = 1000000
EMB_DIM = 32
BATCH = 16384
EPS = 1e-5

def setup_inputs(seed: int = 0):
    key = jax.random.key(seed)
    ks = jax.random.split(key, 12)
    inp = {}
    inp['x'] = jax.random.randint(ks[0], (BATCH, 2), 0, NUM_USERS)
    # embedding tables (initial_range=0.02)
    inp['Ug'] = jax.random.normal(ks[1], (NUM_USERS, EMB_DIM), dtype=jnp.float32) * 0.02
    inp['Ig'] = jax.random.normal(ks[2], (NUM_ITEMS, EMB_DIM), dtype=jnp.float32) * 0.02
    inp['Um'] = jax.random.normal(ks[3], (NUM_USERS, 32), dtype=jnp.float32) * 0.02
    inp['Im'] = jax.random.normal(ks[4], (NUM_ITEMS, 32), dtype=jnp.float32) * 0.02
    # MLP: Linear(64->32), BN(32), ReLU, Dropout; Linear(32->16), BN(16), ReLU, Dropout
    inp['W1'] = jax.random.normal(ks[5], (32, 64), dtype=jnp.float32) * (1.0 / np.sqrt(64))
    inp['b1'] = jnp.zeros((32,), dtype=jnp.float32)
    inp['g1'] = jnp.ones((32,), dtype=jnp.float32)
    inp['be1'] = jnp.zeros((32,), dtype=jnp.float32)
    inp['W2'] = jax.random.normal(ks[6], (16, 32), dtype=jnp.float32) * (1.0 / np.sqrt(32))
    inp['b2'] = jnp.zeros((16,), dtype=jnp.float32)
    inp['g2'] = jnp.ones((16,), dtype=jnp.float32)
    inp['be2'] = jnp.zeros((16,), dtype=jnp.float32)
    # head: Linear(16+32 -> 1)
    inp['Wh'] = jax.random.normal(ks[7], (1, 48), dtype=jnp.float32) * (1.0 / np.sqrt(48))
    inp['bh'] = jnp.zeros((1,), dtype=jnp.float32)
    return inp

def _bn_eval(h, gamma, beta):
    # BatchNorm1d in eval mode with default running stats (mean=0, var=1)
    return (h - 0.0) / jnp.sqrt(1.0 + EPS) * gamma + beta

def reference(x, Ug, Ig, Um, Im, W1, b1, g1, be1, W2, b2, g2, be2, Wh, bh):
    user_idx = x[:, 0]
    item_idx = x[:, 1]
    # GMF branch (gathers)
    ug = jnp.take(Ug, user_idx, axis=0)
    ig = jnp.take(Ig, item_idx, axis=0)
    gmf = ug * ig
    # MLP branch (gathers)
    um = jnp.take(Um, user_idx, axis=0)
    im = jnp.take(Im, item_idx, axis=0)
    h = jnp.concatenate([um, im], axis=1)
    h = h @ W1.T + b1
    h = _bn_eval(h, g1, be1)
    h = jax.nn.relu(h)
    # dropout p=0.0 in eval mode -> identity
    h = h @ W2.T + b2
    h = _bn_eval(h, g2, be2)
    h = jax.nn.relu(h)
    v = jnp.concatenate([gmf, h], axis=1)
    out = v @ Wh.T + bh
    return jnp.clip(out.squeeze(-1), -2.0, 2.0)

if __name__ == "__main__":
    import jax
    _d = setup_inputs()
    print(jax.jit(kernel)(*tuple(_d.values())))

</pallas_src>

<mosaic_0001>
#map = affine_map<(d0, d1) -> (0)>
#map1 = affine_map<(d0, d1) -> (0, 0)>
module attributes {stable_mosaic.version = 14 : i64} {
  func.func @_sc_gather_body(%arg0: i32, %arg1: i32, %arg2: memref<16384xi32, #tpu.memory_space<hbm>>, %arg3: memref<16384xi32, #tpu.memory_space<hbm>>, %arg4: memref<1000000x32xf32, #tpu.memory_space<hbm>>, %arg5: memref<1000000x32xf32, #tpu.memory_space<hbm>>, %arg6: memref<1000000x32xf32, #tpu.memory_space<hbm>>, %arg7: memref<1000000x32xf32, #tpu.memory_space<hbm>>, %arg8: memref<16384x32xf32, #tpu.memory_space<hbm>>, %arg9: memref<16384x32xf32, #tpu.memory_space<hbm>>, %arg10: memref<16384x32xf32, #tpu.memory_space<hbm>>, %arg11: memref<16384x32xf32, #tpu.memory_space<hbm>>, %arg12: memref<512xi32, #tpu.memory_space<vmem>>, %arg13: memref<512xi32, #tpu.memory_space<vmem>>, %arg14: memref<128x32xf32, #tpu.memory_space<vmem>>, %arg15: memref<128x32xf32, #tpu.memory_space<vmem>>, %arg16: memref<128x32xf32, #tpu.memory_space<vmem>>, %arg17: memref<128x32xf32, #tpu.memory_space<vmem>>, %arg18: memref<!tpu.dma_semaphore, #tpu.memory_space<semaphore_mem>>) attributes {dimension_semantics = [#tpu.dimension_semantics<core_parallel>, #tpu.dimension_semantics<subcore_parallel>], iteration_bounds = array<i64: 2, 16>, scalar_prefetch = 0 : i64, scratch_operands = 7 : i64, tpu.core_type = #tpu.core_type<sc_vector_subcore>, window_params = [{transform_indices = #map}, {transform_indices = #map}, {transform_indices = #map1}, {transform_indices = #map1}, {transform_indices = #map1}, {transform_indices = #map1}, {transform_indices = #map1}, {transform_indices = #map1}, {transform_indices = #map1}, {transform_indices = #map1}]} {
    %mul3A = arith.constant 2 : i32
    %mul3A_0 = arith.muli %arg1, %mul3A : i32
    %add3A = arith.addi %mul3A_0, %arg0 : i32
    %mul3A_1 = arith.constant 512 : i32
    %mul3A_2 = arith.muli %add3A, %mul3A_1 : i32
    "tpu.region"() ({
      %run_scoped3A = tpu.sem_alloc : memref<!tpu.dma_semaphore, #tpu.memory_space<semaphore_mem>>
      %dma_start3A = tpu.memref_slice %arg2[%mul3A_2] : memref<16384xi32, #tpu.memory_space<hbm>> -> memref<512xi32, #tpu.memory_space<hbm>>
      %dma_start3A_7 = tpu.memref_slice %arg2[%mul3A_2] : memref<16384xi32, #tpu.memory_space<hbm>> -> memref<512xi32, #tpu.memory_space<hbm>>
      tpu.enqueue_dma source(%dma_start3A_7 : memref<512xi32, #tpu.memory_space<hbm>>) target(%arg12 : memref<512xi32, #tpu.memory_space<vmem>>) target_semaphore(%run_scoped3A : memref<!tpu.dma_semaphore, #tpu.memory_space<semaphore_mem>>)
      %dma_wait3A = tpu.memref_slice %arg2[%mul3A_2] : memref<16384xi32, #tpu.memory_space<hbm>> -> memref<512xi32, #tpu.memory_space<hbm>>
      %dma_wait3A_8 = tpu.memref_slice %arg2[%mul3A_2] : memref<16384xi32, #tpu.memory_space<hbm>> -> memref<512xi32, #tpu.memory_space<hbm>>
      tpu.wait_dma2 semaphore(%run_scoped3A : memref<!tpu.dma_semaphore, #tpu.memory_space<semaphore_mem>>) src(%dma_wait3A_8 : memref<512xi32, #tpu.memory_space<hbm>>) dst(%arg12 : memref<512xi32, #tpu.memory_space<vmem>>)
      tpu.yield
    }) : () -> ()
    "tpu.region"() ({
      %run_scoped3A = tpu.sem_alloc : memref<!tpu.dma_semaphore, #tpu.memory_space<semaphore_mem>>
      %dma_start3A = tpu.memref_slice %arg3[%mul3A_2] : memref<16384xi32, #tpu.memory_space<hbm>> -> memref<512xi32, #tpu.memory_space<hbm>>
      %dma_start3A_7 = tpu.memref_slice %arg3[%mul3A_2] : memref<16384xi32, #tpu.memory_space<hbm>> -> memref<512xi32, #tpu.memory_space<hbm>>
      tpu.enqueue_dma source(%dma_start3A_7 : memref<512xi32, #tpu.memory_space<hbm>>) target(%arg13 : memref<512xi32, #tpu.memory_space<vmem>>) target_semaphore(%run_scoped3A : memref<!tpu.dma_semaphore, #tpu.memory_space<semaphore_mem>>)
      %dma_wait3A = tpu.memref_slice %arg3[%mul3A_2] : memref<16384xi32, #tpu.memory_space<hbm>> -> memref<512xi32, #tpu.memory_space<hbm>>
      %dma_wait3A_8 = tpu.memref_slice %arg3[%mul3A_2] : memref<16384xi32, #tpu.memory_space<hbm>> -> memref<512xi32, #tpu.memory_space<hbm>>
      tpu.wait_dma2 semaphore(%run_scoped3A : memref<!tpu.dma_semaphore, #tpu.memory_space<semaphore_mem>>) src(%dma_wait3A_8 : memref<512xi32, #tpu.memory_space<hbm>>) dst(%arg13 : memref<512xi32, #tpu.memory_space<vmem>>)
      tpu.yield
    }) : () -> ()
    %scan3A = arith.constant 0 : i32
    %scan3A_3 = arith.constant 4 : i32
    %scan3A_4 = arith.addi %scan3A, %scan3A_3 : i32
    %scan3A_5 = arith.constant 1 : i32
    scf.for %scan3A_7 = %scan3A to %scan3A_4 step %scan3A_5  : i32 {
      %mul3A_8 = arith.constant 128 : i32
      %mul3A_9 = arith.muli %scan3A_7, %mul3A_8 : i32
      %parallel_loop3A = arith.constant 0 : i32
      %parallel_loop3A_10 = arith.constant 8 : i32
      %parallel_loop3A_11 = arith.constant 1 : i32
      scf.for %parallel_loop3A_36 = %parallel_loop3A to %parallel_loop3A_10 step %parallel_loop3A_11  : i32 {
        %parallel_loop3A_37 = arith.constant 16 : i32
        %parallel_loop3A_38 = arith.muli %parallel_loop3A_36, %parallel_loop3A_37 : i32
        %parallel_loop3A_39 = arith.addi %mul3A_9, %parallel_loop3A_38 : i32
        %parallel_loop3A_40 = arith.index_cast %parallel_loop3A_39 : i32 to index
        %parallel_loop3A_41 = tpu.vector_load %arg12[%parallel_loop3A_40] {strides = array<i32>} : memref<512xi32, #tpu.memory_space<vmem>>, vector<16xi32>,
        %parallel_loop3A_42 = vector.shape_cast %parallel_loop3A_41 : vector<16xi32> to vector<16xi32>
        %parallel_loop3A_43 = arith.index_cast %parallel_loop3A_39 : i32 to index
        %parallel_loop3A_44 = tpu.vector_load %arg13[%parallel_loop3A_43] {strides = array<i32>} : memref<512xi32, #tpu.memory_space<vmem>>, vector<16xi32>,
        %parallel_loop3A_45 = vector.shape_cast %parallel_loop3A_44 : vector<16xi32> to vector<16xi32>
        %parallel_loop3A_46 = vector.extract_strided_slice %parallel_loop3A_42 {offsets = [0], sizes = [1], strides = [1]} : vector<16xi32> to vector<1xi32>
        %parallel_loop3A_47 = vector.extract %parallel_loop3A_46[0] : i32 from vector<1xi32>
        %parallel_loop3A_48 = vector.extract_strided_slice %parallel_loop3A_45 {offsets = [0], sizes = [1], strides = [1]} : vector<16xi32> to vector<1xi32>
        %parallel_loop3A_49 = vector.extract %parallel_loop3A_48[0] : i32 from vector<1xi32>
        %parallel_loop3A_50 = arith.constant 16 : i32
        %parallel_loop3A_51 = arith.muli %parallel_loop3A_36, %parallel_loop3A_50 : i32
        %parallel_loop3A_52 = arith.constant 0 : i32
        %parallel_loop3A_53 = arith.addi %parallel_loop3A_51, %parallel_loop3A_52 : i32
        %parallel_loop3A_54 = arith.constant 0 : i32
        %parallel_loop3A_55 = tpu.memref_slice %arg14[%parallel_loop3A_53, %parallel_loop3A_54] : memref<128x32xf32, #tpu.memory_space<vmem>> -> memref<1x32xf32, #tpu.memory_space<vmem>>
        %parallel_loop3A_56 = tpu.memref_squeeze %parallel_loop3A_55 : memref<1x32xf32, #tpu.memory_space<vmem>> -> memref<32xf32, #tpu.memory_space<vmem>>
        %parallel_loop3A_57 = arith.constant 0 : i32
        %parallel_loop3A_58 = tpu.memref_slice %arg4[%parallel_loop3A_47, %parallel_loop3A_57] : memref<1000000x32xf32, #tpu.memory_space<hbm>> -> memref<1x32xf32, #tpu.memory_space<hbm>>
        %parallel_loop3A_59 = tpu.memref_squeeze %parallel_loop3A_58 : memref<1x32xf32, #tpu.memory_space<hbm>> -> memref<32xf32, #tpu.memory_space<hbm>>
        %parallel_loop3A_60 = arith.constant 0 : i32
        %parallel_loop3A_61 = tpu.memref_slice %arg14[%parallel_loop3A_53, %parallel_loop3A_60] : memref<128x32xf32, #tpu.memory_space<vmem>> -> memref<1x32xf32, #tpu.memory_space<vmem>>
        %parallel_loop3A_62 = tpu.memref_squeeze %parallel_loop3A_61 : memref<1x32xf32, #tpu.memory_space<vmem>> -> memref<32xf32, #tpu.memory_space<vmem>>
        %parallel_loop3A_63 = arith.constant 0 : i32
        %parallel_loop3A_64 = tpu.memref_slice %arg4[%parallel_loop3A_47, %parallel_loop3A_63] : memref<1000000x32xf32, #tpu.memory_space<hbm>> -> memref<1x32xf32, #tpu.memory_space<hbm>>
        %parallel_loop3A_65 = tpu.memref_squeeze %parallel_loop3A_64 : memref<1x32xf32, #tpu.memory_space<hbm>> -> memref<32xf32, #tpu.memory_space<hbm>>
        tpu.enqueue_dma source(%parallel_loop3A_65 : memref<32xf32, #tpu.memory_space<hbm>>) target(%parallel_loop3A_62 : memref<32xf32, #tpu.memory_space<vmem>>) target_semaphore(%arg18 : memref<!tpu.dma_semaphore, #tpu.memory_space<semaphore_mem>>)
        %parallel_loop3A_66 = arith.constant 0 : i32
        %parallel_loop3A_67 = tpu.memref_slice %arg16[%parallel_loop3A_53, %parallel_loop3A_66] : memref<128x32xf32, #tpu.memory_space<vmem>> -> memref<1x32xf32, #tpu.memory_space<vmem>>
        %parallel_loop3A_68 = tpu.memref_squeeze %parallel_loop3A_67 : memref<1x32xf32, #tpu.memory_space<vmem>> -> memref<32xf32, #tpu.memory_space<vmem>>
        %parallel_loop3A_69 = arith.constant 0 : i32
        %parallel_loop3A_70 = tpu.memref_slice %arg6[%parallel_loop3A_47, %parallel_loop3A_69] : memref<1000000x32xf32, #tpu.memory_space<hbm>> -> memref<1x32xf32, #tpu.memory_space<hbm>>
        %parallel_loop3A_71 = tpu.memref_squeeze %parallel_loop3A_70 : memref<1x32xf32, #tpu.memory_space<hbm>> -> memref<32xf32, #tpu.memory_space<hbm>>
        %parallel_loop3A_72 = arith.constant 0 : i32
        %parallel_loop3A_73 = tpu.memref_slice %arg16[%parallel_loop3A_53, %parallel_loop3A_72] : memref<128x32xf32, #tpu.memory_space<vmem>> -> memref<1x32xf32, #tpu.memory_space<vmem>>
        %parallel_loop3A_74 = tpu.memref_squeeze %parallel_loop3A_73 : memref<1x32xf32, #tpu.memory_space<vmem>> -> memref<32xf32, #tpu.memory_space<vmem>>
        %parallel_loop3A_75 = arith.constant 0 : i32
        %parallel_loop3A_76 = tpu.memref_slice %arg6[%parallel_loop3A_47, %parallel_loop3A_75] : memref<1000000x32xf32, #tpu.memory_space<hbm>> -> memref<1x32xf32, #tpu.memory_space<hbm>>
        %parallel_loop3A_77 = tpu.memref_squeeze %parallel_loop3A_76 : memref<1x32xf32, #tpu.memory_space<hbm>> -> memref<32xf32, #tpu.memory_space<hbm>>
        tpu.enqueue_dma source(%parallel_loop3A_77 : memref<32xf32, #tpu.memory_space<hbm>>) target(%parallel_loop3A_74 : memref<32xf32, #tpu.memory_space<vmem>>) target_semaphore(%arg18 : memref<!tpu.dma_semaphore, #tpu.memory_space<semaphore_mem>>)
        %parallel_loop3A_78 = arith.constant 0 : i32
        %parallel_loop3A_79 = tpu.memref_slice %arg15[%parallel_loop3A_53, %parallel_loop3A_78] : memref<128x32xf32, #tpu.memory_space<vmem>> -> memref<1x32xf32, #tpu.memory_space<vmem>>
        %parallel_loop3A_80 = tpu.memref_squeeze %parallel_loop3A_79 : memref<1x32xf32, #tpu.memory_space<vmem>> -> memref<32xf32, #tpu.memory_space<vmem>>
        %parallel_loop3A_81 = arith.constant 0 : i32
        %parallel_loop3A_82 = tpu.memref_slice %arg5[%parallel_loop3A_49, %parallel_loop3A_81] : memref<1000000x32xf32, #tpu.memory_space<hbm>> -> memref<1x32xf32, #tpu.memory_space<hbm>>
        %parallel_loop3A_83 = tpu.memref_squeeze %parallel_loop3A_82 : memref<1x32xf32, #tpu.memory_space<hbm>> -> memref<32xf32, #tpu.memory_space<hbm>>
        %parallel_loop3A_84 = arith.constant 0 : i32
        %parallel_loop3A_85 = tpu.memref_slice %arg15[%parallel_loop3A_53, %parallel_loop3A_84] : memref<128x32xf32, #tpu.memory_space<vmem>> -> memref<1x32xf32, #tpu.memory_space<vmem>>
        %parallel_loop3A_86 = tpu.memref_squeeze %parallel_loop3A_85 : memref<1x32xf32, #tpu.memory_space<vmem>> -> memref<32xf32, #tpu.memory_space<vmem>>
        %parallel_loop3A_87 = arith.constant 0 : i32
        %parallel_loop3A_88 = tpu.memref_slice %arg5[%parallel_loop3A_49, %parallel_loop3A_87] : memref<1000000x32xf32, #tpu.memory_space<hbm>> -> memref<1x32xf32, #tpu.memory_space<hbm>>
        %parallel_loop3A_89 = tpu.memref_squeeze %parallel_loop3A_88 : memref<1x32xf32, #tpu.memory_space<hbm>> -> memref<32xf32, #tpu.memory_space<hbm>>
        tpu.enqueue_dma source(%parallel_loop3A_89 : memref<32xf32, #tpu.memory_space<hbm>>) target(%parallel_loop3A_86 : memref<32xf32, #tpu.memory_space<vmem>>) target_semaphore(%arg18 : memref<!tpu.dma_semaphore, #tpu.memory_space<semaphore_mem>>)
        %parallel_loop3A_90 = arith.constant 0 : i32
        %parallel_loop3A_91 = tpu.memref_slice %arg17[%parallel_loop3A_53, %parallel_loop3A_90] : memref<128x32xf32, #tpu.memory_space<vmem>> -> memref<1x32xf32, #tpu.memory_space<vmem>>
        %parallel_loop3A_92 = tpu.memref_squeeze %parallel_loop3A_91 : memref<1x32xf32, #tpu.memory_space<vmem>> -> memref<32xf32, #tpu.memory_space<vmem>>
        %parallel_loop3A_93 = arith.constant 0 : i32
        %parallel_loop3A_94 = tpu.memref_slice %arg7[%parallel_loop3A_49, %parallel_loop3A_93] : memref<1000000x32xf32, #tpu.memory_space<hbm>> -> memref<1x32xf32, #tpu.memory_space<hbm>>
        %parallel_loop3A_95 = tpu.memref_squeeze %parallel_loop3A_94 : memref<1x32xf32, #tpu.memory_space<hbm>> -> memref<32xf32, #tpu.memory_space<hbm>>
        %parallel_loop3A_96 = arith.constant 0 : i32
        %parallel_loop3A_97 = tpu.memref_slice %arg17[%parallel_loop3A_53, %parallel_loop3A_96] : memref<128x32xf32, #tpu.memory_space<vmem>> -> memref<1x32xf32, #tpu.memory_space<vmem>>
        %parallel_loop3A_98 = tpu.memref_squeeze %parallel_loop3A_97 : memref<1x32xf32, #tpu.memory_space<vmem>> -> memref<32xf32, #tpu.memory_space<vmem>>
        %parallel_loop3A_99 = arith.constant 0 : i32
        %parallel_loop3A_100 = tpu.memref_slice %arg7[%parallel_loop3A_49, %parallel_loop3A_99] : memref<1000000x32xf32, #tpu.memory_space<hbm>> -> memref<1x32xf32, #tpu.memory_space<hbm>>
        %parallel_loop3A_101 = tpu.memref_squeeze %parallel_loop3A_100 : memref<1x32xf32, #tpu.memory_space<hbm>> -> memref<32xf32, #tpu.memory_space<hbm>>
        tpu.enqueue_dma source(%parallel_loop3A_101 : memref<32xf32, #tpu.memory_space<hbm>>) target(%parallel_loop3A_98 : memref<32xf32, #tpu.memory_space<vmem>>) target_semaphore(%arg18 : memref<!tpu.dma_semaphore, #tpu.memory_space<semaphore_mem>>)
        %parallel_loop3A_102 = vector.extract_strided_slice %parallel_loop3A_42 {offsets = [1], sizes = [1], strides = [1]} : vector<16xi32> to vector<1xi32>
        %parallel_loop3A_103 = vector.extract %parallel_loop3A_102[0] : i32 from vector<1xi32>
        %parallel_loop3A_104 = vector.extract_strided_slice %parallel_loop3A_45 {offsets = [1], sizes = [1], strides = [1]} : vector<16xi32> to vector<1xi32>
        %parallel_loop3A_105 = vector.extract %parallel_loop3A_104[0] : i32 from vector<1xi32>
        %parallel_loop3A_106 = arith.constant 16 : i32
        %parallel_loop3A_107 = arith.muli %parallel_loop3A_36, %parallel_loop3A_106 : i32
        %parallel_loop3A_108 = arith.constant 1 : i32
        %parallel_loop3A_109 = arith.addi %parallel_loop3A_107, %parallel_loop3A_108 : i32
        %parallel_loop3A_110 = arith.constant 0 : i32
        %parallel_loop3A_111 = tpu.memref_slice %arg14[%parallel_loop3A_109, %parallel_loop3A_110] : memref<128x32xf32, #tpu.memory_space<vmem>> -> memref<1x32xf32, #tpu.memory_space<vmem>>
        %parallel_loop3A_112 = tpu.memref_squeeze %parallel_loop3A_111 : memref<1x32xf32, #tpu.memory_space<vmem>> -> memref<32xf32, #tpu.memory_space<vmem>>
        %parallel_loop3A_113 = arith.constant 0 : i32
        %parallel_loop3A_114 = tpu.memref_slice %arg4[%parallel_loop3A_103, %parallel_loop3A_113] : memref<1000000x32xf32, #tpu.memory_space<hbm>> -> memref<1x32xf32, #tpu.memory_space<hbm>>
        %parallel_loop3A_115 = tpu.memref_squeeze %parallel_loop3A_114 : memref<1x32xf32, #tpu.memory_space<hbm>> -> memref<32xf32, #tpu.memory_space<hbm>>
        %parallel_loop3A_116 = arith.constant 0 : i32
        %parallel_loop3A_117 = tpu.memref_slice %arg14[%parallel_loop3A_109, %parallel_loop3A_116] : memref<128x32xf32, #tpu.memory_space<vmem>> -> memref<1x32xf32, #tpu.memory_space<vmem>>
        %parallel_loop3A_118 = tpu.memref_squeeze %parallel_loop3A_117 : memref<1x32xf32, #tpu.memory_space<vmem>> -> memref<32xf32, #tpu.memory_space<vmem>>
        %parallel_loop3A_119 = arith.constant 0 : i32
        %parallel_loop3A_120 = tpu.memref_slice %arg4[%parallel_loop3A_103, %parallel_loop3A_119] : memref<1000000x32xf32, #tpu.memory_space<hbm>> -> memref<1x32xf32, #tpu.memory_space<hbm>>
        %parallel_loop3A_121 = tpu.memref_squeeze %parallel_loop3A_120 : memref<1x32xf32, #tpu.memory_space<hbm>> -> memref<32xf32, #tpu.memory_space<hbm>>
        tpu.enqueue_dma source(%parallel_loop3A_121 : memref<32xf32, #tpu.memory_space<hbm>>) target(%parallel_loop3A_118 : memref<32xf32, #tpu.memory_space<vmem>>) target_semaphore(%arg18 : memref<!tpu.dma_semaphore, #tpu.memory_space<semaphore_mem>>)
        %parallel_loop3A_122 = arith.constant 0 : i32
        %parallel_loop3A_123 = tpu.memref_slice %arg16[%parallel_loop3A_109, %parallel_loop3A_122] : memref<128x32xf32, #tpu.memory_space<vmem>> -> memref<1x32xf32, #tpu.memory_space<vmem>>
        %parallel_loop3A_124 = tpu.memref_squeeze %parallel_loop3A_123 : memref<1x32xf32, #tpu.memory_space<vmem>> -> memref<32xf32, #tpu.memory_space<vmem>>
        %parallel_loop3A_125 = arith.constant 0 : i32
        %parallel_loop3A_126 = tpu.memref_slice %arg6[%parallel_loop3A_103, %parallel_loop3A_125] : memref<1000000x32xf32, #tpu.memory_space<hbm>> -> memref<1x32xf32, #tpu.memory_space<hbm>>
        %parallel_loop3A_127 = tpu.memref_squeeze %parallel_loop3A_126 : memref<1x32xf32, #tpu.memory_space<hbm>> -> memref<32xf32, #tpu.memory_space<hbm>>
        %parallel_loop3A_128 = arith.constant 0 : i32
        %parallel_loop3A_129 = tpu.memref_slice %arg16[%parallel_loop3A_109, %parallel_loop3A_128] : memref<128x32xf32, #tpu.memory_space<vmem>> -> memref<1x32xf32, #tpu.memory_space<vmem>>
        %parallel_loop3A_130 = tpu.memref_squeeze %parallel_loop3A_129 : memref<1x32xf32, #tpu.memory_space<vmem>> -> memref<32xf32, #tpu.memory_space<vmem>>
        %parallel_loop3A_131 = arith.constant 0 : i32
        %parallel_loop3A_132 = tpu.memref_slice %arg6[%parallel_loop3A_103, %parallel_loop3A_131] : memref<1000000x32xf32, #tpu.memory_space<hbm>> -> memref<1x32xf32, #tpu.memory_space<hbm>>
        %parallel_loop3A_133 = tpu.memref_squeeze %parallel_loop3A_132 : memref<1x32xf32, #tpu.memory_space<hbm>> -> memref<32xf32, #tpu.memory_space<hbm>>
        tpu.enqueue_dma source(%parallel_loop3A_133 : memref<32xf32, #tpu.memory_space<hbm>>) target(%parallel_loop3A_130 : memref<32xf32, #tpu.memory_space<vmem>>) target_semaphore(%arg18 : memref<!tpu.dma_semaphore, #tpu.memory_space<semaphore_mem>>)
        %parallel_loop3A_134 = arith.constant 0 : i32
        %parallel_loop3A_135 = tpu.memref_slice %arg15[%parallel_loop3A_109, %parallel_loop3A_134] : memref<128x32xf32, #tpu.memory_space<vmem>> -> memref<1x32xf32, #tpu.memory_space<vmem>>
        %parallel_loop3A_136 = tpu.memref_squeeze %parallel_loop3A_135 : memref<1x32xf32, #tpu.memory_space<vmem>> -> memref<32xf32, #tpu.memory_space<vmem>>
        %parallel_loop3A_137 = arith.constant 0 : i32
        %parallel_loop3A_138 = tpu.memref_slice %arg5[%parallel_loop3A_105, %parallel_loop3A_137] : memref<1000000x32xf32, #tpu.memory_space<hbm>> -> memref<1x32xf32, #tpu.memory_space<hbm>>
        %parallel_loop3A_139 = tpu.memref_squeeze %parallel_loop3A_138 : memref<1x32xf32, #tpu.memory_space<hbm>> -> memref<32xf32, #tpu.memory_space<hbm>>
        %parallel_loop3A_140 = arith.constant 0 : i32
        %parallel_loop3A_141 = tpu.memref_slice %arg15[%parallel_loop3A_109, %parallel_loop3A_140] : memref<128x32xf32, #tpu.memory_space<vmem>> -> memref<1x32xf32, #tpu.memory_space<vmem>>
        %parallel_loop3A_142 = tpu.memref_squeeze %parallel_loop3A_141 : memref<1x32xf32, #tpu.memory_space<vmem>> -> memref<32xf32, #tpu.memory_space<vmem>>
        %parallel_loop3A_143 = arith.constant 0 : i32
        %parallel_loop3A_144 = tpu.memref_slice %arg5[%parallel_loop3A_105, %parallel_loop3A_143] : memref<1000000x32xf32, #tpu.memory_space<hbm>> -> memref<1x32xf32, #tpu.memory_space<hbm>>
        %parallel_loop3A_145 = tpu.memref_squeeze %parallel_loop3A_144 : memref<1x32xf32, #tpu.memory_space<hbm>> -> memref<32xf32, #tpu.memory_space<hbm>>
        tpu.enqueue_dma source(%parallel_loop3A_145 : memref<32xf32, #tpu.memory_space<hbm>>) target(%parallel_loop3A_142 : memref<32xf32, #tpu.memory_space<vmem>>) target_semaphore(%arg18 : memref<!tpu.dma_semaphore, #tpu.memory_space<semaphore_mem>>)
        %parallel_loop3A_146 = arith.constant 0 : i32
        %parallel_loop3A_147 = tpu.memref_slice %arg17[%parallel_loop3A_109, %parallel_loop3A_146] : memref<128x32xf32, #tpu.memory_space<vmem>> -> memref<1x32xf32, #tpu.memory_space<vmem>>
        %parallel_loop3A_148 = tpu.memref_squeeze %parallel_loop3A_147 : memref<1x32xf32, #tpu.memory_space<vmem>> -> memref<32xf32, #tpu.memory_space<vmem>>
        %parallel_loop3A_149 = arith.constant 0 : i32
        %parallel_loop3A_150 = tpu.memref_slice %arg7[%parallel_loop3A_105, %parallel_loop3A_149] : memref<1000000x32xf32, #tpu.memory_space<hbm>> -> memref<1x32xf32, #tpu.memory_space<hbm>>
        %parallel_loop3A_151 = tpu.memref_squeeze %parallel_loop3A_150 : memref<1x32xf32, #tpu.memory_space<hbm>> -> memref<32xf32, #tpu.memory_space<hbm>>
        %parallel_loop3A_152 = arith.constant 0 : i32
        %parallel_loop3A_153 = tpu.memref_slice %arg17[%parallel_loop3A_109, %parallel_loop3A_152] : memref<128x32xf32, #tpu.memory_space<vmem>> -> memref<1x32xf32, #tpu.memory_space<vmem>>
        %parallel_loop3A_154 = tpu.memref_squeeze %parallel_loop3A_153 : memref<1x32xf32, #tpu.memory_space<vmem>> -> memref<32xf32, #tpu.memory_space<vmem>>
        %parallel_loop3A_155 = arith.constant 0 : i32
        %parallel_loop3A_156 = tpu.memref_slice %arg7[%parallel_loop3A_105, %parallel_loop3A_155] : memref<1000000x32xf32, #tpu.memory_space<hbm>> -> memref<1x32xf32, #tpu.memory_space<hbm>>
        %parallel_loop3A_157 = tpu.memref_squeeze %parallel_loop3A_156 : memref<1x32xf32, #tpu.memory_space<hbm>> -> memref<32xf32, #tpu.memory_space<hbm>>
        tpu.enqueue_dma source(%parallel_loop3A_157 : memref<32xf32, #tpu.memory_space<hbm>>) target(%parallel_loop3A_154 : memref<32xf32, #tpu.memory_space<vmem>>) target_semaphore(%arg18 : memref<!tpu.dma_semaphore, #tpu.memory_space<semaphore_mem>>)
        %parallel_loop3A_158 = vector.extract_strided_slice %parallel_loop3A_42 {offsets = [2], sizes = [1], strides = [1]} : vector<16xi32> to vector<1xi32>
        %parallel_loop3A_159 = vector.extract %parallel_loop3A_158[0] : i32 from vector<1xi32>
        %parallel_loop3A_160 = vector.extract_strided_slice %parallel_loop3A_45 {offsets = [2], sizes = [1], strides = [1]} : vector<16xi32> to vector<1xi32>
        %parallel_loop3A_161 = vector.extract %parallel_loop3A_160[0] : i32 from vector<1xi32>
        %parallel_loop3A_162 = arith.constant 16 : i32
        %parallel_loop3A_163 = arith.muli %parallel_loop3A_36, %parallel_loop3A_162 : i32
        %parallel_loop3A_164 = arith.constant 2 : i32
        %parallel_loop3A_165 = arith.addi %parallel_loop3A_163, %parallel_loop3A_164 : i32
        %parallel_loop3A_166 = arith.constant 0 : i32
        %parallel_loop3A_167 = tpu.memref_slice %arg14[%parallel_loop3A_165, %parallel_loop3A_166] : memref<128x32xf32, #tpu.memory_space<vmem>> -> memref<1x32xf32, #tpu.memory_space<vmem>>
        %parallel_loop3A_168 = tpu.memref_squeeze %parallel_loop3A_167 : memref<1x32xf32, #tpu.memory_space<vmem>> -> memref<32xf32, #tpu.memory_space<vmem>>
        %parallel_loop3A_169 = arith.constant 0 : i32
        %parallel_loop3A_170 = tpu.memref_slice %arg4[%parallel_loop3A_159, %parallel_loop3A_169] : memref<1000000x32xf32, #tpu.memory_space<hbm>> -> memref<1x32xf32, #tpu.memory_space<hbm>>
        %parallel_loop3A_171 = tpu.memref_squeeze %parallel_loop3A_170 : memref<1x32xf32, #tpu.memory_space<hbm>> -> memref<32xf32, #tpu.memory_space<hbm>>
        %parallel_loop3A_172 = arith.constant 0 : i32
        %parallel_loop3A_173 = tpu.memref_slice %arg14[%parallel_loop3A_165, %parallel_loop3A_172] : memref<128x32xf32, #tpu.memory_space<vmem>> -> memref<1x32xf32, #tpu.memory_space<vmem>>
        %parallel_loop3A_174 = tpu.memref_squeeze %parallel_loop3A_173 : memref<1x32xf32, #tpu.memory_space<vmem>> -> memref<32xf32, #tpu.memory_space<vmem>>
        %parallel_loop3A_175 = arith.constant 0 : i32
        %parallel_loop3A_176 = tpu.memref_slice %arg4[%parallel_loop3A_159, %parallel_loop3A_175] : memref<1000000x32xf32, #tpu.memory_space<hbm>> -> memref<1x32xf32, #tpu.memory_space<hbm>>
        %parallel_loop3A_177 = tpu.memref_squeeze %parallel_loop3A_176 : memref<1x32xf32, #tpu.memory_space<hbm>> -> memref<32xf32, #tpu.memory_space<hbm>>
        tpu.enqueue_dma source(%parallel_loop3A_177 : memref<32xf32, #tpu.memory_space<hbm>>) target(%parallel_loop3A_174 : memref<32xf32, #tpu.memory_space<vmem>>) target_semaphore(%arg18 : memref<!tpu.dma_semaphore, #tpu.memory_space<semaphore_mem>>)
        %parallel_loop3A_178 = arith.constant 0 : i32
        %parallel_loop3A_179 = tpu.memref_slice %arg16[%parallel_loop3A_165, %parallel_loop3A_178] : memref<128x32xf32, #tpu.memory_space<vmem>> -> memref<1x32xf32, #tpu.memory_space<vmem>>
        %parallel_loop3A_180 = tpu.memref_squeeze %parallel_loop3A_179 : memref<1x32xf32, #tpu.memory_space<vmem>> -> memref<32xf32, #tpu.memory_space<vmem>>
        %parallel_loop3A_181 = arith.constant 0 : i32
        %parallel_loop3A_182 = tpu.memref_slice %arg6[%parallel_loop3A_159, %parallel_loop3A_181] : memref<1000000x32xf32, #tpu.memory_space<hbm>> -> memref<1x32xf32, #tpu.memory_space<hbm>>
        %parallel_loop3A_183 = tpu.memref_squeeze %parallel_loop3A_182 : memref<1x32xf32, #tpu.memory_space<hbm>> -> memref<32xf32, #tpu.memory_space<hbm>>
        %parallel_loop3A_184 = arith.constant 0 : i32
        %parallel_loop3A_185 = tpu.memref_slice %arg16[%parallel_loop3A_165, %parallel_loop3A_184] : memref<128x32xf32, #tpu.memory_space<vmem>> -> memref<1x32xf32, #tpu.memory_space<vmem>>
        %parallel_loop3A_186 = tpu.memref_squeeze %parallel_loop3A_185 : memref<1x32xf32, #tpu.memory_space<vmem>> -> memref<32xf32, #tpu.memory_space<vmem>>
        %parallel_loop3A_187 = arith.constant 0 : i32
        %parallel_loop3A_188 = tpu.memref_slice %arg6[%parallel_loop3A_159, %parallel_loop3A_187] : memref<1000000x32xf32, #tpu.memory_space<hbm>> -> memref<1x32xf32, #tpu.memory_space<hbm>>
        %parallel_loop3A_189 = tpu.memref_squeeze %parallel_loop3A_188 : memref<1x32xf32, #tpu.memory_space<hbm>> -> memref<32xf32, #tpu.memory_space<hbm>>
        tpu.enqueue_dma source(%parallel_loop3A_189 : memref<32xf32, #tpu.memory_space<hbm>>) target(%parallel_loop3A_186 : memref<32xf32, #tpu.memory_space<vmem>>) target_semaphore(%arg18 : memref<!tpu.dma_semaphore, #tpu.memory_space<semaphore_mem>>)
        %parallel_loop3A_190 = arith.constant 0 : i32
        %parallel_loop3A_191 = tpu.memref_slice %arg15[%parallel_loop3A_165, %parallel_loop3A_190] : memref<128x32xf32, #tpu.memory_space<vmem>> -> memref<1x32xf32, #tpu.memory_space<vmem>>
        %parallel_loop3A_192 = tpu.memref_squeeze %parallel_loop3A_191 : memref<1x32xf32, #tpu.memory_space<vmem>> -> memref<32xf32, #tpu.memory_space<vmem>>
        %parallel_loop3A_193 = arith.constant 0 : i32
        %parallel_loop3A_194 = tpu.memref_slice %arg5[%parallel_loop3A_161, %parallel_loop3A_193] : memref<1000000x32xf32, #tpu.memory_space<hbm>> -> memref<1x32xf32, #tpu.memory_space<hbm>>
        %parallel_loop3A_195 = tpu.memref_squeeze %parallel_loop3A_194 : memref<1x32xf32, #tpu.memory_space<hbm>> -> memref<32xf32, #tpu.memory_space<hbm>>
        %parallel_loop3A_196 = arith.constant 0 : i32
        %parallel_loop3A_197 = tpu.memref_slice %arg15[%parallel_loop3A_165, %parallel_loop3A_196] : memref<128x32xf32, #tpu.memory_space<vmem>> -> memref<1x32xf32, #tpu.memory_space<vmem>>
        %parallel_loop3A_198 = tpu.memref_squeeze %parallel_loop3A_197 : memref<1x32xf32, #tpu.memory_space<vmem>> -> memref<32xf32, #tpu.memory_space<vmem>>
        %parallel_loop3A_199 = arith.constant 0 : i32
        %parallel_loop3A_200 = tpu.memref_slice %arg5[%parallel_loop3A_161, %parallel_loop3A_199] : memref<1000000x32xf32, #tpu.memory_space<hbm>> -> memref<1x32xf32, #tpu.memory_space<hbm>>
        %parallel_loop3A_201 = tpu.memref_squeeze %parallel_loop3A_200 : memref<1x32xf32, #tpu.memory_space<hbm>> -> memref<32xf32, #tpu.memory_space<hbm>>
        tpu.enqueue_dma source(%parallel_loop3A_201 : memref<32xf32, #tpu.memory_space<hbm>>) target(%parallel_loop3A_198 : memref<32xf32, #tpu.memory_space<vmem>>) target_semaphore(%arg18 : memref<!tpu.dma_semaphore, #tpu.memory_space<semaphore_mem>>)
        %parallel_loop3A_202 = arith.constant 0 : i32
        %parallel_loop3A_203 = tpu.memref_slice %arg17[%parallel_loop3A_165, %parallel_loop3A_202] : memref<128x32xf32, #tpu.memory_space<vmem>> -> memref<1x32xf32, #tpu.memory_space<vmem>>
        %parallel_loop3A_204 = tpu.memref_squeeze %parallel_loop3A_203 : memref<1x32xf32, #tpu.memory_space<vmem>> -> memref<32xf32, #tpu.memory_space<vmem>>
        %parallel_loop3A_205 = arith.constant 0 : i32
        %parallel_loop3A_206 = tpu.memref_slice %arg7[%parallel_loop3A_161, %parallel_loop3A_205] : memref<1000000x32xf32, #tpu.memory_space<hbm>> -> memref<1x32xf32, #tpu.memory_space<hbm>>
        %parallel_loop3A_207 = tpu.memref_squeeze %parallel_loop3A_206 : memref<1x32xf32, #tpu.memory_space<hbm>> -> memref<32xf32, #tpu.memory_space<hbm>>
        %parallel_loop3A_208 = arith.constant 0 : i32
        %parallel_loop3A_209 = tpu.memref_slice %arg17[%parallel_loop3A_165, %parallel_loop3A_208] : memref<128x32xf32, #tpu.memory_space<vmem>> -> memref<1x32xf32, #tpu.memory_space<vmem>>
        %parallel_loop3A_210 = tpu.memref_squeeze %parallel_loop3A_209 : memref<1x32xf32, #tpu.memory_space<vmem>> -> memref<32xf32, #tpu.memory_space<vmem>>
        %parallel_loop3A_211 = arith.constant 0 : i32
        %parallel_loop3A_212 = tpu.memref_slice %arg7[%parallel_loop3A_161, %parallel_loop3A_211] : memref<1000000x32xf32, #tpu.memory_space<hbm>> -> memref<1x32xf32, #tpu.memory_space<hbm>>
        %parallel_loop3A_213 = tpu.memref_squeeze %parallel_loop3A_212 : memref<1x32xf32, #tpu.memory_space<hbm>> -> memref<32xf32, #tpu.memory_space<hbm>>
        tpu.enqueue_dma source(%parallel_loop3A_213 : memref<32xf32, #tpu.memory_space<hbm>>) target(%parallel_loop3A_210 : memref<32xf32, #tpu.memory_space<vmem>>) target_semaphore(%arg18 : memref<!tpu.dma_semaphore, #tpu.memory_space<semaphore_mem>>)
        %parallel_loop3A_214 = vector.extract_strided_slice %parallel_loop3A_42 {offsets = [3], sizes = [1], strides = [1]} : vector<16xi32> to vector<1xi32>
        %parallel_loop3A_215 = vector.extract %parallel_loop3A_214[0] : i32 from vector<1xi32>
        %parallel_loop3A_216 = vector.extract_strided_slice %parallel_loop3A_45 {offsets = [3], sizes = [1], strides = [1]} : vector<16xi32> to vector<1xi32>
        %parallel_loop3A_217 = vector.extract %parallel_loop3A_216[0] : i32 from vector<1xi32>
        %parallel_loop3A_218 = arith.constant 16 : i32
        %parallel_loop3A_219 = arith.muli %parallel_loop3A_36, %parallel_loop3A_218 : i32
        %parallel_loop3A_220 = arith.constant 3 : i32
        %parallel_loop3A_221 = arith.addi %parallel_loop3A_219, %parallel_loop3A_220 : i32
        %parallel_loop3A_222 = arith.constant 0 : i32
        %parallel_loop3A_223 = tpu.memref_slice %arg14[%parallel_loop3A_221, %parallel_loop3A_222] : memref<128x32xf32, #tpu.memory_space<vmem>> -> memref<1x32xf32, #tpu.memory_space<vmem>>
        %parallel_loop3A_224 = tpu.memref_squeeze %parallel_loop3A_223 : memref<1x32xf32, #tpu.memory_space<vmem>> -> memref<32xf32, #tpu.memory_space<vmem>>
        %parallel_loop3A_225 = arith.constant 0 : i32
        %parallel_loop3A_226 = tpu.memref_slice %arg4[%parallel_loop3A_215, %parallel_loop3A_225] : memref<1000000x32xf32, #tpu.memory_space<hbm>> -> memref<1x32xf32, #tpu.memory_space<hbm>>
        %parallel_loop3A_227 = tpu.memref_squeeze %parallel_loop3A_226 : memref<1x32xf32, #tpu.memory_space<hbm>> -> memref<32xf32, #tpu.memory_space<hbm>>
        %parallel_loop3A_228 = arith.constant 0 : i32
        %parallel_loop3A_229 = tpu.memref_slice %arg14[%parallel_loop3A_221, %parallel_loop3A_228] : memref<128x32xf32, #tpu.memory_space<vmem>> -> memref<1x32xf32, #tpu.memory_space<vmem>>
        %parallel_loop3A_230 = tpu.memref_squeeze %parallel_loop3A_229 : memref<1x32xf32, #tpu.memory_space<vmem>> -> memref<32xf32, #tpu.memory_space<vmem>>
        %parallel_loop3A_231 = arith.constant 0 : i32
        %parallel_loop3A_232 = tpu.memref_slice %arg4[%parallel_loop3A_215, %parallel_loop3A_231] : memref<1000000x32xf32, #tpu.memory_space<hbm>> -> memref<1x32xf32, #tpu.memory_space<hbm>>
        %parallel_loop3A_233 = tpu.memref_squeeze %parallel_loop3A_232 : memref<1x32xf32, #tpu.memory_space<hbm>> -> memref<32xf32, #tpu.memory_space<hbm>>
        tpu.enqueue_dma source(%parallel_loop3A_233 : memref<32xf32, #tpu.memory_space<hbm>>) target(%parallel_loop3A_230 : memref<32xf32, #tpu.memory_space<vmem>>) target_semaphore(%arg18 : memref<!tpu.dma_semaphore, #tpu.memory_space<semaphore_mem>>)
        %parallel_loop3A_234 = arith.constant 0 : i32
        %parallel_loop3A_235 = tpu.memref_slice %arg16[%parallel_loop3A_221, %parallel_loop3A_234] : memref<128x32xf32, #tpu.memory_space<vmem>> -> memref<1x32xf32, #tpu.memory_space<vmem>>
        %parallel_loop3A_236 = tpu.memref_squeeze %parallel_loop3A_235 : memref<1x32xf32, #tpu.memory_space<vmem>> -> memref<32xf32, #tpu.memory_space<vmem>>
        %parallel_loop3A_237 = arith.constant 0 : i32
        %parallel_loop3A_238 = tpu.memref_slice %arg6[%parallel_loop3A_215, %parallel_loop3A_237] : memref<1000000x32xf32, #tpu.memory_space<hbm>> -> memref<1x32xf32, #tpu.memory_space<hbm>>
        %parallel_loop3A_239 = tpu.memref_squeeze %parallel_loop3A_238 : memref<1x32xf32, #tpu.memory_space<hbm>> -> memref<32xf32, #tpu.memory_space<hbm>>
        %parallel_loop3A_240 = arith.constant 0 : i32
        %parallel_loop3A_241 = tpu.memref_slice %arg16[%parallel_loop3A_221, %parallel_loop3A_240] : memref<128x32xf32, #tpu.memory_space<vmem>> -> memref<1x32xf32, #tpu.memory_space<vmem>>
        %parallel_loop3A_242 = tpu.memref_squeeze %parallel_loop3A_241 : memref<1x32xf32, #tpu.memory_space<vmem>> -> memref<32xf32, #tpu.memory_space<vmem>>
        %parallel_loop3A_243 = arith.constant 0 : i32
        %parallel_loop3A_244 = tpu.memref_slice %arg6[%parallel_loop3A_215, %parallel_loop3A_243] : memref<1000000x32xf32, #tpu.memory_space<hbm>> -> memref<1x32xf32, #tpu.memory_space<hbm>>
        %parallel_loop3A_245 = tpu.memref_squeeze %parallel_loop3A_244 : memref<1x32xf32, #tpu.memory_space<hbm>> -> memref<32xf32, #tpu.memory_space<hbm>>
        tpu.enqueue_dma source(%parallel_loop3A_245 : memref<32xf32, #tpu.memory_space<hbm>>) target(%parallel_loop3A_242 : memref<32xf32, #tpu.memory_space<vmem>>) target_semaphore(%arg18 : memref<!tpu.dma_semaphore, #tpu.memory_space<semaphore_mem>>)
        %parallel_loop3A_246 = arith.constant 0 : i32
        %parallel_loop3A_247 = tpu.memref_slice %arg15[%parallel_loop3A_221, %parallel_loop3A_246] : memref<128x32xf32, #tpu.memory_space<vmem>> -> memref<1x32xf32, #tpu.memory_space<vmem>>
        %parallel_loop3A_248 = tpu.memref_squeeze %parallel_loop3A_247 : memref<1x32xf32, #tpu.memory_space<vmem>> -> memref<32xf32, #tpu.memory_space<vmem>>
        %parallel_loop3A_249 = arith.constant 0 : i32
        %parallel_loop3A_250 = tpu.memref_slice %arg5[%parallel_loop3A_217, %parallel_loop3A_249] : memref<1000000x32xf32, #tpu.memory_space<hbm>> -> memref<1x32xf32, #tpu.memory_space<hbm>>
        %parallel_loop3A_251 = tpu.memref_squeeze %parallel_loop3A_250 : memref<1x32xf32, #tpu.memory_space<hbm>> -> memref<32xf32, #tpu.memory_space<hbm>>
        %parallel_loop3A_252 = arith.constant 0 : i32
        %parallel_loop3A_253 = tpu.memref_slice %arg15[%parallel_loop3A_221, %parallel_loop3A_252] : memref<128x32xf32, #tpu.memory_space<vmem>> -> memref<1x32xf32, #tpu.memory_space<vmem>>
        %parallel_loop3A_254 = tpu.memref_squeeze %parallel_loop3A_253 : memref<1x32xf32, #tpu.memory_space<vmem>> -> memref<32xf32, #tpu.memory_space<vmem>>
        %parallel_loop3A_255 = arith.constant 0 : i32
        %parallel_loop3A_256 = tpu.memref_slice %arg5[%parallel_loop3A_217, %parallel_loop3A_255] : memref<1000000x32xf32, #tpu.memory_space<hbm>> -> memref<1x32xf32, #tpu.memory_space<hbm>>
        %parallel_loop3A_257 = tpu.memref_squeeze %parallel_loop3A_256 : memref<1x32xf32, #tpu.memory_space<hbm>> -> memref<32xf32, #tpu.memory_space<hbm>>
        tpu.enqueue_dma source(%parallel_loop3A_257 : memref<32xf32, #tpu.memory_space<hbm>>) target(%parallel_loop3A_254 : memref<32xf32, #tpu.memory_space<vmem>>) target_semaphore(%arg18 : memref<!tpu.dma_semaphore, #tpu.memory_space<semaphore_mem>>)
        %parallel_loop3A_258 = arith.constant 0 : i32
        %parallel_loop3A_259 = tpu.memref_slice %arg17[%parallel_loop3A_221, %parallel_loop3A_258] : memref<128x32xf32, #tpu.memory_space<vmem>> -> memref<1x32xf32, #tpu.memory_space<vmem>>
        %parallel_loop3A_260 = tpu.memref_squeeze %parallel_loop3A_259 : memref<1x32xf32, #tpu.memory_space<vmem>> -> memref<32xf32, #tpu.memory_space<vmem>>
        %parallel_loop3A_261 = arith.constant 0 : i32
        %parallel_loop3A_262 = tpu.memref_slice %arg7[%parallel_loop3A_217, %parallel_loop3A_261] : memref<1000000x32xf32, #tpu.memory_space<hbm>> -> memref<1x32xf32, #tpu.memory_space<hbm>>
        %parallel_loop3A_263 = tpu.memref_squeeze %parallel_loop3A_262 : memref<1x32xf32, #tpu.memory_space<hbm>> -> memref<32xf32, #tpu.memory_space<hbm>>
        %parallel_loop3A_264 = arith.constant 0 : i32
        %parallel_loop3A_265 = tpu.memref_slice %arg17[%parallel_loop3A_221, %parallel_loop3A_264] : memref<128x32xf32, #tpu.memory_space<vmem>> -> memref<1x32xf32, #tpu.memory_space<vmem>>
        %parallel_loop3A_266 = tpu.memref_squeeze %parallel_loop3A_265 : memref<1x32xf32, #tpu.memory_space<vmem>> -> memref<32xf32, #tpu.memory_space<vmem>>
        %parallel_loop3A_267 = arith.constant 0 : i32
        %parallel_loop3A_268 = tpu.memref_slice %arg7[%parallel_loop3A_217, %parallel_loop3A_267] : memref<1000000x32xf32, #tpu.memory_space<hbm>> -> memref<1x32xf32, #tpu.memory_space<hbm>>
        %parallel_loop3A_269 = tpu.memref_squeeze %parallel_loop3A_268 : memref<1x32xf32, #tpu.memory_space<hbm>> -> memref<32xf32, #tpu.memory_space<hbm>>
        tpu.enqueue_dma source(%parallel_loop3A_269 : memref<32xf32, #tpu.memory_space<hbm>>) target(%parallel_loop3A_266 : memref<32xf32, #tpu.memory_space<vmem>>) target_semaphore(%arg18 : memref<!tpu.dma_semaphore, #tpu.memory_space<semaphore_mem>>)
        %parallel_loop3A_270 = vector.extract_strided_slice %parallel_loop3A_42 {offsets = [4], sizes = [1], strides = [1]} : vector<16xi32> to vector<1xi32>
        %parallel_loop3A_271 = vector.extract %parallel_loop3A_270[0] : i32 from vector<1xi32>
        %parallel_loop3A_272 = vector.extract_strided_slice %parallel_loop3A_45 {offsets = [4], sizes = [1], strides = [1]} : vector<16xi32> to vector<1xi32>
        %parallel_loop3A_273 = vector.extract %parallel_loop3A_272[0] : i32 from vector<1xi32>
        %parallel_loop3A_274 = arith.constant 16 : i32
        %parallel_loop3A_275 = arith.muli %parallel_loop3A_36, %parallel_loop3A_274 : i32
        %parallel_loop3A_276 = arith.constant 4 : i32
        %parallel_loop3A_277 = arith.addi %parallel_loop3A_275, %parallel_loop3A_276 : i32
        %parallel_loop3A_278 = arith.constant 0 : i32
        %parallel_loop3A_279 = tpu.memref_slice %arg14[%parallel_loop3A_277, %parallel_loop3A_278] : memref<128x32xf32, #tpu.memory_space<vmem>> -> memref<1x32xf32, #tpu.memory_space<vmem>>
        %parallel_loop3A_280 = tpu.memref_squeeze %parallel_loop3A_279 : memref<1x32xf32, #tpu.memory_space<vmem>> -> memref<32xf32, #tpu.memory_space<vmem>>
        %parallel_loop3A_281 = arith.constant 0 : i32
        %parallel_loop3A_282 = tpu.memref_slice %arg4[%parallel_loop3A_271, %parallel_loop3A_281] : memref<1000000x32xf32, #tpu.memory_space<hbm>> -> memref<1x32xf32, #tpu.memory_space<hbm>>
        %parallel_loop3A_283 = tpu.memref_squeeze %parallel_loop3A_282 : memref<1x32xf32, #tpu.memory_space<hbm>> -> memref<32xf32, #tpu.memory_space<hbm>>
        %parallel_loop3A_284 = arith.constant 0 : i32
        %parallel_loop3A_285 = tpu.memref_slice %arg14[%parallel_loop3A_277, %parallel_loop3A_284] : memref<128x32xf32, #tpu.memory_space<vmem>> -> memref<1x32xf32, #tpu.memory_space<vmem>>
        %parallel_loop3A_286 = tpu.memref_squeeze %parallel_loop3A_285 : memref<1x32xf32, #tpu.memory_space<vmem>> -> memref<32xf32, #tpu.memory_space<vmem>>
        %parallel_loop3A_287 = arith.constant 0 : i32
        %parallel_loop3A_288 = tpu.memref_slice %arg4[%parallel_loop3A_271, %parallel_loop3A_287] : memref<1000000x32xf32, #tpu.memory_space<hbm>> -> memref<1x32xf32, #tpu.memory_space<hbm>>
        %parallel_loop3A_289 = tpu.memref_squeeze %parallel_loop3A_288 : memref<1x32xf32, #tpu.memory_space<hbm>> -> memref<32xf32, #tpu.memory_space<hbm>>
        tpu.enqueue_dma source(%parallel_loop3A_289 : memref<32xf32, #tpu.memory_space<hbm>>) target(%parallel_loop3A_286 : memref<32xf32, #tpu.memory_space<vmem>>) target_semaphore(%arg18 : memref<!tpu.dma_semaphore, #tpu.memory_space<semaphore_mem>>)
        %parallel_loop3A_290 = arith.constant 0 : i32
        %parallel_loop3A_291 = tpu.memref_slice %arg16[%parallel_loop3A_277, %parallel_loop3A_290] : memref<128x32xf32, #tpu.memory_space<vmem>> -> memref<1x32xf32, #tpu.memory_space<vmem>>
        %parallel_loop3A_292 = tpu.memref_squeeze %parallel_loop3A_291 : memref<1x32xf32, #tpu.memory_space<vmem>> -> memref<32xf32, #tpu.memory_space<vmem>>
        %parallel_loop3A_293 = arith.constant 0 : i32
        %parallel_loop3A_294 = tpu.memref_slice %arg6[%parallel_loop3A_271, %parallel_loop3A_293] : memref<1000000x32xf32, #tpu.memory_space<hbm>> -> memref<1x32xf32, #tpu.memory_space<hbm>>
        %parallel_loop3A_295 = tpu.memref_squeeze %parallel_loop3A_294 : memref<1x32xf32, #tpu.memory_space<hbm>> -> memref<32xf32, #tpu.memory_space<hbm>>
        %parallel_loop3A_296 = arith.constant 0 : i32
        %parallel_loop3A_297 = tpu.memref_slice %arg16[%parallel_loop3A_277, %parallel_loop3A_296] : memref<128x32xf32, #tpu.memory_space<vmem>> -> memref<1x32xf32, #tpu.memory_space<vmem>>
        %parallel_loop3A_298 = tpu.memref_squeeze %parallel_loop3A_297 : memref<1x32xf32, #tpu.memory_space<vmem>> -> memref<32xf32, #tpu.memory_space<vmem>>
        %parallel_loop3A_299 = arith.constant 0 : i32
        %parallel_loop3A_300 = tpu.memref_slice %arg6[%parallel_loop3A_271, %parallel_loop3A_299] : memref<1000000x32xf32, #tpu.memory_space<hbm>> -> memref<1x32xf32, #tpu.memory_space<hbm>>
        %parallel_loop3A_301 = tpu.memref_squeeze %parallel_loop3A_300 : memref<1x32xf32, #tpu.memory_space<hbm>> -> memref<32xf32, #tpu.memory_space<hbm>>
        tpu.enqueue_dma source(%parallel_loop3A_301 : memref<32xf32, #tpu.memory_space<hbm>>) target(%parallel_loop3A_298 : memref<32xf32, #tpu.memory_space<vmem>>) target_semaphore(%arg18 : memref<!tpu.dma_semaphore, #tpu.memory_space<semaphore_mem>>)
        %parallel_loop3A_302 = arith.constant 0 : i32
        %parallel_loop3A_303 = tpu.memref_slice %arg15[%parallel_loop3A_277, %parallel_loop3A_302] : memref<128x32xf32, #tpu.memory_space<vmem>> -> memref<1x32xf32, #tpu.memory_space<vmem>>
        %parallel_loop3A_304 = tpu.memref_squeeze %parallel_loop3A_303 : memref<1x32xf32, #tpu.memory_space<vmem>> -> memref<32xf32, #tpu.memory_space<vmem>>
        %parallel_loop3A_305 = arith.constant 0 : i32
        %parallel_loop3A_306 = tpu.memref_slice %arg5[%parallel_loop3A_273, %parallel_loop3A_305] : memref<1000000x32xf32, #tpu.memory_space<hbm>> -> memref<1x32xf32, #tpu.memory_space<hbm>>
        %parallel_loop3A_307 = tpu.memref_squeeze %parallel_loop3A_306 : memref<1x32xf32, #tpu.memory_space<hbm>> -> memref<32xf32, #tpu.memory_space<hbm>>
        %parallel_loop3A_308 = arith.constant 0 : i32
        %parallel_loop3A_309 = tpu.memref_slice %arg15[%parallel_loop3A_277, %parallel_loop3A_308] : memref<128x32xf32, #tpu.memory_space<vmem>> -> memref<1x32xf32, #tpu.memory_space<vmem>>
        %parallel_loop3A_310 = tpu.memref_squeeze %parallel_loop3A_309 : memref<1x32xf32, #tpu.memory_space<vmem>> -> memref<32xf32, #tpu.memory_space<vmem>>
        %parallel_loop3A_311 = arith.constant 0 : i32
        %parallel_loop3A_312 = tpu.memref_slice %arg5[%parallel_loop3A_273, %parallel_loop3A_311] : memref<1000000x32xf32, #tpu.memory_space<hbm>> -> memref<1x32xf32, #tpu.memory_space<hbm>>
        %parallel_loop3A_313 = tpu.memref_squeeze %parallel_loop3A_312 : memref<1x32xf32, #tpu.memory_space<hbm>> -> memref<32xf32, #tpu.memory_space<hbm>>
        tpu.enqueue_dma source(%parallel_loop3A_313 : memref<32xf32, #tpu.memory_space<hbm>>) target(%parallel_loop3A_310 : memref<32xf32, #tpu.memory_space<vmem>>) target_semaphore(%arg18 : memref<!tpu.dma_semaphore, #tpu.memory_space<semaphore_mem>>)
        %parallel_loop3A_314 = arith.constant 0 : i32
        %parallel_loop3A_315 = tpu.memref_slice %arg17[%parallel_loop3A_277, %parallel_loop3A_314] : memref<128x32xf32, #tpu.memory_space<vmem>> -> memref<1x32xf32, #tpu.memory_space<vmem>>
        %parallel_loop3A_316 = tpu.memref_squeeze %parallel_loop3A_315 : memref<1x32xf32, #tpu.memory_space<vmem>> -> memref<32xf32, #tpu.memory_space<vmem>>
        %parallel_loop3A_317 = arith.constant 0 : i32
        %parallel_loop3A_318 = tpu.memref_slice %arg7[%parallel_loop3A_273, %parallel_loop3A_317] : memref<1000000x32xf32, #tpu.memory_space<hbm>> -> memref<1x32xf32, #tpu.memory_space<hbm>>
        %parallel_loop3A_319 = tpu.memref_squeeze %parallel_loop3A_318 : memref<1x32xf32, #tpu.memory_space<hbm>> -> memref<32xf32, #tpu.memory_space<hbm>>
        %parallel_loop3A_320 = arith.constant 0 : i32
        %parallel_loop3A_321 = tpu.memref_slice %arg17[%parallel_loop3A_277, %parallel_loop3A_320] : memref<128x32xf32, #tpu.memory_space<vmem>> -> memref<1x32xf32, #tpu.memory_space<vmem>>
        %parallel_loop3A_322 = tpu.memref_squeeze %parallel_loop3A_321 : memref<1x32xf32, #tpu.memory_space<vmem>> -> memref<32xf32, #tpu.memory_space<vmem>>
        %parallel_loop3A_323 = arith.constant 0 : i32
        %parallel_loop3A_324 = tpu.memref_slice %arg7[%parallel_loop3A_273, %parallel_loop3A_323] : memref<1000000x32xf32, #tpu.memory_space<hbm>> -> memref<1x32xf32, #tpu.memory_space<hbm>>
        %parallel_loop3A_325 = tpu.memref_squeeze %parallel_loop3A_324 : memref<1x32xf32, #tpu.memory_space<hbm>> -> memref<32xf32, #tpu.memory_space<hbm>>
        tpu.enqueue_dma source(%parallel_loop3A_325 : memref<32xf32, #tpu.memory_space<hbm>>) target(%parallel_loop3A_322 : memref<32xf32, #tpu.memory_space<vmem>>) target_semaphore(%arg18 : memref<!tpu.dma_semaphore, #tpu.memory_space<semaphore_mem>>)
        %parallel_loop3A_326 = vector.extract_strided_slice %parallel_loop3A_42 {offsets = [5], sizes = [1], strides = [1]} : vector<16xi32> to vector<1xi32>
        %parallel_loop3A_327 = vector.extract %parallel_loop3A_326[0] : i32 from vector<1xi32>
        %parallel_loop3A_328 = vector.extract_strided_slice %parallel_loop3A_45 {offsets = [5], sizes = [1], strides = [1]} : vector<16xi32> to vector<1xi32>
        %parallel_loop3A_329 = vector.extract %parallel_loop3A_328[0] : i32 from vector<1xi32>
        %parallel_loop3A_330 = arith.constant 16 : i32
        %parallel_loop3A_331 = arith.muli %parallel_loop3A_36, %parallel_loop3A_330 : i32
        %parallel_loop3A_332 = arith.constant 5 : i32
        %parallel_loop3A_333 = arith.addi %parallel_loop3A_331, %parallel_loop3A_332 : i32
        %parallel_loop3A_334 = arith.constant 0 : i32
        %parallel_loop3A_335 = tpu.memref_slice %arg14[%parallel_loop3A_333, %parallel_loop3A_334] : memref<128x32xf32, #tpu.memory_space<vmem>> -> memref<1x32xf32, #tpu.memory_space<vmem>>
        %parallel_loop3A_336 = tpu.memref_squeeze %parallel_loop3A_335 : memref<1x32xf32, #tpu.memory_space<vmem>> -> memref<32xf32, #tpu.memory_space<vmem>>
        %parallel_loop3A_337 = arith.constant 0 : i32
        %parallel_loop3A_338 = tpu.memref_slice %arg4[%parallel_loop3A_327, %parallel_loop3A_337] : memref<1000000x32xf32, #tpu.memory_space<hbm>> -> memref<1x32xf32, #tpu.memory_space<hbm>>
        %parallel_loop3A_339 = tpu.memref_squeeze %parallel_loop3A_338 : memref<1x32xf32, #tpu.memory_space<hbm>> -> memref<32xf32, #tpu.memory_space<hbm>>
        %parallel_loop3A_340 = arith.constant 0 : i32
        %parallel_loop3A_341 = tpu.memref_slice %arg14[%parallel_loop3A_333, %parallel_loop3A_340] : memref<128x32xf32, #tpu.memory_space<vmem>> -> memref<1x32xf32, #tpu.memory_space<vmem>>
        %parallel_loop3A_342 = tpu.memref_squeeze %parallel_loop3A_341 : memref<1x32xf32, #tpu.memory_space<vmem>> -> memref<32xf32, #tpu.memory_space<vmem>>
        %parallel_loop3A_343 = arith.constant 0 : i32
        %parallel_loop3A_344 = tpu.memref_slice %arg4[%parallel_loop3A_327, %parallel_loop3A_343] : memref<1000000x32xf32, #tpu.memory_space<hbm>> -> memref<1x32xf32, #tpu.memory_space<hbm>>
        %parallel_loop3A_345 = tpu.memref_squeeze %parallel_loop3A_344 : memref<1x32xf32, #tpu.memory_space<hbm>> -> memref<32xf32, #tpu.memory_space<hbm>>
        tpu.enqueue_dma source(%parallel_loop3A_345 : memref<32xf32, #tpu.memory_space<hbm>>) target(%parallel_loop3A_342 : memref<32xf32, #tpu.memory_space<vmem>>) target_semaphore(%arg18 : memref<!tpu.dma_semaphore, #tpu.memory_space<semaphore_mem>>)
        %parallel_loop3A_346 = arith.constant 0 : i32
        %parallel_loop3A_347 = tpu.memref_slice %arg16[%parallel_loop3A_333, %parallel_loop3A_346] : memref<128x32xf32, #tpu.memory_space<vmem>> -> memref<1x32xf32, #tpu.memory_space<vmem>>
        %parallel_loop3A_348 = tpu.memref_squeeze %parallel_loop3A_347 : memref<1x32xf32, #tpu.memory_space<vmem>> -> memref<32xf32, #tpu.memory_space<vmem>>
        %parallel_loop3A_349 = arith.constant 0 : i32
        %parallel_loop3A_350 = tpu.memref_slice %arg6[%parallel_loop3A_327, %parallel_loop3A_349] : memref<1000000x32xf32, #tpu.memory_space<hbm>> -> memref<1x32xf32, #tpu.memory_space<hbm>>
        %parallel_loop3A_351 = tpu.memref_squeeze %parallel_loop3A_350 : memref<1x32xf32, #tpu.memory_space<hbm>> -> memref<32xf32, #tpu.memory_space<hbm>>
        %parallel_loop3A_352 = arith.constant 0 : i32
        %parallel_loop3A_353 = tpu.memref_slice %arg16[%parallel_loop3A_333, %parallel_loop3A_352] : memref<128x32xf32, #tpu.memory_space<vmem>> -> memref<1x32xf32, #tpu.memory_space<vmem>>
        %parallel_loop3A_354 = tpu.memref_squeeze %parallel_loop3A_353 : memref<1x32xf32, #tpu.memory_space<vmem>> -> memref<32xf32, #tpu.memory_space<vmem>>
        %parallel_loop3A_355 = arith.constant 0 : i32
        %parallel_loop3A_356 = tpu.memref_slice %arg6[%parallel_loop3A_327, %parallel_loop3A_355] : memref<1000000x32xf32, #tpu.memory_space<hbm>> -> memref<1x32xf32, #tpu.memory_space<hbm>>
        %parallel_loop3A_357 = tpu.memref_squeeze %parallel_loop3A_356 : memref<1x32xf32, #tpu.memory_space<hbm>> -> memref<32xf32, #tpu.memory_space<hbm>>
        tpu.enqueue_dma source(%parallel_loop3A_357 : memref<32xf32, #tpu.memory_space<hbm>>) target(%parallel_loop3A_354 : memref<32xf32, #tpu.memory_space<vmem>>) target_semaphore(%arg18 : memref<!tpu.dma_semaphore, #tpu.memory_space<semaphore_mem>>)
        %parallel_loop3A_358 = arith.constant 0 : i32
        %parallel_loop3A_359 = tpu.memref_slice %arg15[%parallel_loop3A_333, %parallel_loop3A_358] : memref<128x32xf32, #tpu.memory_space<vmem>> -> memref<1x32xf32, #tpu.memory_space<vmem>>
        %parallel_loop3A_360 = tpu.memref_squeeze %parallel_loop3A_359 : memref<1x32xf32, #tpu.memory_space<vmem>> -> memref<32xf32, #tpu.memory_space<vmem>>
        %parallel_loop3A_361 = arith.constant 0 : i32
        %parallel_loop3A_362 = tpu.memref_slice %arg5[%parallel_loop3A_329, %parallel_loop3A_361] : memref<1000000x32xf32, #tpu.memory_space<hbm>> -> memref<1x32xf32, #tpu.memory_space<hbm>>
        %parallel_loop3A_363 = tpu.memref_squeeze %parallel_loop3A_362 : memref<1x32xf32, #tpu.memory_space<hbm>> -> memref<32xf32, #tpu.memory_space<hbm>>
        %parallel_loop3A_364 = arith.constant 0 : i32
        %parallel_loop3A_365 = tpu.memref_slice %arg15[%parallel_loop3A_333, %parallel_loop3A_364] : memref<128x32xf32, #tpu.memory_space<vmem>> -> memref<1x32xf32, #tpu.memory_space<vmem>>
        %parallel_loop3A_366 = tpu.memref_squeeze %parallel_loop3A_365 : memref<1x32xf32, #tpu.memory_space<vmem>> -> memref<32xf32, #tpu.memory_space<vmem>>
        %parallel_loop3A_367 = arith.constant 0 : i32
        %parallel_loop3A_368 = tpu.memref_slice %arg5[%parallel_loop3A_329, %parallel_loop3A_367] : memref<1000000x32xf32, #tpu.memory_space<hbm>> -> memref<1x32xf32, #tpu.memory_space<hbm>>
        %parallel_loop3A_369 = tpu.memref_squeeze %parallel_loop3A_368 : memref<1x32xf32, #tpu.memory_space<hbm>> -> memref<32xf32, #tpu.memory_space<hbm>>
        tpu.enqueue_dma source(%parallel_loop3A_369 : memref<32xf32, #tpu.memory_space<hbm>>) target(%parallel_loop3A_366 : memref<32xf32, #tpu.memory_space<vmem>>) target_semaphore(%arg18 : memref<!tpu.dma_semaphore, #tpu.memory_space<semaphore_mem>>)
        %parallel_loop3A_370 = arith.constant 0 : i32
        %parallel_loop3A_371 = tpu.memref_slice %arg17[%parallel_loop3A_333, %parallel_loop3A_370] : memref<128x32xf32, #tpu.memory_space<vmem>> -> memref<1x32xf32, #tpu.memory_space<vmem>>
        %parallel_loop3A_372 = tpu.memref_squeeze %parallel_loop3A_371 : memref<1x32xf32, #tpu.memory_space<vmem>> -> memref<32xf32, #tpu.memory_space<vmem>>
        %parallel_loop3A_373 = arith.constant 0 : i32
        %parallel_loop3A_374 = tpu.memref_slice %arg7[%parallel_loop3A_329, %parallel_loop3A_373] : memref<1000000x32xf32, #tpu.memory_space<hbm>> -> memref<1x32xf32, #tpu.memory_space<hbm>>
        %parallel_loop3A_375 = tpu.memref_squeeze %parallel_loop3A_374 : memref<1x32xf32, #tpu.memory_space<hbm>> -> memref<32xf32, #tpu.memory_space<hbm>>
        %parallel_loop3A_376 = arith.constant 0 : i32
        %parallel_loop3A_377 = tpu.memref_slice %arg17[%parallel_loop3A_333, %parallel_loop3A_376] : memref<128x32xf32, #tpu.memory_space<vmem>> -> memref<1x32xf32, #tpu.memory_space<vmem>>
        %parallel_loop3A_378 = tpu.memref_squeeze %parallel_loop3A_377 : memref<1x32xf32, #tpu.memory_space<vmem>> -> memref<32xf32, #tpu.memory_space<vmem>>
        %parallel_loop3A_379 = arith.constant 0 : i32
        %parallel_loop3A_380 = tpu.memref_slice %arg7[%parallel_loop3A_329, %parallel_loop3A_379] : memref<1000000x32xf32, #tpu.memory_space<hbm>> -> memref<1x32xf32, #tpu.memory_space<hbm>>
        %parallel_loop3A_381 = tpu.memref_squeeze %parallel_loop3A_380 : memref<1x32xf32, #tpu.memory_space<hbm>> -> memref<32xf32, #tpu.memory_space<hbm>>
        tpu.enqueue_dma source(%parallel_loop3A_381 : memref<32xf32, #tpu.memory_space<hbm>>) target(%parallel_loop3A_378 : memref<32xf32, #tpu.memory_space<vmem>>) target_semaphore(%arg18 : memref<!tpu.dma_semaphore, #tpu.memory_space<semaphore_mem>>)
        %parallel_loop3A_382 = vector.extract_strided_slice %parallel_loop3A_42 {offsets = [6], sizes = [1], strides = [1]} : vector<16xi32> to vector<1xi32>
        %parallel_loop3A_383 = vector.extract %parallel_loop3A_382[0] : i32 from vector<1xi32>
        %parallel_loop3A_384 = vector.extract_strided_slice %parallel_loop3A_45 {offsets = [6], sizes = [1], strides = [1]} : vector<16xi32> to vector<1xi32>
        %parallel_loop3A_385 = vector.extract %parallel_loop3A_384[0] : i32 from vector<1xi32>
        %parallel_loop3A_386 = arith.constant 16 : i32
        %parallel_loop3A_387 = arith.muli %parallel_loop3A_36, %parallel_loop3A_386 : i32
        %parallel_loop3A_388 = arith.constant 6 : i32
        %parallel_loop3A_389 = arith.addi %parallel_loop3A_387, %parallel_loop3A_388 : i32
        %parallel_loop3A_390 = arith.constant 0 : i32
        %parallel_loop3A_391 = tpu.memref_slice %arg14[%parallel_loop3A_389, %parallel_loop3A_390] : memref<128x32xf32, #tpu.memory_space<vmem>> -> memref<1x32xf32, #tpu.memory_space<vmem>>
        %parallel_loop3A_392 = tpu.memref_squeeze %parallel_loop3A_391 : memref<1x32xf32, #tpu.memory_space<vmem>> -> memref<32xf32, #tpu.memory_space<vmem>>
        %parallel_loop3A_393 = arith.constant 0 : i32
        %parallel_loop3A_394 = tpu.memref_slice %arg4[%parallel_loop3A_383, %parallel_loop3A_393] : memref<1000000x32xf32, #tpu.memory_space<hbm>> -> memref<1x32xf32, #tpu.memory_space<hbm>>
        %parallel_loop3A_395 = tpu.memref_squeeze %parallel_loop3A_394 : memref<1x32xf32, #tpu.memory_space<hbm>> -> memref<32xf32, #tpu.memory_space<hbm>>
        %parallel_loop3A_396 = arith.constant 0 : i32
        %parallel_loop3A_397 = tpu.memref_slice %arg14[%parallel_loop3A_389, %parallel_loop3A_396] : memref<128x32xf32, #tpu.memory_space<vmem>> -> memref<1x32xf32, #tpu.memory_space<vmem>>
        %parallel_loop3A_398 = tpu.memref_squeeze %parallel_loop3A_397 : memref<1x32xf32, #tpu.memory_space<vmem>> -> memref<32xf32, #tpu.memory_space<vmem>>
        %parallel_loop3A_399 = arith.constant 0 : i32
        %parallel_loop3A_400 = tpu.memref_slice %arg4[%parallel_loop3A_383, %parallel_loop3A_399] : memref<1000000x32xf32, #tpu.memory_space<hbm>> -> memref<1x32xf32, #tpu.memory_space<hbm>>
        %parallel_loop3A_401 = tpu.memref_squeeze %parallel_loop3A_400 : memref<1x32xf32, #tpu.memory_space<hbm>> -> memref<32xf32, #tpu.memory_space<hbm>>
        tpu.enqueue_dma source(%parallel_loop3A_401 : memref<32xf32, #tpu.memory_space<hbm>>) target(%parallel_loop3A_398 : memref<32xf32, #tpu.memory_space<vmem>>) target_semaphore(%arg18 : memref<!tpu.dma_semaphore, #tpu.memory_space<semaphore_mem>>)
        %parallel_loop3A_402 = arith.constant 0 : i32
        %parallel_loop3A_403 = tpu.memref_slice %arg16[%parallel_loop3A_389, %parallel_loop3A_402] : memref<128x32xf32, #tpu.memory_space<vmem>> -> memref<1x32xf32, #tpu.memory_space<vmem>>
        %parallel_loop3A_404 = tpu.memref_squeeze %parallel_loop3A_403 : memref<1x32xf32, #tpu.memory_space<vmem>> -> memref<32xf32, #tpu.memory_space<vmem>>
        %parallel_loop3A_405 = arith.constant 0 : i32
        %parallel_loop3A_406 = tpu.memref_slice %arg6[%parallel_loop3A_383, %parallel_loop3A_405] : memref<1000000x32xf32, #tpu.memory_space<hbm>> -> memref<1x32xf32, #tpu.memory_space<hbm>>
        %parallel_loop3A_407 = tpu.memref_squeeze %parallel_loop3A_406 : memref<1x32xf32, #tpu.memory_space<hbm>> -> memref<32xf32, #tpu.memory_space<hbm>>
        %parallel_loop3A_408 = arith.constant 0 : i32
        %parallel_loop3A_409 = tpu.memref_slice %arg16[%parallel_loop3A_389, %parallel_loop3A_408] : memref<128x32xf32, #tpu.memory_space<vmem>> -> memref<1x32xf32, #tpu.memory_space<vmem>>
        %parallel_loop3A_410 = tpu.memref_squeeze %parallel_loop3A_409 : memref<1x32xf32, #tpu.memory_space<vmem>> -> memref<32xf32, #tpu.memory_space<vmem>>
        %parallel_loop3A_411 = arith.constant 0 : i32
        %parallel_loop3A_412 = tpu.memref_slice %arg6[%parallel_loop3A_383, %parallel_loop3A_411] : memref<1000000x32xf32, #tpu.memory_space<hbm>> -> memref<1x32xf32, #tpu.memory_space<hbm>>
        %parallel_loop3A_413 = tpu.memref_squeeze %parallel_loop3A_412 : memref<1x32xf32, #tpu.memory_space<hbm>> -> memref<32xf32, #tpu.memory_space<hbm>>
        tpu.enqueue_dma source(%parallel_loop3A_413 : memref<32xf32, #tpu.memory_space<hbm>>) target(%parallel_loop3A_410 : memref<32xf32, #tpu.memory_space<vmem>>) target_semaphore(%arg18 : memref<!tpu.dma_semaphore, #tpu.memory_space<semaphore_mem>>)
        %parallel_loop3A_414 = arith.constant 0 : i32
        %parallel_loop3A_415 = tpu.memref_slice %arg15[%parallel_loop3A_389, %parallel_loop3A_414] : memref<128x32xf32, #tpu.memory_space<vmem>> -> memref<1x32xf32, #tpu.memory_space<vmem>>
        %parallel_loop3A_416 = tpu.memref_squeeze %parallel_loop3A_415 : memref<1x32xf32, #tpu.memory_space<vmem>> -> memref<32xf32, #tpu.memory_space<vmem>>
        %parallel_loop3A_417 = arith.constant 0 : i32
        %parallel_loop3A_418 = tpu.memref_slice %arg5[%parallel_loop3A_385, %parallel_loop3A_417] : memref<1000000x32xf32, #tpu.memory_space<hbm>> -> memref<1x32xf32, #tpu.memory_space<hbm>>
        %parallel_loop3A_419 = tpu.memref_squeeze %parallel_loop3A_418 : memref<1x32xf32, #tpu.memory_space<hbm>> -> memref<32xf32, #tpu.memory_space<hbm>>
        %parallel_loop3A_420 = arith.constant 0 : i32
        %parallel_loop3A_421 = tpu.memref_slice %arg15[%parallel_loop3A_389, %parallel_loop3A_420] : memref<128x32xf32, #tpu.memory_space<vmem>> -> memref<1x32xf32, #tpu.memory_space<vmem>>
        %parallel_loop3A_422 = tpu.memref_squeeze %parallel_loop3A_421 : memref<1x32xf32, #tpu.memory_space<vmem>> -> memref<32xf32, #tpu.memory_space<vmem>>
        %parallel_loop3A_423 = arith.constant 0 : i32
        %parallel_loop3A_424 = tpu.memref_slice %arg5[%parallel_loop3A_385, %parallel_loop3A_423] : memref<1000000x32xf32, #tpu.memory_space<hbm>> -> memref<1x32xf32, #tpu.memory_space<hbm>>
        %parallel_loop3A_425 = tpu.memref_squeeze %parallel_loop3A_424 : memref<1x32xf32, #tpu.memory_space<hbm>> -> memref<32xf32, #tpu.memory_space<hbm>>
        tpu.enqueue_dma source(%parallel_loop3A_425 : memref<32xf32, #tpu.memory_space<hbm>>) target(%parallel_loop3A_422 : memref<32xf32, #tpu.memory_space<vmem>>) target_semaphore(%arg18 : memref<!tpu.dma_semaphore, #tpu.memory_space<semaphore_mem>>)
        %parallel_loop3A_426 = arith.constant 0 : i32
        %parallel_loop3A_427 = tpu.memref_slice %arg17[%parallel_loop3A_389, %parallel_loop3A_426] : memref<128x32xf32, #tpu.memory_space<vmem>> -> memref<1x32xf32, #tpu.memory_space<vmem>>
        %parallel_loop3A_428 = tpu.memref_squeeze %parallel_loop3A_427 : memref<1x32xf32, #tpu.memory_space<vmem>> -> memref<32xf32, #tpu.memory_space<vmem>>
        %parallel_loop3A_429 = arith.constant 0 : i32
        %parallel_loop3A_430 = tpu.memref_slice %arg7[%parallel_loop3A_385, %parallel_loop3A_429] : memref<1000000x32xf32, #tpu.memory_space<hbm>> -> memref<1x32xf32, #tpu.memory_space<hbm>>
        %parallel_loop3A_431 = tpu.memref_squeeze %parallel_loop3A_430 : memref<1x32xf32, #tpu.memory_space<hbm>> -> memref<32xf32, #tpu.memory_space<hbm>>
        %parallel_loop3A_432 = arith.constant 0 : i32
        %parallel_loop3A_433 = tpu.memref_slice %arg17[%parallel_loop3A_389, %parallel_loop3A_432] : memref<128x32xf32, #tpu.memory_space<vmem>> -> memref<1x32xf32, #tpu.memory_space<vmem>>
        %parallel_loop3A_434 = tpu.memref_squeeze %parallel_loop3A_433 : memref<1x32xf32, #tpu.memory_space<vmem>> -> memref<32xf32, #tpu.memory_space<vmem>>
        %parallel_loop3A_435 = arith.constant 0 : i32
        %parallel_loop3A_436 = tpu.memref_slice %arg7[%parallel_loop3A_385, %parallel_loop3A_435] : memref<1000000x32xf32, #tpu.memory_space<hbm>> -> memref<1x32xf32, #tpu.memory_space<hbm>>
        %parallel_loop3A_437 = tpu.memref_squeeze %parallel_loop3A_436 : memref<1x32xf32, #tpu.memory_space<hbm>> -> memref<32xf32, #tpu.memory_space<hbm>>
        tpu.enqueue_dma source(%parallel_loop3A_437 : memref<32xf32, #tpu.memory_space<hbm>>) target(%parallel_loop3A_434 : memref<32xf32, #tpu.memory_space<vmem>>) target_semaphore(%arg18 : memref<!tpu.dma_semaphore, #tpu.memory_space<semaphore_mem>>)
        %parallel_loop3A_438 = vector.extract_strided_slice %parallel_loop3A_42 {offsets = [7], sizes = [1], strides = [1]} : vector<16xi32> to vector<1xi32>
        %parallel_loop3A_439 = vector.extract %parallel_loop3A_438[0] : i32 from vector<1xi32>
        %parallel_loop3A_440 = vector.extract_strided_slice %parallel_loop3A_45 {offsets = [7], sizes = [1], strides = [1]} : vector<16xi32> to vector<1xi32>
        %parallel_loop3A_441 = vector.extract %parallel_loop3A_440[0] : i32 from vector<1xi32>
        %parallel_loop3A_442 = arith.constant 16 : i32
        %parallel_loop3A_443 = arith.muli %parallel_loop3A_36, %parallel_loop3A_442 : i32
        %parallel_loop3A_444 = arith.constant 7 : i32
        %parallel_loop3A_445 = arith.addi %parallel_loop3A_443, %parallel_loop3A_444 : i32
        %parallel_loop3A_446 = arith.constant 0 : i32
        %parallel_loop3A_447 = tpu.memref_slice %arg14[%parallel_loop3A_445, %parallel_loop3A_446] : memref<128x32xf32, #tpu.memory_space<vmem>> -> memref<1x32xf32, #tpu.memory_space<vmem>>
        %parallel_loop3A_448 = tpu.memref_squeeze %parallel_loop3A_447 : memref<1x32xf32, #tpu.memory_space<vmem>> -> memref<32xf32, #tpu.memory_space<vmem>>
        %parallel_loop3A_449 = arith.constant 0 : i32
        %parallel_loop3A_450 = tpu.memref_slice %arg4[%parallel_loop3A_439, %parallel_loop3A_449] : memref<1000000x32xf32, #tpu.memory_space<hbm>> -> memref<1x32xf32, #tpu.memory_space<hbm>>
        %parallel_loop3A_451 = tpu.memref_squeeze %parallel_loop3A_450 : memref<1x32xf32, #tpu.memory_space<hbm>> -> memref<32xf32, #tpu.memory_space<hbm>>
        %parallel_loop3A_452 = arith.constant 0 : i32
        %parallel_loop3A_453 = tpu.memref_slice %arg14[%parallel_loop3A_445, %parallel_loop3A_452] : memref<128x32xf32, #tpu.memory_space<vmem>> -> memref<1x32xf32, #tpu.memory_space<vmem>>
        %parallel_loop3A_454 = tpu.memref_squeeze %parallel_loop3A_453 : memref<1x32xf32, #tpu.memory_space<vmem>> -> memref<32xf32, #tpu.memory_space<vmem>>
        %parallel_loop3A_455 = arith.constant 0 : i32
        %parallel_loop3A_456 = tpu.memref_slice %arg4[%parallel_loop3A_439, %parallel_loop3A_455] : memref<1000000x32xf32, #tpu.memory_space<hbm>> -> memref<1x32xf32, #tpu.memory_space<hbm>>
        %parallel_loop3A_457 = tpu.memref_squeeze %parallel_loop3A_456 : memref<1x32xf32, #tpu.memory_space<hbm>> -> memref<32xf32, #tpu.memory_space<hbm>>
        tpu.enqueue_dma source(%parallel_loop3A_457 : memref<32xf32, #tpu.memory_space<hbm>>) target(%parallel_loop3A_454 : memref<32xf32, #tpu.memory_space<vmem>>) target_semaphore(%arg18 : memref<!tpu.dma_semaphore, #tpu.memory_space<semaphore_mem>>)
        %parallel_loop3A_458 = arith.constant 0 : i32
        %parallel_loop3A_459 = tpu.memref_slice %arg16[%parallel_loop3A_445, %parallel_loop3A_458] : memref<128x32xf32, #tpu.memory_space<vmem>> -> memref<1x32xf32, #tpu.memory_space<vmem>>
        %parallel_loop3A_460 = tpu.memref_squeeze %parallel_loop3A_459 : memref<1x32xf32, #tpu.memory_space<vmem>> -> memref<32xf32, #tpu.memory_space<vmem>>
        %parallel_loop3A_461 = arith.constant 0 : i32
        %parallel_loop3A_462 = tpu.memref_slice %arg6[%parallel_loop3A_439, %parallel_loop3A_461] : memref<1000000x32xf32, #tpu.memory_space<hbm>> -> memref<1x32xf32, #tpu.memory_space<hbm>>
        %parallel_loop3A_463 = tpu.memref_squeeze %parallel_loop3A_462 : memref<1x32xf32, #tpu.memory_space<hbm>> -> memref<32xf32, #tpu.memory_space<hbm>>
        %parallel_loop3A_464 = arith.constant 0 : i32
        %parallel_loop3A_465 = tpu.memref_slice %arg16[%parallel_loop3A_445, %parallel_loop3A_464] : memref<128x32xf32, #tpu.memory_space<vmem>> -> memref<1x32xf32, #tpu.memory_space<vmem>>
        %parallel_loop3A_466 = tpu.memref_squeeze %parallel_loop3A_465 : memref<1x32xf32, #tpu.memory_space<vmem>> -> memref<32xf32, #tpu.memory_space<vmem>>
        %parallel_loop3A_467 = arith.constant 0 : i32
        %parallel_loop3A_468 = tpu.memref_slice %arg6[%parallel_loop3A_439, %parallel_loop3A_467] : memref<1000000x32xf32, #tpu.memory_space<hbm>> -> memref<1x32xf32, #tpu.memory_space<hbm>>
        %parallel_loop3A_469 = tpu.memref_squeeze %parallel_loop3A_468 : memref<1x32xf32, #tpu.memory_space<hbm>> -> memref<32xf32, #tpu.memory_space<hbm>>
        tpu.enqueue_dma source(%parallel_loop3A_469 : memref<32xf32, #tpu.memory_space<hbm>>) target(%parallel_loop3A_466 : memref<32xf32, #tpu.memory_space<vmem>>) target_semaphore(%arg18 : memref<!tpu.dma_semaphore, #tpu.memory_space<semaphore_mem>>)
        %parallel_loop3A_470 = arith.constant 0 : i32
        %parallel_loop3A_471 = tpu.memref_slice %arg15[%parallel_loop3A_445, %parallel_loop3A_470] : memref<128x32xf32, #tpu.memory_space<vmem>> -> memref<1x32xf32, #tpu.memory_space<vmem>>
        %parallel_loop3A_472 = tpu.memref_squeeze %parallel_loop3A_471 : memref<1x32xf32, #tpu.memory_space<vmem>> -> memref<32xf32, #tpu.memory_space<vmem>>
        %parallel_loop3A_473 = arith.constant 0 : i32
        %parallel_loop3A_474 = tpu.memref_slice %arg5[%parallel_loop3A_441, %parallel_loop3A_473] : memref<1000000x32xf32, #tpu.memory_space<hbm>> -> memref<1x32xf32, #tpu.memory_space<hbm>>
        %parallel_loop3A_475 = tpu.memref_squeeze %parallel_loop3A_474 : memref<1x32xf32, #tpu.memory_space<hbm>> -> memref<32xf32, #tpu.memory_space<hbm>>
        %parallel_loop3A_476 = arith.constant 0 : i32
        %parallel_loop3A_477 = tpu.memref_slice %arg15[%parallel_loop3A_445, %parallel_loop3A_476] : memref<128x32xf32, #tpu.memory_space<vmem>> -> memref<1x32xf32, #tpu.memory_space<vmem>>
        %parallel_loop3A_478 = tpu.memref_squeeze %parallel_loop3A_477 : memref<1x32xf32, #tpu.memory_space<vmem>> -> memref<32xf32, #tpu.memory_space<vmem>>
        %parallel_loop3A_479 = arith.constant 0 : i32
        %parallel_loop3A_480 = tpu.memref_slice %arg5[%parallel_loop3A_441, %parallel_loop3A_479] : memref<1000000x32xf32, #tpu.memory_space<hbm>> -> memref<1x32xf32, #tpu.memory_space<hbm>>
        %parallel_loop3A_481 = tpu.memref_squeeze %parallel_loop3A_480 : memref<1x32xf32, #tpu.memory_space<hbm>> -> memref<32xf32, #tpu.memory_space<hbm>>
        tpu.enqueue_dma source(%parallel_loop3A_481 : memref<32xf32, #tpu.memory_space<hbm>>) target(%parallel_loop3A_478 : memref<32xf32, #tpu.memory_space<vmem>>) target_semaphore(%arg18 : memref<!tpu.dma_semaphore, #tpu.memory_space<semaphore_mem>>)
        %parallel_loop3A_482 = arith.constant 0 : i32
        %parallel_loop3A_483 = tpu.memref_slice %arg17[%parallel_loop3A_445, %parallel_loop3A_482] : memref<128x32xf32, #tpu.memory_space<vmem>> -> memref<1x32xf32, #tpu.memory_space<vmem>>
        %parallel_loop3A_484 = tpu.memref_squeeze %parallel_loop3A_483 : memref<1x32xf32, #tpu.memory_space<vmem>> -> memref<32xf32, #tpu.memory_space<vmem>>
        %parallel_loop3A_485 = arith.constant 0 : i32
        %parallel_loop3A_486 = tpu.memref_slice %arg7[%parallel_loop3A_441, %parallel_loop3A_485] : memref<1000000x32xf32, #tpu.memory_space<hbm>> -> memref<1x32xf32, #tpu.memory_space<hbm>>
        %parallel_loop3A_487 = tpu.memref_squeeze %parallel_loop3A_486 : memref<1x32xf32, #tpu.memory_space<hbm>> -> memref<32xf32, #tpu.memory_space<hbm>>
        %parallel_loop3A_488 = arith.constant 0 : i32
        %parallel_loop3A_489 = tpu.memref_slice %arg17[%parallel_loop3A_445, %parallel_loop3A_488] : memref<128x32xf32, #tpu.memory_space<vmem>> -> memref<1x32xf32, #tpu.memory_space<vmem>>
        %parallel_loop3A_490 = tpu.memref_squeeze %parallel_loop3A_489 : memref<1x32xf32, #tpu.memory_space<vmem>> -> memref<32xf32, #tpu.memory_space<vmem>>
        %parallel_loop3A_491 = arith.constant 0 : i32
        %parallel_loop3A_492 = tpu.memref_slice %arg7[%parallel_loop3A_441, %parallel_loop3A_491] : memref<1000000x32xf32, #tpu.memory_space<hbm>> -> memref<1x32xf32, #tpu.memory_space<hbm>>
        %parallel_loop3A_493 = tpu.memref_squeeze %parallel_loop3A_492 : memref<1x32xf32, #tpu.memory_space<hbm>> -> memref<32xf32, #tpu.memory_space<hbm>>
        tpu.enqueue_dma source(%parallel_loop3A_493 : memref<32xf32, #tpu.memory_space<hbm>>) target(%parallel_loop3A_490 : memref<32xf32, #tpu.memory_space<vmem>>) target_semaphore(%arg18 : memref<!tpu.dma_semaphore, #tpu.memory_space<semaphore_mem>>)
        %parallel_loop3A_494 = vector.extract_strided_slice %parallel_loop3A_42 {offsets = [8], sizes = [1], strides = [1]} : vector<16xi32> to vector<1xi32>
        %parallel_loop3A_495 = vector.extract %parallel_loop3A_494[0] : i32 from vector<1xi32>
        %parallel_loop3A_496 = vector.extract_strided_slice %parallel_loop3A_45 {offsets = [8], sizes = [1], strides = [1]} : vector<16xi32> to vector<1xi32>
        %parallel_loop3A_497 = vector.extract %parallel_loop3A_496[0] : i32 from vector<1xi32>
        %parallel_loop3A_498 = arith.constant 16 : i32
        %parallel_loop3A_499 = arith.muli %parallel_loop3A_36, %parallel_loop3A_498 : i32
        %parallel_loop3A_500 = arith.constant 8 : i32
        %parallel_loop3A_501 = arith.addi %parallel_loop3A_499, %parallel_loop3A_500 : i32
        %parallel_loop3A_502 = arith.constant 0 : i32
        %parallel_loop3A_503 = tpu.memref_slice %arg14[%parallel_loop3A_501, %parallel_loop3A_502] : memref<128x32xf32, #tpu.memory_space<vmem>> -> memref<1x32xf32, #tpu.memory_space<vmem>>
        %parallel_loop3A_504 = tpu.memref_squeeze %parallel_loop3A_503 : memref<1x32xf32, #tpu.memory_space<vmem>> -> memref<32xf32, #tpu.memory_space<vmem>>
        %parallel_loop3A_505 = arith.constant 0 : i32
        %parallel_loop3A_506 = tpu.memref_slice %arg4[%parallel_loop3A_495, %parallel_loop3A_505] : memref<1000000x32xf32, #tpu.memory_space<hbm>> -> memref<1x32xf32, #tpu.memory_space<hbm>>
        %parallel_loop3A_507 = tpu.memref_squeeze %parallel_loop3A_506 : memref<1x32xf32, #tpu.memory_space<hbm>> -> memref<32xf32, #tpu.memory_space<hbm>>
        %parallel_loop3A_508 = arith.constant 0 : i32
        %parallel_loop3A_509 = tpu.memref_slice %arg14[%parallel_loop3A_501, %parallel_loop3A_508] : memref<128x32xf32, #tpu.memory_space<vmem>> -> memref<1x32xf32, #tpu.memory_space<vmem>>
        %parallel_loop3A_510 = tpu.memref_squeeze %parallel_loop3A_509 : memref<1x32xf32, #tpu.memory_space<vmem>> -> memref<32xf32, #tpu.memory_space<vmem>>
        %parallel_loop3A_511 = arith.constant 0 : i32
        %parallel_loop3A_512 = tpu.memref_slice %arg4[%parallel_loop3A_495, %parallel_loop3A_511] : memref<1000000x32xf32, #tpu.memory_space<hbm>> -> memref<1x32xf32, #tpu.memory_space<hbm>>
        %parallel_loop3A_513 = tpu.memref_squeeze %parallel_loop3A_512 : memref<1x32xf32, #tpu.memory_space<hbm>> -> memref<32xf32, #tpu.memory_space<hbm>>
        tpu.enqueue_dma source(%parallel_loop3A_513 : memref<32xf32, #tpu.memory_space<hbm>>) target(%parallel_loop3A_510 : memref<32xf32, #tpu.memory_space<vmem>>) target_semaphore(%arg18 : memref<!tpu.dma_semaphore, #tpu.memory_space<semaphore_mem>>)
        %parallel_loop3A_514 = arith.constant 0 : i32
        %parallel_loop3A_515 = tpu.memref_slice %arg16[%parallel_loop3A_501, %parallel_loop3A_514] : memref<128x32xf32, #tpu.memory_space<vmem>> -> memref<1x32xf32, #tpu.memory_space<vmem>>
        %parallel_loop3A_516 = tpu.memref_squeeze %parallel_loop3A_515 : memref<1x32xf32, #tpu.memory_space<vmem>> -> memref<32xf32, #tpu.memory_space<vmem>>
        %parallel_loop3A_517 = arith.constant 0 : i32
        %parallel_loop3A_518 = tpu.memref_slice %arg6[%parallel_loop3A_495, %parallel_loop3A_517] : memref<1000000x32xf32, #tpu.memory_space<hbm>> -> memref<1x32xf32, #tpu.memory_space<hbm>>
        %parallel_loop3A_519 = tpu.memref_squeeze %parallel_loop3A_518 : memref<1x32xf32, #tpu.memory_space<hbm>> -> memref<32xf32, #tpu.memory_space<hbm>>
        %parallel_loop3A_520 = arith.constant 0 : i32
        %parallel_loop3A_521 = tpu.memref_slice %arg16[%parallel_loop3A_501, %parallel_loop3A_520] : memref<128x32xf32, #tpu.memory_space<vmem>> -> memref<1x32xf32, #tpu.memory_space<vmem>>
        %parallel_loop3A_522 = tpu.memref_squeeze %parallel_loop3A_521 : memref<1x32xf32, #tpu.memory_space<vmem>> -> memref<32xf32, #tpu.memory_space<vmem>>
        %parallel_loop3A_523 = arith.constant 0 : i32
        %parallel_loop3A_524 = tpu.memref_slice %arg6[%parallel_loop3A_495, %parallel_loop3A_523] : memref<1000000x32xf32, #tpu.memory_space<hbm>> -> memref<1x32xf32, #tpu.memory_space<hbm>>
        %parallel_loop3A_525 = tpu.memref_squeeze %parallel_loop3A_524 : memref<1x32xf32, #tpu.memory_space<hbm>> -> memref<32xf32, #tpu.memory_space<hbm>>
        tpu.enqueue_dma source(%parallel_loop3A_525 : memref<32xf32, #tpu.memory_space<hbm>>) target(%parallel_loop3A_522 : memref<32xf32, #tpu.memory_space<vmem>>) target_semaphore(%arg18 : memref<!tpu.dma_semaphore, #tpu.memory_space<semaphore_mem>>)
        %parallel_loop3A_526 = arith.constant 0 : i32
        %parallel_loop3A_527 = tpu.memref_slice %arg15[%parallel_loop3A_501, %parallel_loop3A_526] : memref<128x32xf32, #tpu.memory_space<vmem>> -> memref<1x32xf32, #tpu.memory_space<vmem>>
        %parallel_loop3A_528 = tpu.memref_squeeze %parallel_loop3A_527 : memref<1x32xf32, #tpu.memory_space<vmem>> -> memref<32xf32, #tpu.memory_space<vmem>>
        %parallel_loop3A_529 = arith.constant 0 : i32
        %parallel_loop3A_530 = tpu.memref_slice %arg5[%parallel_loop3A_497, %parallel_loop3A_529] : memref<1000000x32xf32, #tpu.memory_space<hbm>> -> memref<1x32xf32, #tpu.memory_space<hbm>>
        %parallel_loop3A_531 = tpu.memref_squeeze %parallel_loop3A_530 : memref<1x32xf32, #tpu.memory_space<hbm>> -> memref<32xf32, #tpu.memory_space<hbm>>
        %parallel_loop3A_532 = arith.constant 0 : i32
        %parallel_loop3A_533 = tpu.memref_slice %arg15[%parallel_loop3A_501, %parallel_loop3A_532] : memref<128x32xf32, #tpu.memory_space<vmem>> -> memref<1x32xf32, #tpu.memory_space<vmem>>
        %parallel_loop3A_534 = tpu.memref_squeeze %parallel_loop3A_533 : memref<1x32xf32, #tpu.memory_space<vmem>> -> memref<32xf32, #tpu.memory_space<vmem>>
        %parallel_loop3A_535 = arith.constant 0 : i32
        %parallel_loop3A_536 = tpu.memref_slice %arg5[%parallel_loop3A_497, %parallel_loop3A_535] : memref<1000000x32xf32, #tpu.memory_space<hbm>> -> memref<1x32xf32, #tpu.memory_space<hbm>>
        %parallel_loop3A_537 = tpu.memref_squeeze %parallel_loop3A_536 : memref<1x32xf32, #tpu.memory_space<hbm>> -> memref<32xf32, #tpu.memory_space<hbm>>
        tpu.enqueue_dma source(%parallel_loop3A_537 : memref<32xf32, #tpu.memory_space<hbm>>) target(%parallel_loop3A_534 : memref<32xf32, #tpu.memory_space<vmem>>) target_semaphore(%arg18 : memref<!tpu.dma_semaphore, #tpu.memory_space<semaphore_mem>>)
        %parallel_loop3A_538 = arith.constant 0 : i32
        %parallel_loop3A_539 = tpu.memref_slice %arg17[%parallel_loop3A_501, %parallel_loop3A_538] : memref<128x32xf32, #tpu.memory_space<vmem>> -> memref<1x32xf32, #tpu.memory_space<vmem>>
        %parallel_loop3A_540 = tpu.memref_squeeze %parallel_loop3A_539 : memref<1x32xf32, #tpu.memory_space<vmem>> -> memref<32xf32, #tpu.memory_space<vmem>>
        %parallel_loop3A_541 = arith.constant 0 : i32
        %parallel_loop3A_542 = tpu.memref_slice %arg7[%parallel_loop3A_497, %parallel_loop3A_541] : memref<1000000x32xf32, #tpu.memory_space<hbm>> -> memref<1x32xf32, #tpu.memory_space<hbm>>
        %parallel_loop3A_543 = tpu.memref_squeeze %parallel_loop3A_542 : memref<1x32xf32, #tpu.memory_space<hbm>> -> memref<32xf32, #tpu.memory_space<hbm>>
        %parallel_loop3A_544 = arith.constant 0 : i32
        %parallel_loop3A_545 = tpu.memref_slice %arg17[%parallel_loop3A_501, %parallel_loop3A_544] : memref<128x32xf32, #tpu.memory_space<vmem>> -> memref<1x32xf32, #tpu.memory_space<vmem>>
        %parallel_loop3A_546 = tpu.memref_squeeze %parallel_loop3A_545 : memref<1x32xf32, #tpu.memory_space<vmem>> -> memref<32xf32, #tpu.memory_space<vmem>>
        %parallel_loop3A_547 = arith.constant 0 : i32
        %parallel_loop3A_548 = tpu.memref_slice %arg7[%parallel_loop3A_497, %parallel_loop3A_547] : memref<1000000x32xf32, #tpu.memory_space<hbm>> -> memref<1x32xf32, #tpu.memory_space<hbm>>
        %parallel_loop3A_549 = tpu.memref_squeeze %parallel_loop3A_548 : memref<1x32xf32, #tpu.memory_space<hbm>> -> memref<32xf32, #tpu.memory_space<hbm>>
        tpu.enqueue_dma source(%parallel_loop3A_549 : memref<32xf32, #tpu.memory_space<hbm>>) target(%parallel_loop3A_546 : memref<32xf32, #tpu.memory_space<vmem>>) target_semaphore(%arg18 : memref<!tpu.dma_semaphore, #tpu.memory_space<semaphore_mem>>)
        %parallel_loop3A_550 = vector.extract_strided_slice %parallel_loop3A_42 {offsets = [9], sizes = [1], strides = [1]} : vector<16xi32> to vector<1xi32>
        %parallel_loop3A_551 = vector.extract %parallel_loop3A_550[0] : i32 from vector<1xi32>
        %parallel_loop3A_552 = vector.extract_strided_slice %parallel_loop3A_45 {offsets = [9], sizes = [1], strides = [1]} : vector<16xi32> to vector<1xi32>
        %parallel_loop3A_553 = vector.extract %parallel_loop3A_552[0] : i32 from vector<1xi32>
        %parallel_loop3A_554 = arith.constant 16 : i32
        %parallel_loop3A_555 = arith.muli %parallel_loop3A_36, %parallel_loop3A_554 : i32
        %parallel_loop3A_556 = arith.constant 9 : i32
        %parallel_loop3A_557 = arith.addi %parallel_loop3A_555, %parallel_loop3A_556 : i32
        %parallel_loop3A_558 = arith.constant 0 : i32
        %parallel_loop3A_559 = tpu.memref_slice %arg14[%parallel_loop3A_557, %parallel_loop3A_558] : memref<128x32xf32, #tpu.memory_space<vmem>> -> memref<1x32xf32, #tpu.memory_space<vmem>>
        %parallel_loop3A_560 = tpu.memref_squeeze %parallel_loop3A_559 : memref<1x32xf32, #tpu.memory_space<vmem>> -> memref<32xf32, #tpu.memory_space<vmem>>
        %parallel_loop3A_561 = arith.constant 0 : i32
        %parallel_loop3A_562 = tpu.memref_slice %arg4[%parallel_loop3A_551, %parallel_loop3A_561] : memref<1000000x32xf32, #tpu.memory_space<hbm>> -> memref<1x32xf32, #tpu.memory_space<hbm>>
        %parallel_loop3A_563 = tpu.memref_squeeze %parallel_loop3A_562 : memref<1x32xf32, #tpu.memory_space<hbm>> -> memref<32xf32, #tpu.memory_space<hbm>>
        %parallel_loop3A_564 = arith.constant 0 : i32
        %parallel_loop3A_565 = tpu.memref_slice %arg14[%parallel_loop3A_557, %parallel_loop3A_564] : memref<128x32xf32, #tpu.memory_space<vmem>> -> memref<1x32xf32, #tpu.memory_space<vmem>>
        %parallel_loop3A_566 = tpu.memref_squeeze %parallel_loop3A_565 : memref<1x32xf32, #tpu.memory_space<vmem>> -> memref<32xf32, #tpu.memory_space<vmem>>
        %parallel_loop3A_567 = arith.constant 0 : i32
        %parallel_loop3A_568 = tpu.memref_slice %arg4[%parallel_loop3A_551, %parallel_loop3A_567] : memref<1000000x32xf32, #tpu.memory_space<hbm>> -> memref<1x32xf32, #tpu.memory_space<hbm>>
        %parallel_loop3A_569 = tpu.memref_squeeze %parallel_loop3A_568 : memref<1x32xf32, #tpu.memory_space<hbm>> -> memref<32xf32, #tpu.memory_space<hbm>>
        tpu.enqueue_dma source(%parallel_loop3A_569 : memref<32xf32, #tpu.memory_space<hbm>>) target(%parallel_loop3A_566 : memref<32xf32, #tpu.memory_space<vmem>>) target_semaphore(%arg18 : memref<!tpu.dma_semaphore, #tpu.memory_space<semaphore_mem>>)
        %parallel_loop3A_570 = arith.constant 0 : i32
        %parallel_loop3A_571 = tpu.memref_slice %arg16[%parallel_loop3A_557, %parallel_loop3A_570] : memref<128x32xf32, #tpu.memory_space<vmem>> -> memref<1x32xf32, #tpu.memory_space<vmem>>
        %parallel_loop3A_572 = tpu.memref_squeeze %parallel_loop3A_571 : memref<1x32xf32, #tpu.memory_space<vmem>> -> memref<32xf32, #tpu.memory_space<vmem>>
        %parallel_loop3A_573 = arith.constant 0 : i32
        %parallel_loop3A_574 = tpu.memref_slice %arg6[%parallel_loop3A_551, %parallel_loop3A_573] : memref<1000000x32xf32, #tpu.memory_space<hbm>> -> memref<1x32xf32, #tpu.memory_space<hbm>>
        %parallel_loop3A_575 = tpu.memref_squeeze %parallel_loop3A_574 : memref<1x32xf32, #tpu.memory_space<hbm>> -> memref<32xf32, #tpu.memory_space<hbm>>
        %parallel_loop3A_576 = arith.constant 0 : i32
        %parallel_loop3A_577 = tpu.memref_slice %arg16[%parallel_loop3A_557, %parallel_loop3A_576] : memref<128x32xf32, #tpu.memory_space<vmem>> -> memref<1x32xf32, #tpu.memory_space<vmem>>
        %parallel_loop3A_578 = tpu.memref_squeeze %parallel_loop3A_577 : memref<1x32xf32, #tpu.memory_space<vmem>> -> memref<32xf32, #tpu.memory_space<vmem>>
        %parallel_loop3A_579 = arith.constant 0 : i32
        %parallel_loop3A_580 = tpu.memref_slice %arg6[%parallel_loop3A_551, %parallel_loop3A_579] : memref<1000000x32xf32, #tpu.memory_space<hbm>> -> memref<1x32xf32, #tpu.memory_space<hbm>>
        %parallel_loop3A_581 = tpu.memref_squeeze %parallel_loop3A_580 : memref<1x32xf32, #tpu.memory_space<hbm>> -> memref<32xf32, #tpu.memory_space<hbm>>
        tpu.enqueue_dma source(%parallel_loop3A_581 : memref<32xf32, #tpu.memory_space<hbm>>) target(%parallel_loop3A_578 : memref<32xf32, #tpu.memory_space<vmem>>) target_semaphore(%arg18 : memref<!tpu.dma_semaphore, #tpu.memory_space<semaphore_mem>>)
        %parallel_loop3A_582 = arith.constant 0 : i32
        %parallel_loop3A_583 = tpu.memref_slice %arg15[%parallel_loop3A_557, %parallel_loop3A_582] : memref<128x32xf32, #tpu.memory_space<vmem>> -> memref<1x32xf32, #tpu.memory_space<vmem>>
        %parallel_loop3A_584 = tpu.memref_squeeze %parallel_loop3A_583 : memref<1x32xf32, #tpu.memory_space<vmem>> -> memref<32xf32, #tpu.memory_space<vmem>>
        %parallel_loop3A_585 = arith.constant 0 : i32
        %parallel_loop3A_586 = tpu.memref_slice %arg5[%parallel_loop3A_553, %parallel_loop3A_585] : memref<1000000x32xf32, #tpu.memory_space<hbm>> -> memref<1x32xf32, #tpu.memory_space<hbm>>
        %parallel_loop3A_587 = tpu.memref_squeeze %parallel_loop3A_586 : memref<1x32xf32, #tpu.memory_space<hbm>> -> memref<32xf32, #tpu.memory_space<hbm>>
        %parallel_loop3A_588 = arith.constant 0 : i32
        %parallel_loop3A_589 = tpu.memref_slice %arg15[%parallel_loop3A_557, %parallel_loop3A_588] : memref<128x32xf32, #tpu.memory_space<vmem>> -> memref<1x32xf32, #tpu.memory_space<vmem>>
        %parallel_loop3A_590 = tpu.memref_squeeze %parallel_loop3A_589 : memref<1x32xf32, #tpu.memory_space<vmem>> -> memref<32xf32, #tpu.memory_space<vmem>>
        %parallel_loop3A_591 = arith.constant 0 : i32
        %parallel_loop3A_592 = tpu.memref_slice %arg5[%parallel_loop3A_553, %parallel_loop3A_591] : memref<1000000x32xf32, #tpu.memory_space<hbm>> -> memref<1x32xf32, #tpu.memory_space<hbm>>
        %parallel_loop3A_593 = tpu.memref_squeeze %parallel_loop3A_592 : memref<1x32xf32, #tpu.memory_space<hbm>> -> memref<32xf32, #tpu.memory_space<hbm>>
        tpu.enqueue_dma source(%parallel_loop3A_593 : memref<32xf32, #tpu.memory_space<hbm>>) target(%parallel_loop3A_590 : memref<32xf32, #tpu.memory_space<vmem>>) target_semaphore(%arg18 : memref<!tpu.dma_semaphore, #tpu.memory_space<semaphore_mem>>)
        %parallel_loop3A_594 = arith.constant 0 : i32
        %parallel_loop3A_595 = tpu.memref_slice %arg17[%parallel_loop3A_557, %parallel_loop3A_594] : memref<128x32xf32, #tpu.memory_space<vmem>> -> memref<1x32xf32, #tpu.memory_space<vmem>>
        %parallel_loop3A_596 = tpu.memref_squeeze %parallel_loop3A_595 : memref<1x32xf32, #tpu.memory_space<vmem>> -> memref<32xf32, #tpu.memory_space<vmem>>
        %parallel_loop3A_597 = arith.constant 0 : i32
        %parallel_loop3A_598 = tpu.memref_slice %arg7[%parallel_loop3A_553, %parallel_loop3A_597] : memref<1000000x32xf32, #tpu.memory_space<hbm>> -> memref<1x32xf32, #tpu.memory_space<hbm>>
        %parallel_loop3A_599 = tpu.memref_squeeze %parallel_loop3A_598 : memref<1x32xf32, #tpu.memory_space<hbm>> -> memref<32xf32, #tpu.memory_space<hbm>>
        %parallel_loop3A_600 = arith.constant 0 : i32
        %parallel_loop3A_601 = tpu.memref_slice %arg17[%parallel_loop3A_557, %parallel_loop3A_600] : memref<128x32xf32, #tpu.memory_space<vmem>> -> memref<1x32xf32, #tpu.memory_space<vmem>>
        %parallel_loop3A_602 = tpu.memref_squeeze %parallel_loop3A_601 : memref<1x32xf32, #tpu.memory_space<vmem>> -> memref<32xf32, #tpu.memory_space<vmem>>
        %parallel_loop3A_603 = arith.constant 0 : i32
        %parallel_loop3A_604 = tpu.memref_slice %arg7[%parallel_loop3A_553, %parallel_loop3A_603] : memref<1000000x32xf32, #tpu.memory_space<hbm>> -> memref<1x32xf32, #tpu.memory_space<hbm>>
        %parallel_loop3A_605 = tpu.memref_squeeze %parallel_loop3A_604 : memref<1x32xf32, #tpu.memory_space<hbm>> -> memref<32xf32, #tpu.memory_space<hbm>>
        tpu.enqueue_dma source(%parallel_loop3A_605 : memref<32xf32, #tpu.memory_space<hbm>>) target(%parallel_loop3A_602 : memref<32xf32, #tpu.memory_space<vmem>>) target_semaphore(%arg18 : memref<!tpu.dma_semaphore, #tpu.memory_space<semaphore_mem>>)
        %parallel_loop3A_606 = vector.extract_strided_slice %parallel_loop3A_42 {offsets = [10], sizes = [1], strides = [1]} : vector<16xi32> to vector<1xi32>
        %parallel_loop3A_607 = vector.extract %parallel_loop3A_606[0] : i32 from vector<1xi32>
        %parallel_loop3A_608 = vector.extract_strided_slice %parallel_loop3A_45 {offsets = [10], sizes = [1], strides = [1]} : vector<16xi32> to vector<1xi32>
        %parallel_loop3A_609 = vector.extract %parallel_loop3A_608[0] : i32 from vector<1xi32>
        %parallel_loop3A_610 = arith.constant 16 : i32
        %parallel_loop3A_611 = arith.muli %parallel_loop3A_36, %parallel_loop3A_610 : i32
        %parallel_loop3A_612 = arith.constant 10 : i32
        %parallel_loop3A_613 = arith.addi %parallel_loop3A_611, %parallel_loop3A_612 : i32
        %parallel_loop3A_614 = arith.constant 0 : i32
        %parallel_loop3A_615 = tpu.memref_slice %arg14[%parallel_loop3A_613, %parallel_loop3A_614] : memref<128x32xf32, #tpu.memory_space<vmem>> -> memref<1x32xf32, #tpu.memory_space<vmem>>
        %parallel_loop3A_616 = tpu.memref_squeeze %parallel_loop3A_615 : memref<1x32xf32, #tpu.memory_space<vmem>> -> memref<32xf32, #tpu.memory_space<vmem>>
        %parallel_loop3A_617 = arith.constant 0 : i32
        %parallel_loop3A_618 = tpu.memref_slice %arg4[%parallel_loop3A_607, %parallel_loop3A_617] : memref<1000000x32xf32, #tpu.memory_space<hbm>> -> memref<1x32xf32, #tpu.memory_space<hbm>>
        %parallel_loop3A_619 = tpu.memref_squeeze %parallel_loop3A_618 : memref<1x32xf32, #tpu.memory_space<hbm>> -> memref<32xf32, #tpu.memory_space<hbm>>
        %parallel_loop3A_620 = arith.constant 0 : i32
        %parallel_loop3A_621 = tpu.memref_slice %arg14[%parallel_loop3A_613, %parallel_loop3A_620] : memref<128x32xf32, #tpu.memory_space<vmem>> -> memref<1x32xf32, #tpu.memory_space<vmem>>
        %parallel_loop3A_622 = tpu.memref_squeeze %parallel_loop3A_621 : memref<1x32xf32, #tpu.memory_space<vmem>> -> memref<32xf32, #tpu.memory_space<vmem>>
        %parallel_loop3A_623 = arith.constant 0 : i32
        %parallel_loop3A_624 = tpu.memref_slice %arg4[%parallel_loop3A_607, %parallel_loop3A_623] : memref<1000000x32xf32, #tpu.memory_space<hbm>> -> memref<1x32xf32, #tpu.memory_space<hbm>>
        %parallel_loop3A_625 = tpu.memref_squeeze %parallel_loop3A_624 : memref<1x32xf32, #tpu.memory_space<hbm>> -> memref<32xf32, #tpu.memory_space<hbm>>
        tpu.enqueue_dma source(%parallel_loop3A_625 : memref<32xf32, #tpu.memory_space<hbm>>) target(%parallel_loop3A_622 : memref<32xf32, #tpu.memory_space<vmem>>) target_semaphore(%arg18 : memref<!tpu.dma_semaphore, #tpu.memory_space<semaphore_mem>>)
        %parallel_loop3A_626 = arith.constant 0 : i32
        %parallel_loop3A_627 = tpu.memref_slice %arg16[%parallel_loop3A_613, %parallel_loop3A_626] : memref<128x32xf32, #tpu.memory_space<vmem>> -> memref<1x32xf32, #tpu.memory_space<vmem>>
        %parallel_loop3A_628 = tpu.memref_squeeze %parallel_loop3A_627 : memref<1x32xf32, #tpu.memory_space<vmem>> -> memref<32xf32, #tpu.memory_space<vmem>>
        %parallel_loop3A_629 = arith.constant 0 : i32
        %parallel_loop3A_630 = tpu.memref_slice %arg6[%parallel_loop3A_607, %parallel_loop3A_629] : memref<1000000x32xf32, #tpu.memory_space<hbm>> -> memref<1x32xf32, #tpu.memory_space<hbm>>
        %parallel_loop3A_631 = tpu.memref_squeeze %parallel_loop3A_630 : memref<1x32xf32, #tpu.memory_space<hbm>> -> memref<32xf32, #tpu.memory_space<hbm>>
        %parallel_loop3A_632 = arith.constant 0 : i32
        %parallel_loop3A_633 = tpu.memref_slice %arg16[%parallel_loop3A_613, %parallel_loop3A_632] : memref<128x32xf32, #tpu.memory_space<vmem>> -> memref<1x32xf32, #tpu.memory_space<vmem>>
        %parallel_loop3A_634 = tpu.memref_squeeze %parallel_loop3A_633 : memref<1x32xf32, #tpu.memory_space<vmem>> -> memref<32xf32, #tpu.memory_space<vmem>>
        %parallel_loop3A_635 = arith.constant 0 : i32
        %parallel_loop3A_636 = tpu.memref_slice %arg6[%parallel_loop3A_607, %parallel_loop3A_635] : memref<1000000x32xf32, #tpu.memory_space<hbm>> -> memref<1x32xf32, #tpu.memory_space<hbm>>
        %parallel_loop3A_637 = tpu.memref_squeeze %parallel_loop3A_636 : memref<1x32xf32, #tpu.memory_space<hbm>> -> memref<32xf32, #tpu.memory_space<hbm>>
        tpu.enqueue_dma source(%parallel_loop3A_637 : memref<32xf32, #tpu.memory_space<hbm>>) target(%parallel_loop3A_634 : memref<32xf32, #tpu.memory_space<vmem>>) target_semaphore(%arg18 : memref<!tpu.dma_semaphore, #tpu.memory_space<semaphore_mem>>)
        %parallel_loop3A_638 = arith.constant 0 : i32
        %parallel_loop3A_639 = tpu.memref_slice %arg15[%parallel_loop3A_613, %parallel_loop3A_638] : memref<128x32xf32, #tpu.memory_space<vmem>> -> memref<1x32xf32, #tpu.memory_space<vmem>>
        %parallel_loop3A_640 = tpu.memref_squeeze %parallel_loop3A_639 : memref<1x32xf32, #tpu.memory_space<vmem>> -> memref<32xf32, #tpu.memory_space<vmem>>
        %parallel_loop3A_641 = arith.constant 0 : i32
        %parallel_loop3A_642 = tpu.memref_slice %arg5[%parallel_loop3A_609, %parallel_loop3A_641] : memref<1000000x32xf32, #tpu.memory_space<hbm>> -> memref<1x32xf32, #tpu.memory_space<hbm>>
        %parallel_loop3A_643 = tpu.memref_squeeze %parallel_loop3A_642 : memref<1x32xf32, #tpu.memory_space<hbm>> -> memref<32xf32, #tpu.memory_space<hbm>>
        %parallel_loop3A_644 = arith.constant 0 : i32
        %parallel_loop3A_645 = tpu.memref_slice %arg15[%parallel_loop3A_613, %parallel_loop3A_644] : memref<128x32xf32, #tpu.memory_space<vmem>> -> memref<1x32xf32, #tpu.memory_space<vmem>>
        %parallel_loop3A_646 = tpu.memref_squeeze %parallel_loop3A_645 : memref<1x32xf32, #tpu.memory_space<vmem>> -> memref<32xf32, #tpu.memory_space<vmem>>
        %parallel_loop3A_647 = arith.constant 0 : i32
        %parallel_loop3A_648 = tpu.memref_slice %arg5[%parallel_loop3A_609, %parallel_loop3A_647] : memref<1000000x32xf32, #tpu.memory_space<hbm>> -> memref<1x32xf32, #tpu.memory_space<hbm>>
        %parallel_loop3A_649 = tpu.memref_squeeze %parallel_loop3A_648 : memref<1x32xf32, #tpu.memory_space<hbm>> -> memref<32xf32, #tpu.memory_space<hbm>>
        tpu.enqueue_dma source(%parallel_loop3A_649 : memref<32xf32, #tpu.memory_space<hbm>>) target(%parallel_loop3A_646 : memref<32xf32, #tpu.memory_space<vmem>>) target_semaphore(%arg18 : memref<!tpu.dma_semaphore, #tpu.memory_space<semaphore_mem>>)
        %parallel_loop3A_650 = arith.constant 0 : i32
        %parallel_loop3A_651 = tpu.memref_slice %arg17[%parallel_loop3A_613, %parallel_loop3A_650] : memref<128x32xf32, #tpu.memory_space<vmem>> -> memref<1x32xf32, #tpu.memory_space<vmem>>
        %parallel_loop3A_652 = tpu.memref_squeeze %parallel_loop3A_651 : memref<1x32xf32, #tpu.memory_space<vmem>> -> memref<32xf32, #tpu.memory_space<vmem>>
        %parallel_loop3A_653 = arith.constant 0 : i32
        %parallel_loop3A_654 = tpu.memref_slice %arg7[%parallel_loop3A_609, %parallel_loop3A_653] : memref<1000000x32xf32, #tpu.memory_space<hbm>> -> memref<1x32xf32, #tpu.memory_space<hbm>>
        %parallel_loop3A_655 = tpu.memref_squeeze %parallel_loop3A_654 : memref<1x32xf32, #tpu.memory_space<hbm>> -> memref<32xf32, #tpu.memory_space<hbm>>
        %parallel_loop3A_656 = arith.constant 0 : i32
        %parallel_loop3A_657 = tpu.memref_slice %arg17[%parallel_loop3A_613, %parallel_loop3A_656] : memref<128x32xf32, #tpu.memory_space<vmem>> -> memref<1x32xf32, #tpu.memory_space<vmem>>
        %parallel_loop3A_658 = tpu.memref_squeeze %parallel_loop3A_657 : memref<1x32xf32, #tpu.memory_space<vmem>> -> memref<32xf32, #tpu.memory_space<vmem>>
        %parallel_loop3A_659 = arith.constant 0 : i32
        %parallel_loop3A_660 = tpu.memref_slice %arg7[%parallel_loop3A_609, %parallel_loop3A_659] : memref<1000000x32xf32, #tpu.memory_space<hbm>> -> memref<1x32xf32, #tpu.memory_space<hbm>>
        %parallel_loop3A_661 = tpu.memref_squeeze %parallel_loop3A_660 : memref<1x32xf32, #tpu.memory_space<hbm>> -> memref<32xf32, #tpu.memory_space<hbm>>
        tpu.enqueue_dma source(%parallel_loop3A_661 : memref<32xf32, #tpu.memory_space<hbm>>) target(%parallel_loop3A_658 : memref<32xf32, #tpu.memory_space<vmem>>) target_semaphore(%arg18 : memref<!tpu.dma_semaphore, #tpu.memory_space<semaphore_mem>>)
        %parallel_loop3A_662 = vector.extract_strided_slice %parallel_loop3A_42 {offsets = [11], sizes = [1], strides = [1]} : vector<16xi32> to vector<1xi32>
        %parallel_loop3A_663 = vector.extract %parallel_loop3A_662[0] : i32 from vector<1xi32>
        %parallel_loop3A_664 = vector.extract_strided_slice %parallel_loop3A_45 {offsets = [11], sizes = [1], strides = [1]} : vector<16xi32> to vector<1xi32>
        %parallel_loop3A_665 = vector.extract %parallel_loop3A_664[0] : i32 from vector<1xi32>
        %parallel_loop3A_666 = arith.constant 16 : i32
        %parallel_loop3A_667 = arith.muli %parallel_loop3A_36, %parallel_loop3A_666 : i32
        %parallel_loop3A_668 = arith.constant 11 : i32
        %parallel_loop3A_669 = arith.addi %parallel_loop3A_667, %parallel_loop3A_668 : i32
        %parallel_loop3A_670 = arith.constant 0 : i32
        %parallel_loop3A_671 = tpu.memref_slice %arg14[%parallel_loop3A_669, %parallel_loop3A_670] : memref<128x32xf32, #tpu.memory_space<vmem>> -> memref<1x32xf32, #tpu.memory_space<vmem>>
        %parallel_loop3A_672 = tpu.memref_squeeze %parallel_loop3A_671 : memref<1x32xf32, #tpu.memory_space<vmem>> -> memref<32xf32, #tpu.memory_space<vmem>>
        %parallel_loop3A_673 = arith.constant 0 : i32
        %parallel_loop3A_674 = tpu.memref_slice %arg4[%parallel_loop3A_663, %parallel_loop3A_673] : memref<1000000x32xf32, #tpu.memory_space<hbm>> -> memref<1x32xf32, #tpu.memory_space<hbm>>
        %parallel_loop3A_675 = tpu.memref_squeeze %parallel_loop3A_674 : memref<1x32xf32, #tpu.memory_space<hbm>> -> memref<32xf32, #tpu.memory_space<hbm>>
        %parallel_loop3A_676 = arith.constant 0 : i32
        %parallel_loop3A_677 = tpu.memref_slice %arg14[%parallel_loop3A_669, %parallel_loop3A_676] : memref<128x32xf32, #tpu.memory_space<vmem>> -> memref<1x32xf32, #tpu.memory_space<vmem>>
        %parallel_loop3A_678 = tpu.memref_squeeze %parallel_loop3A_677 : memref<1x32xf32, #tpu.memory_space<vmem>> -> memref<32xf32, #tpu.memory_space<vmem>>
        %parallel_loop3A_679 = arith.constant 0 : i32
        %parallel_loop3A_680 = tpu.memref_slice %arg4[%parallel_loop3A_663, %parallel_loop3A_679] : memref<1000000x32xf32, #tpu.memory_space<hbm>> -> memref<1x32xf32, #tpu.memory_space<hbm>>
        %parallel_loop3A_681 = tpu.memref_squeeze %parallel_loop3A_680 : memref<1x32xf32, #tpu.memory_space<hbm>> -> memref<32xf32, #tpu.memory_space<hbm>>
        tpu.enqueue_dma source(%parallel_loop3A_681 : memref<32xf32, #tpu.memory_space<hbm>>) target(%parallel_loop3A_678 : memref<32xf32, #tpu.memory_space<vmem>>) target_semaphore(%arg18 : memref<!tpu.dma_semaphore, #tpu.memory_space<semaphore_mem>>)
        %parallel_loop3A_682 = arith.constant 0 : i32
        %parallel_loop3A_683 = tpu.memref_slice %arg16[%parallel_loop3A_669, %parallel_loop3A_682] : memref<128x32xf32, #tpu.memory_space<vmem>> -> memref<1x32xf32, #tpu.memory_space<vmem>>
        %parallel_loop3A_684 = tpu.memref_squeeze %parallel_loop3A_683 : memref<1x32xf32, #tpu.memory_space<vmem>> -> memref<32xf32, #tpu.memory_space<vmem>>
        %parallel_loop3A_685 = arith.constant 0 : i32
        %parallel_loop3A_686 = tpu.memref_slice %arg6[%parallel_loop3A_663, %parallel_loop3A_685] : memref<1000000x32xf32, #tpu.memory_space<hbm>> -> memref<1x32xf32, #tpu.memory_space<hbm>>
        %parallel_loop3A_687 = tpu.memref_squeeze %parallel_loop3A_686 : memref<1x32xf32, #tpu.memory_space<hbm>> -> memref<32xf32, #tpu.memory_space<hbm>>
        %parallel_loop3A_688 = arith.constant 0 : i32
        %parallel_loop3A_689 = tpu.memref_slice %arg16[%parallel_loop3A_669, %parallel_loop3A_688] : memref<128x32xf32, #tpu.memory_space<vmem>> -> memref<1x32xf32, #tpu.memory_space<vmem>>
        %parallel_loop3A_690 = tpu.memref_squeeze %parallel_loop3A_689 : memref<1x32xf32, #tpu.memory_space<vmem>> -> memref<32xf32, #tpu.memory_space<vmem>>
        %parallel_loop3A_691 = arith.constant 0 : i32
        %parallel_loop3A_692 = tpu.memref_slice %arg6[%parallel_loop3A_663, %parallel_loop3A_691] : memref<1000000x32xf32, #tpu.memory_space<hbm>> -> memref<1x32xf32, #tpu.memory_space<hbm>>
        %parallel_loop3A_693 = tpu.memref_squeeze %parallel_loop3A_692 : memref<1x32xf32, #tpu.memory_space<hbm>> -> memref<32xf32, #tpu.memory_space<hbm>>
        tpu.enqueue_dma source(%parallel_loop3A_693 : memref<32xf32, #tpu.memory_space<hbm>>) target(%parallel_loop3A_690 : memref<32xf32, #tpu.memory_space<vmem>>) target_semaphore(%arg18 : memref<!tpu.dma_semaphore, #tpu.memory_space<semaphore_mem>>)
        %parallel_loop3A_694 = arith.constant 0 : i32
        %parallel_loop3A_695 = tpu.memref_slice %arg15[%parallel_loop3A_669, %parallel_loop3A_694] : memref<128x32xf32, #tpu.memory_space<vmem>> -> memref<1x32xf32, #tpu.memory_space<vmem>>
        %parallel_loop3A_696 = tpu.memref_squeeze %parallel_loop3A_695 : memref<1x32xf32, #tpu.memory_space<vmem>> -> memref<32xf32, #tpu.memory_space<vmem>>
        %parallel_loop3A_697 = arith.constant 0 : i32
        %parallel_loop3A_698 = tpu.memref_slice %arg5[%parallel_loop3A_665, %parallel_loop3A_697] : memref<1000000x32xf32, #tpu.memory_space<hbm>> -> memref<1x32xf32, #tpu.memory_space<hbm>>
        %parallel_loop3A_699 = tpu.memref_squeeze %parallel_loop3A_698 : memref<1x32xf32, #tpu.memory_space<hbm>> -> memref<32xf32, #tpu.memory_space<hbm>>
        %parallel_loop3A_700 = arith.constant 0 : i32
        %parallel_loop3A_701 = tpu.memref_slice %arg15[%parallel_loop3A_669, %parallel_loop3A_700] : memref<128x32xf32, #tpu.memory_space<vmem>> -> memref<1x32xf32, #tpu.memory_space<vmem>>
        %parallel_loop3A_702 = tpu.memref_squeeze %parallel_loop3A_701 : memref<1x32xf32, #tpu.memory_space<vmem>> -> memref<32xf32, #tpu.memory_space<vmem>>
        %parallel_loop3A_703 = arith.constant 0 : i32
        %parallel_loop3A_704 = tpu.memref_slice %arg5[%parallel_loop3A_665, %parallel_loop3A_703] : memref<1000000x32xf32, #tpu.memory_space<hbm>> -> memref<1x32xf32, #tpu.memory_space<hbm>>
        %parallel_loop3A_705 = tpu.memref_squeeze %parallel_loop3A_704 : memref<1x32xf32, #tpu.memory_space<hbm>> -> memref<32xf32, #tpu.memory_space<hbm>>
        tpu.enqueue_dma source(%parallel_loop3A_705 : memref<32xf32, #tpu.memory_space<hbm>>) target(%parallel_loop3A_702 : memref<32xf32, #tpu.memory_space<vmem>>) target_semaphore(%arg18 : memref<!tpu.dma_semaphore, #tpu.memory_space<semaphore_mem>>)
        %parallel_loop3A_706 = arith.constant 0 : i32
        %parallel_loop3A_707 = tpu.memref_slice %arg17[%parallel_loop3A_669, %parallel_loop3A_706] : memref<128x32xf32, #tpu.memory_space<vmem>> -> memref<1x32xf32, #tpu.memory_space<vmem>>
        %parallel_loop3A_708 = tpu.memref_squeeze %parallel_loop3A_707 : memref<1x32xf32, #tpu.memory_space<vmem>> -> memref<32xf32, #tpu.memory_space<vmem>>
        %parallel_loop3A_709 = arith.constant 0 : i32
        %parallel_loop3A_710 = tpu.memref_slice %arg7[%parallel_loop3A_665, %parallel_loop3A_709] : memref<1000000x32xf32, #tpu.memory_space<hbm>> -> memref<1x32xf32, #tpu.memory_space<hbm>>
        %parallel_loop3A_711 = tpu.memref_squeeze %parallel_loop3A_710 : memref<1x32xf32, #tpu.memory_space<hbm>> -> memref<32xf32, #tpu.memory_space<hbm>>
        %parallel_loop3A_712 = arith.constant 0 : i32
        %parallel_loop3A_713 = tpu.memref_slice %arg17[%parallel_loop3A_669, %parallel_loop3A_712] : memref<128x32xf32, #tpu.memory_space<vmem>> -> memref<1x32xf32, #tpu.memory_space<vmem>>
        %parallel_loop3A_714 = tpu.memref_squeeze %parallel_loop3A_713 : memref<1x32xf32, #tpu.memory_space<vmem>> -> memref<32xf32, #tpu.memory_space<vmem>>
        %parallel_loop3A_715 = arith.constant 0 : i32
        %parallel_loop3A_716 = tpu.memref_slice %arg7[%parallel_loop3A_665, %parallel_loop3A_715] : memref<1000000x32xf32, #tpu.memory_space<hbm>> -> memref<1x32xf32, #tpu.memory_space<hbm>>
        %parallel_loop3A_717 = tpu.memref_squeeze %parallel_loop3A_716 : memref<1x32xf32, #tpu.memory_space<hbm>> -> memref<32xf32, #tpu.memory_space<hbm>>
        tpu.enqueue_dma source(%parallel_loop3A_717 : memref<32xf32, #tpu.memory_space<hbm>>) target(%parallel_loop3A_714 : memref<32xf32, #tpu.memory_space<vmem>>) target_semaphore(%arg18 : memref<!tpu.dma_semaphore, #tpu.memory_space<semaphore_mem>>)
        %parallel_loop3A_718 = vector.extract_strided_slice %parallel_loop3A_42 {offsets = [12], sizes = [1], strides = [1]} : vector<16xi32> to vector<1xi32>
        %parallel_loop3A_719 = vector.extract %parallel_loop3A_718[0] : i32 from vector<1xi32>
        %parallel_loop3A_720 = vector.extract_strided_slice %parallel_loop3A_45 {offsets = [12], sizes = [1], strides = [1]} : vector<16xi32> to vector<1xi32>
        %parallel_loop3A_721 = vector.extract %parallel_loop3A_720[0] : i32 from vector<1xi32>
        %parallel_loop3A_722 = arith.constant 16 : i32
        %parallel_loop3A_723 = arith.muli %parallel_loop3A_36, %parallel_loop3A_722 : i32
        %parallel_loop3A_724 = arith.constant 12 : i32
        %parallel_loop3A_725 = arith.addi %parallel_loop3A_723, %parallel_loop3A_724 : i32
        %parallel_loop3A_726 = arith.constant 0 : i32
        %parallel_loop3A_727 = tpu.memref_slice %arg14[%parallel_loop3A_725, %parallel_loop3A_726] : memref<128x32xf32, #tpu.memory_space<vmem>> -> memref<1x32xf32, #tpu.memory_space<vmem>>
        %parallel_loop3A_728 = tpu.memref_squeeze %parallel_loop3A_727 : memref<1x32xf32, #tpu.memory_space<vmem>> -> memref<32xf32, #tpu.memory_space<vmem>>
        %parallel_loop3A_729 = arith.constant 0 : i32
        %parallel_loop3A_730 = tpu.memref_slice %arg4[%parallel_loop3A_719, %parallel_loop3A_729] : memref<1000000x32xf32, #tpu.memory_space<hbm>> -> memref<1x32xf32, #tpu.memory_space<hbm>>
        %parallel_loop3A_731 = tpu.memref_squeeze %parallel_loop3A_730 : memref<1x32xf32, #tpu.memory_space<hbm>> -> memref<32xf32, #tpu.memory_space<hbm>>
        %parallel_loop3A_732 = arith.constant 0 : i32
        %parallel_loop3A_733 = tpu.memref_slice %arg14[%parallel_loop3A_725, %parallel_loop3A_732] : memref<128x32xf32, #tpu.memory_space<vmem>> -> memref<1x32xf32, #tpu.memory_space<vmem>>
        %parallel_loop3A_734 = tpu.memref_squeeze %parallel_loop3A_733 : memref<1x32xf32, #tpu.memory_space<vmem>> -> memref<32xf32, #tpu.memory_space<vmem>>
        %parallel_loop3A_735 = arith.constant 0 : i32
        %parallel_loop3A_736 = tpu.memref_slice %arg4[%parallel_loop3A_719, %parallel_loop3A_735] : memref<1000000x32xf32, #tpu.memory_space<hbm>> -> memref<1x32xf32, #tpu.memory_space<hbm>>
        %parallel_loop3A_737 = tpu.memref_squeeze %parallel_loop3A_736 : memref<1x32xf32, #tpu.memory_space<hbm>> -> memref<32xf32, #tpu.memory_space<hbm>>
        tpu.enqueue_dma source(%parallel_loop3A_737 : memref<32xf32, #tpu.memory_space<hbm>>) target(%parallel_loop3A_734 : memref<32xf32, #tpu.memory_space<vmem>>) target_semaphore(%arg18 : memref<!tpu.dma_semaphore, #tpu.memory_space<semaphore_mem>>)
        %parallel_loop3A_738 = arith.constant 0 : i32
        %parallel_loop3A_739 = tpu.memref_slice %arg16[%parallel_loop3A_725, %parallel_loop3A_738] : memref<128x32xf32, #tpu.memory_space<vmem>> -> memref<1x32xf32, #tpu.memory_space<vmem>>
        %parallel_loop3A_740 = tpu.memref_squeeze %parallel_loop3A_739 : memref<1x32xf32, #tpu.memory_space<vmem>> -> memref<32xf32, #tpu.memory_space<vmem>>
        %parallel_loop3A_741 = arith.constant 0 : i32
        %parallel_loop3A_742 = tpu.memref_slice %arg6[%parallel_loop3A_719, %parallel_loop3A_741] : memref<1000000x32xf32, #tpu.memory_space<hbm>> -> memref<1x32xf32, #tpu.memory_space<hbm>>
        %parallel_loop3A_743 = tpu.memref_squeeze %parallel_loop3A_742 : memref<1x32xf32, #tpu.memory_space<hbm>> -> memref<32xf32, #tpu.memory_space<hbm>>
        %parallel_loop3A_744 = arith.constant 0 : i32
        %parallel_loop3A_745 = tpu.memref_slice %arg16[%parallel_loop3A_725, %parallel_loop3A_744] : memref<128x32xf32, #tpu.memory_space<vmem>> -> memref<1x32xf32, #tpu.memory_space<vmem>>
        %parallel_loop3A_746 = tpu.memref_squeeze %parallel_loop3A_745 : memref<1x32xf32, #tpu.memory_space<vmem>> -> memref<32xf32, #tpu.memory_space<vmem>>
        %parallel_loop3A_747 = arith.constant 0 : i32
        %parallel_loop3A_748 = tpu.memref_slice %arg6[%parallel_loop3A_719, %parallel_loop3A_747] : memref<1000000x32xf32, #tpu.memory_space<hbm>> -> memref<1x32xf32, #tpu.memory_space<hbm>>
        %parallel_loop3A_749 = tpu.memref_squeeze %parallel_loop3A_748 : memref<1x32xf32, #tpu.memory_space<hbm>> -> memref<32xf32, #tpu.memory_space<hbm>>
        tpu.enqueue_dma source(%parallel_loop3A_749 : memref<32xf32, #tpu.memory_space<hbm>>) target(%parallel_loop3A_746 : memref<32xf32, #tpu.memory_space<vmem>>) target_semaphore(%arg18 : memref<!tpu.dma_semaphore, #tpu.memory_space<semaphore_mem>>)
        %parallel_loop3A_750 = arith.constant 0 : i32
        %parallel_loop3A_751 = tpu.memref_slice %arg15[%parallel_loop3A_725, %parallel_loop3A_750] : memref<128x32xf32, #tpu.memory_space<vmem>> -> memref<1x32xf32, #tpu.memory_space<vmem>>
        %parallel_loop3A_752 = tpu.memref_squeeze %parallel_loop3A_751 : memref<1x32xf32, #tpu.memory_space<vmem>> -> memref<32xf32, #tpu.memory_space<vmem>>
        %parallel_loop3A_753 = arith.constant 0 : i32
        %parallel_loop3A_754 = tpu.memref_slice %arg5[%parallel_loop3A_721, %parallel_loop3A_753] : memref<1000000x32xf32, #tpu.memory_space<hbm>> -> memref<1x32xf32, #tpu.memory_space<hbm>>
        %parallel_loop3A_755 = tpu.memref_squeeze %parallel_loop3A_754 : memref<1x32xf32, #tpu.memory_space<hbm>> -> memref<32xf32, #tpu.memory_space<hbm>>
        %parallel_loop3A_756 = arith.constant 0 : i32
        %parallel_loop3A_757 = tpu.memref_slice %arg15[%parallel_loop3A_725, %parallel_loop3A_756] : memref<128x32xf32, #tpu.memory_space<vmem>> -> memref<1x32xf32, #tpu.memory_space<vmem>>
        %parallel_loop3A_758 = tpu.memref_squeeze %parallel_loop3A_757 : memref<1x32xf32, #tpu.memory_space<vmem>> -> memref<32xf32, #tpu.memory_space<vmem>>
        %parallel_loop3A_759 = arith.constant 0 : i32
        %parallel_loop3A_760 = tpu.memref_slice %arg5[%parallel_loop3A_721, %parallel_loop3A_759] : memref<1000000x32xf32, #tpu.memory_space<hbm>> -> memref<1x32xf32, #tpu.memory_space<hbm>>
        %parallel_loop3A_761 = tpu.memref_squeeze %parallel_loop3A_760 : memref<1x32xf32, #tpu.memory_space<hbm>> -> memref<32xf32, #tpu.memory_space<hbm>>
        tpu.enqueue_dma source(%parallel_loop3A_761 : memref<32xf32, #tpu.memory_space<hbm>>) target(%parallel_loop3A_758 : memref<32xf32, #tpu.memory_space<vmem>>) target_semaphore(%arg18 : memref<!tpu.dma_semaphore, #tpu.memory_space<semaphore_mem>>)
        %parallel_loop3A_762 = arith.constant 0 : i32
        %parallel_loop3A_763 = tpu.memref_slice %arg17[%parallel_loop3A_725, %parallel_loop3A_762] : memref<128x32xf32, #tpu.memory_space<vmem>> -> memref<1x32xf32, #tpu.memory_space<vmem>>
        %parallel_loop3A_764 = tpu.memref_squeeze %parallel_loop3A_763 : memref<1x32xf32, #tpu.memory_space<vmem>> -> memref<32xf32, #tpu.memory_space<vmem>>
        %parallel_loop3A_765 = arith.constant 0 : i32
        %parallel_loop3A_766 = tpu.memref_slice %arg7[%parallel_loop3A_721, %parallel_loop3A_765] : memref<1000000x32xf32, #tpu.memory_space<hbm>> -> memref<1x32xf32, #tpu.memory_space<hbm>>
        %parallel_loop3A_767 = tpu.memref_squeeze %parallel_loop3A_766 : memref<1x32xf32, #tpu.memory_space<hbm>> -> memref<32xf32, #tpu.memory_space<hbm>>
        %parallel_loop3A_768 = arith.constant 0 : i32
        %parallel_loop3A_769 = tpu.memref_slice %arg17[%parallel_loop3A_725, %parallel_loop3A_768] : memref<128x32xf32, #tpu.memory_space<vmem>> -> memref<1x32xf32, #tpu.memory_space<vmem>>
        %parallel_loop3A_770 = tpu.memref_squeeze %parallel_loop3A_769 : memref<1x32xf32, #tpu.memory_space<vmem>> -> memref<32xf32, #tpu.memory_space<vmem>>
        %parallel_loop3A_771 = arith.constant 0 : i32
        %parallel_loop3A_772 = tpu.memref_slice %arg7[%parallel_loop3A_721, %parallel_loop3A_771] : memref<1000000x32xf32, #tpu.memory_space<hbm>> -> memref<1x32xf32, #tpu.memory_space<hbm>>
        %parallel_loop3A_773 = tpu.memref_squeeze %parallel_loop3A_772 : memref<1x32xf32, #tpu.memory_space<hbm>> -> memref<32xf32, #tpu.memory_space<hbm>>
        tpu.enqueue_dma source(%parallel_loop3A_773 : memref<32xf32, #tpu.memory_space<hbm>>) target(%parallel_loop3A_770 : memref<32xf32, #tpu.memory_space<vmem>>) target_semaphore(%arg18 : memref<!tpu.dma_semaphore, #tpu.memory_space<semaphore_mem>>)
        %parallel_loop3A_774 = vector.extract_strided_slice %parallel_loop3A_42 {offsets = [13], sizes = [1], strides = [1]} : vector<16xi32> to vector<1xi32>
        %parallel_loop3A_775 = vector.extract %parallel_loop3A_774[0] : i32 from vector<1xi32>
        %parallel_loop3A_776 = vector.extract_strided_slice %parallel_loop3A_45 {offsets = [13], sizes = [1], strides = [1]} : vector<16xi32> to vector<1xi32>
        %parallel_loop3A_777 = vector.extract %parallel_loop3A_776[0] : i32 from vector<1xi32>
        %parallel_loop3A_778 = arith.constant 16 : i32
        %parallel_loop3A_779 = arith.muli %parallel_loop3A_36, %parallel_loop3A_778 : i32
        %parallel_loop3A_780 = arith.constant 13 : i32
        %parallel_loop3A_781 = arith.addi %parallel_loop3A_779, %parallel_loop3A_780 : i32
        %parallel_loop3A_782 = arith.constant 0 : i32
        %parallel_loop3A_783 = tpu.memref_slice %arg14[%parallel_loop3A_781, %parallel_loop3A_782] : memref<128x32xf32, #tpu.memory_space<vmem>> -> memref<1x32xf32, #tpu.memory_space<vmem>>
        %parallel_loop3A_784 = tpu.memref_squeeze %parallel_loop3A_783 : memref<1x32xf32, #tpu.memory_space<vmem>> -> memref<32xf32, #tpu.memory_space<vmem>>
        %parallel_loop3A_785 = arith.constant 0 : i32
        %parallel_loop3A_786 = tpu.memref_slice %arg4[%parallel_loop3A_775, %parallel_loop3A_785] : memref<1000000x32xf32, #tpu.memory_space<hbm>> -> memref<1x32xf32, #tpu.memory_space<hbm>>
        %parallel_loop3A_787 = tpu.memref_squeeze %parallel_loop3A_786 : memref<1x32xf32, #tpu.memory_space<hbm>> -> memref<32xf32, #tpu.memory_space<hbm>>
        %parallel_loop3A_788 = arith.constant 0 : i32
        %parallel_loop3A_789 = tpu.memref_slice %arg14[%parallel_loop3A_781, %parallel_loop3A_788] : memref<128x32xf32, #tpu.memory_space<vmem>> -> memref<1x32xf32, #tpu.memory_space<vmem>>
        %parallel_loop3A_790 = tpu.memref_squeeze %parallel_loop3A_789 : memref<1x32xf32, #tpu.memory_space<vmem>> -> memref<32xf32, #tpu.memory_space<vmem>>
        %parallel_loop3A_791 = arith.constant 0 : i32
        %parallel_loop3A_792 = tpu.memref_slice %arg4[%parallel_loop3A_775, %parallel_loop3A_791] : memref<1000000x32xf32, #tpu.memory_space<hbm>> -> memref<1x32xf32, #tpu.memory_space<hbm>>
        %parallel_loop3A_793 = tpu.memref_squeeze %parallel_loop3A_792 : memref<1x32xf32, #tpu.memory_space<hbm>> -> memref<32xf32, #tpu.memory_space<hbm>>
        tpu.enqueue_dma source(%parallel_loop3A_793 : memref<32xf32, #tpu.memory_space<hbm>>) target(%parallel_loop3A_790 : memref<32xf32, #tpu.memory_space<vmem>>) target_semaphore(%arg18 : memref<!tpu.dma_semaphore, #tpu.memory_space<semaphore_mem>>)
        %parallel_loop3A_794 = arith.constant 0 : i32
        %parallel_loop3A_795 = tpu.memref_slice %arg16[%parallel_loop3A_781, %parallel_loop3A_794] : memref<128x32xf32, #tpu.memory_space<vmem>> -> memref<1x32xf32, #tpu.memory_space<vmem>>
        %parallel_loop3A_796 = tpu.memref_squeeze %parallel_loop3A_795 : memref<1x32xf32, #tpu.memory_space<vmem>> -> memref<32xf32, #tpu.memory_space<vmem>>
        %parallel_loop3A_797 = arith.constant 0 : i32
        %parallel_loop3A_798 = tpu.memref_slice %arg6[%parallel_loop3A_775, %parallel_loop3A_797] : memref<1000000x32xf32, #tpu.memory_space<hbm>> -> memref<1x32xf32, #tpu.memory_space<hbm>>
        %parallel_loop3A_799 = tpu.memref_squeeze %parallel_loop3A_798 : memref<1x32xf32, #tpu.memory_space<hbm>> -> memref<32xf32, #tpu.memory_space<hbm>>
        %parallel_loop3A_800 = arith.constant 0 : i32
        %parallel_loop3A_801 = tpu.memref_slice %arg16[%parallel_loop3A_781, %parallel_loop3A_800] : memref<128x32xf32, #tpu.memory_space<vmem>> -> memref<1x32xf32, #tpu.memory_space<vmem>>
        %parallel_loop3A_802 = tpu.memref_squeeze %parallel_loop3A_801 : memref<1x32xf32, #tpu.memory_space<vmem>> -> memref<32xf32, #tpu.memory_space<vmem>>
        %parallel_loop3A_803 = arith.constant 0 : i32
        %parallel_loop3A_804 = tpu.memref_slice %arg6[%parallel_loop3A_775, %parallel_loop3A_803] : memref<1000000x32xf32, #tpu.memory_space<hbm>> -> memref<1x32xf32, #tpu.memory_space<hbm>>
        %parallel_loop3A_805 = tpu.memref_squeeze %parallel_loop3A_804 : memref<1x32xf32, #tpu.memory_space<hbm>> -> memref<32xf32, #tpu.memory_space<hbm>>
        tpu.enqueue_dma source(%parallel_loop3A_805 : memref<32xf32, #tpu.memory_space<hbm>>) target(%parallel_loop3A_802 : memref<32xf32, #tpu.memory_space<vmem>>) target_semaphore(%arg18 : memref<!tpu.dma_semaphore, #tpu.memory_space<semaphore_mem>>)
        %parallel_loop3A_806 = arith.constant 0 : i32
        %parallel_loop3A_807 = tpu.memref_slice %arg15[%parallel_loop3A_781, %parallel_loop3A_806] : memref<128x32xf32, #tpu.memory_space<vmem>> -> memref<1x32xf32, #tpu.memory_space<vmem>>
        %parallel_loop3A_808 = tpu.memref_squeeze %parallel_loop3A_807 : memref<1x32xf32, #tpu.memory_space<vmem>> -> memref<32xf32, #tpu.memory_space<vmem>>
        %parallel_loop3A_809 = arith.constant 0 : i32
        %parallel_loop3A_810 = tpu.memref_slice %arg5[%parallel_loop3A_777, %parallel_loop3A_809] : memref<1000000x32xf32, #tpu.memory_space<hbm>> -> memref<1x32xf32, #tpu.memory_space<hbm>>
        %parallel_loop3A_811 = tpu.memref_squeeze %parallel_loop3A_810 : memref<1x32xf32, #tpu.memory_space<hbm>> -> memref<32xf32, #tpu.memory_space<hbm>>
        %parallel_loop3A_812 = arith.constant 0 : i32
        %parallel_loop3A_813 = tpu.memref_slice %arg15[%parallel_loop3A_781, %parallel_loop3A_812] : memref<128x32xf32, #tpu.memory_space<vmem>> -> memref<1x32xf32, #tpu.memory_space<vmem>>
        %parallel_loop3A_814 = tpu.memref_squeeze %parallel_loop3A_813 : memref<1x32xf32, #tpu.memory_space<vmem>> -> memref<32xf32, #tpu.memory_space<vmem>>
        %parallel_loop3A_815 = arith.constant 0 : i32
        %parallel_loop3A_816 = tpu.memref_slice %arg5[%parallel_loop3A_777, %parallel_loop3A_815] : memref<1000000x32xf32, #tpu.memory_space<hbm>> -> memref<1x32xf32, #tpu.memory_space<hbm>>
        %parallel_loop3A_817 = tpu.memref_squeeze %parallel_loop3A_816 : memref<1x32xf32, #tpu.memory_space<hbm>> -> memref<32xf32, #tpu.memory_space<hbm>>
        tpu.enqueue_dma source(%parallel_loop3A_817 : memref<32xf32, #tpu.memory_space<hbm>>) target(%parallel_loop3A_814 : memref<32xf32, #tpu.memory_space<vmem>>) target_semaphore(%arg18 : memref<!tpu.dma_semaphore, #tpu.memory_space<semaphore_mem>>)
        %parallel_loop3A_818 = arith.constant 0 : i32
        %parallel_loop3A_819 = tpu.memref_slice %arg17[%parallel_loop3A_781, %parallel_loop3A_818] : memref<128x32xf32, #tpu.memory_space<vmem>> -> memref<1x32xf32, #tpu.memory_space<vmem>>
        %parallel_loop3A_820 = tpu.memref_squeeze %parallel_loop3A_819 : memref<1x32xf32, #tpu.memory_space<vmem>> -> memref<32xf32, #tpu.memory_space<vmem>>
        %parallel_loop3A_821 = arith.constant 0 : i32
        %parallel_loop3A_822 = tpu.memref_slice %arg7[%parallel_loop3A_777, %parallel_loop3A_821] : memref<1000000x32xf32, #tpu.memory_space<hbm>> -> memref<1x32xf32, #tpu.memory_space<hbm>>
        %parallel_loop3A_823 = tpu.memref_squeeze %parallel_loop3A_822 : memref<1x32xf32, #tpu.memory_space<hbm>> -> memref<32xf32, #tpu.memory_space<hbm>>
        %parallel_loop3A_824 = arith.constant 0 : i32
        %parallel_loop3A_825 = tpu.memref_slice %arg17[%parallel_loop3A_781, %parallel_loop3A_824] : memref<128x32xf32, #tpu.memory_space<vmem>> -> memref<1x32xf32, #tpu.memory_space<vmem>>
        %parallel_loop3A_826 = tpu.memref_squeeze %parallel_loop3A_825 : memref<1x32xf32, #tpu.memory_space<vmem>> -> memref<32xf32, #tpu.memory_space<vmem>>
        %parallel_loop3A_827 = arith.constant 0 : i32
        %parallel_loop3A_828 = tpu.memref_slice %arg7[%parallel_loop3A_777, %parallel_loop3A_827] : memref<1000000x32xf32, #tpu.memory_space<hbm>> -> memref<1x32xf32, #tpu.memory_space<hbm>>
        %parallel_loop3A_829 = tpu.memref_squeeze %parallel_loop3A_828 : memref<1x32xf32, #tpu.memory_space<hbm>> -> memref<32xf32, #tpu.memory_space<hbm>>
        tpu.enqueue_dma source(%parallel_loop3A_829 : memref<32xf32, #tpu.memory_space<hbm>>) target(%parallel_loop3A_826 : memref<32xf32, #tpu.memory_space<vmem>>) target_semaphore(%arg18 : memref<!tpu.dma_semaphore, #tpu.memory_space<semaphore_mem>>)
        %parallel_loop3A_830 = vector.extract_strided_slice %parallel_loop3A_42 {offsets = [14], sizes = [1], strides = [1]} : vector<16xi32> to vector<1xi32>
        %parallel_loop3A_831 = vector.extract %parallel_loop3A_830[0] : i32 from vector<1xi32>
        %parallel_loop3A_832 = vector.extract_strided_slice %parallel_loop3A_45 {offsets = [14], sizes = [1], strides = [1]} : vector<16xi32> to vector<1xi32>
        %parallel_loop3A_833 = vector.extract %parallel_loop3A_832[0] : i32 from vector<1xi32>
        %parallel_loop3A_834 = arith.constant 16 : i32
        %parallel_loop3A_835 = arith.muli %parallel_loop3A_36, %parallel_loop3A_834 : i32
        %parallel_loop3A_836 = arith.constant 14 : i32
        %parallel_loop3A_837 = arith.addi %parallel_loop3A_835, %parallel_loop3A_836 : i32
        %parallel_loop3A_838 = arith.constant 0 : i32
        %parallel_loop3A_839 = tpu.memref_slice %arg14[%parallel_loop3A_837, %parallel_loop3A_838] : memref<128x32xf32, #tpu.memory_space<vmem>> -> memref<1x32xf32, #tpu.memory_space<vmem>>
        %parallel_loop3A_840 = tpu.memref_squeeze %parallel_loop3A_839 : memref<1x32xf32, #tpu.memory_space<vmem>> -> memref<32xf32, #tpu.memory_space<vmem>>
        %parallel_loop3A_841 = arith.constant 0 : i32
        %parallel_loop3A_842 = tpu.memref_slice %arg4[%parallel_loop3A_831, %parallel_loop3A_841] : memref<1000000x32xf32, #tpu.memory_space<hbm>> -> memref<1x32xf32, #tpu.memory_space<hbm>>
        %parallel_loop3A_843 = tpu.memref_squeeze %parallel_loop3A_842 : memref<1x32xf32, #tpu.memory_space<hbm>> -> memref<32xf32, #tpu.memory_space<hbm>>
        %parallel_loop3A_844 = arith.constant 0 : i32
        %parallel_loop3A_845 = tpu.memref_slice %arg14[%parallel_loop3A_837, %parallel_loop3A_844] : memref<128x32xf32, #tpu.memory_space<vmem>> -> memref<1x32xf32, #tpu.memory_space<vmem>>
        %parallel_loop3A_846 = tpu.memref_squeeze %parallel_loop3A_845 : memref<1x32xf32, #tpu.memory_space<vmem>> -> memref<32xf32, #tpu.memory_space<vmem>>
        %parallel_loop3A_847 = arith.constant 0 : i32
        %parallel_loop3A_848 = tpu.memref_slice %arg4[%parallel_loop3A_831, %parallel_loop3A_847] : memref<1000000x32xf32, #tpu.memory_space<hbm>> -> memref<1x32xf32, #tpu.memory_space<hbm>>
        %parallel_loop3A_849 = tpu.memref_squeeze %parallel_loop3A_848 : memref<1x32xf32, #tpu.memory_space<hbm>> -> memref<32xf32, #tpu.memory_space<hbm>>
        tpu.enqueue_dma source(%parallel_loop3A_849 : memref<32xf32, #tpu.memory_space<hbm>>) target(%parallel_loop3A_846 : memref<32xf32, #tpu.memory_space<vmem>>) target_semaphore(%arg18 : memref<!tpu.dma_semaphore, #tpu.memory_space<semaphore_mem>>)
        %parallel_loop3A_850 = arith.constant 0 : i32
        %parallel_loop3A_851 = tpu.memref_slice %arg16[%parallel_loop3A_837, %parallel_loop3A_850] : memref<128x32xf32, #tpu.memory_space<vmem>> -> memref<1x32xf32, #tpu.memory_space<vmem>>
        %parallel_loop3A_852 = tpu.memref_squeeze %parallel_loop3A_851 : memref<1x32xf32, #tpu.memory_space<vmem>> -> memref<32xf32, #tpu.memory_space<vmem>>
        %parallel_loop3A_853 = arith.constant 0 : i32
        %parallel_loop3A_854 = tpu.memref_slice %arg6[%parallel_loop3A_831, %parallel_loop3A_853] : memref<1000000x32xf32, #tpu.memory_space<hbm>> -> memref<1x32xf32, #tpu.memory_space<hbm>>
        %parallel_loop3A_855 = tpu.memref_squeeze %parallel_loop3A_854 : memref<1x32xf32, #tpu.memory_space<hbm>> -> memref<32xf32, #tpu.memory_space<hbm>>
        %parallel_loop3A_856 = arith.constant 0 : i32
        %parallel_loop3A_857 = tpu.memref_slice %arg16[%parallel_loop3A_837, %parallel_loop3A_856] : memref<128x32xf32, #tpu.memory_space<vmem>> -> memref<1x32xf32, #tpu.memory_space<vmem>>
        %parallel_loop3A_858 = tpu.memref_squeeze %parallel_loop3A_857 : memref<1x32xf32, #tpu.memory_space<vmem>> -> memref<32xf32, #tpu.memory_space<vmem>>
        %parallel_loop3A_859 = arith.constant 0 : i32
        %parallel_loop3A_860 = tpu.memref_slice %arg6[%parallel_loop3A_831, %parallel_loop3A_859] : memref<1000000x32xf32, #tpu.memory_space<hbm>> -> memref<1x32xf32, #tpu.memory_space<hbm>>
        %parallel_loop3A_861 = tpu.memref_squeeze %parallel_loop3A_860 : memref<1x32xf32, #tpu.memory_space<hbm>> -> memref<32xf32, #tpu.memory_space<hbm>>
        tpu.enqueue_dma source(%parallel_loop3A_861 : memref<32xf32, #tpu.memory_space<hbm>>) target(%parallel_loop3A_858 : memref<32xf32, #tpu.memory_space<vmem>>) target_semaphore(%arg18 : memref<!tpu.dma_semaphore, #tpu.memory_space<semaphore_mem>>)
        %parallel_loop3A_862 = arith.constant 0 : i32
        %parallel_loop3A_863 = tpu.memref_slice %arg15[%parallel_loop3A_837, %parallel_loop3A_862] : memref<128x32xf32, #tpu.memory_space<vmem>> -> memref<1x32xf32, #tpu.memory_space<vmem>>
        %parallel_loop3A_864 = tpu.memref_squeeze %parallel_loop3A_863 : memref<1x32xf32, #tpu.memory_space<vmem>> -> memref<32xf32, #tpu.memory_space<vmem>>
        %parallel_loop3A_865 = arith.constant 0 : i32
        %parallel_loop3A_866 = tpu.memref_slice %arg5[%parallel_loop3A_833, %parallel_loop3A_865] : memref<1000000x32xf32, #tpu.memory_space<hbm>> -> memref<1x32xf32, #tpu.memory_space<hbm>>
        %parallel_loop3A_867 = tpu.memref_squeeze %parallel_loop3A_866 : memref<1x32xf32, #tpu.memory_space<hbm>> -> memref<32xf32, #tpu.memory_space<hbm>>
        %parallel_loop3A_868 = arith.constant 0 : i32
        %parallel_loop3A_869 = tpu.memref_slice %arg15[%parallel_loop3A_837, %parallel_loop3A_868] : memref<128x32xf32, #tpu.memory_space<vmem>> -> memref<1x32xf32, #tpu.memory_space<vmem>>
        %parallel_loop3A_870 = tpu.memref_squeeze %parallel_loop3A_869 : memref<1x32xf32, #tpu.memory_space<vmem>> -> memref<32xf32, #tpu.memory_space<vmem>>
        %parallel_loop3A_871 = arith.constant 0 : i32
        %parallel_loop3A_872 = tpu.memref_slice %arg5[%parallel_loop3A_833, %parallel_loop3A_871] : memref<1000000x32xf32, #tpu.memory_space<hbm>> -> memref<1x32xf32, #tpu.memory_space<hbm>>
        %parallel_loop3A_873 = tpu.memref_squeeze %parallel_loop3A_872 : memref<1x32xf32, #tpu.memory_space<hbm>> -> memref<32xf32, #tpu.memory_space<hbm>>
        tpu.enqueue_dma source(%parallel_loop3A_873 : memref<32xf32, #tpu.memory_space<hbm>>) target(%parallel_loop3A_870 : memref<32xf32, #tpu.memory_space<vmem>>) target_semaphore(%arg18 : memref<!tpu.dma_semaphore, #tpu.memory_space<semaphore_mem>>)
        %parallel_loop3A_874 = arith.constant 0 : i32
        %parallel_loop3A_875 = tpu.memref_slice %arg17[%parallel_loop3A_837, %parallel_loop3A_874] : memref<128x32xf32, #tpu.memory_space<vmem>> -> memref<1x32xf32, #tpu.memory_space<vmem>>
        %parallel_loop3A_876 = tpu.memref_squeeze %parallel_loop3A_875 : memref<1x32xf32, #tpu.memory_space<vmem>> -> memref<32xf32, #tpu.memory_space<vmem>>
        %parallel_loop3A_877 = arith.constant 0 : i32
        %parallel_loop3A_878 = tpu.memref_slice %arg7[%parallel_loop3A_833, %parallel_loop3A_877] : memref<1000000x32xf32, #tpu.memory_space<hbm>> -> memref<1x32xf32, #tpu.memory_space<hbm>>
        %parallel_loop3A_879 = tpu.memref_squeeze %parallel_loop3A_878 : memref<1x32xf32, #tpu.memory_space<hbm>> -> memref<32xf32, #tpu.memory_space<hbm>>
        %parallel_loop3A_880 = arith.constant 0 : i32
        %parallel_loop3A_881 = tpu.memref_slice %arg17[%parallel_loop3A_837, %parallel_loop3A_880] : memref<128x32xf32, #tpu.memory_space<vmem>> -> memref<1x32xf32, #tpu.memory_space<vmem>>
        %parallel_loop3A_882 = tpu.memref_squeeze %parallel_loop3A_881 : memref<1x32xf32, #tpu.memory_space<vmem>> -> memref<32xf32, #tpu.memory_space<vmem>>
        %parallel_loop3A_883 = arith.constant 0 : i32
        %parallel_loop3A_884 = tpu.memref_slice %arg7[%parallel_loop3A_833, %parallel_loop3A_883] : memref<1000000x32xf32, #tpu.memory_space<hbm>> -> memref<1x32xf32, #tpu.memory_space<hbm>>
        %parallel_loop3A_885 = tpu.memref_squeeze %parallel_loop3A_884 : memref<1x32xf32, #tpu.memory_space<hbm>> -> memref<32xf32, #tpu.memory_space<hbm>>
        tpu.enqueue_dma source(%parallel_loop3A_885 : memref<32xf32, #tpu.memory_space<hbm>>) target(%parallel_loop3A_882 : memref<32xf32, #tpu.memory_space<vmem>>) target_semaphore(%arg18 : memref<!tpu.dma_semaphore, #tpu.memory_space<semaphore_mem>>)
        %parallel_loop3A_886 = vector.extract_strided_slice %parallel_loop3A_42 {offsets = [15], sizes = [1], strides = [1]} : vector<16xi32> to vector<1xi32>
        %parallel_loop3A_887 = vector.extract %parallel_loop3A_886[0] : i32 from vector<1xi32>
        %parallel_loop3A_888 = vector.extract_strided_slice %parallel_loop3A_45 {offsets = [15], sizes = [1], strides = [1]} : vector<16xi32> to vector<1xi32>
        %parallel_loop3A_889 = vector.extract %parallel_loop3A_888[0] : i32 from vector<1xi32>
        %parallel_loop3A_890 = arith.constant 16 : i32
        %parallel_loop3A_891 = arith.muli %parallel_loop3A_36, %parallel_loop3A_890 : i32
        %parallel_loop3A_892 = arith.constant 15 : i32
        %parallel_loop3A_893 = arith.addi %parallel_loop3A_891, %parallel_loop3A_892 : i32
        %parallel_loop3A_894 = arith.constant 0 : i32
        %parallel_loop3A_895 = tpu.memref_slice %arg14[%parallel_loop3A_893, %parallel_loop3A_894] : memref<128x32xf32, #tpu.memory_space<vmem>> -> memref<1x32xf32, #tpu.memory_space<vmem>>
        %parallel_loop3A_896 = tpu.memref_squeeze %parallel_loop3A_895 : memref<1x32xf32, #tpu.memory_space<vmem>> -> memref<32xf32, #tpu.memory_space<vmem>>
        %parallel_loop3A_897 = arith.constant 0 : i32
        %parallel_loop3A_898 = tpu.memref_slice %arg4[%parallel_loop3A_887, %parallel_loop3A_897] : memref<1000000x32xf32, #tpu.memory_space<hbm>> -> memref<1x32xf32, #tpu.memory_space<hbm>>
        %parallel_loop3A_899 = tpu.memref_squeeze %parallel_loop3A_898 : memref<1x32xf32, #tpu.memory_space<hbm>> -> memref<32xf32, #tpu.memory_space<hbm>>
        %parallel_loop3A_900 = arith.constant 0 : i32
        %parallel_loop3A_901 = tpu.memref_slice %arg14[%parallel_loop3A_893, %parallel_loop3A_900] : memref<128x32xf32, #tpu.memory_space<vmem>> -> memref<1x32xf32, #tpu.memory_space<vmem>>
        %parallel_loop3A_902 = tpu.memref_squeeze %parallel_loop3A_901 : memref<1x32xf32, #tpu.memory_space<vmem>> -> memref<32xf32, #tpu.memory_space<vmem>>
        %parallel_loop3A_903 = arith.constant 0 : i32
        %parallel_loop3A_904 = tpu.memref_slice %arg4[%parallel_loop3A_887, %parallel_loop3A_903] : memref<1000000x32xf32, #tpu.memory_space<hbm>> -> memref<1x32xf32, #tpu.memory_space<hbm>>
        %parallel_loop3A_905 = tpu.memref_squeeze %parallel_loop3A_904 : memref<1x32xf32, #tpu.memory_space<hbm>> -> memref<32xf32, #tpu.memory_space<hbm>>
        tpu.enqueue_dma source(%parallel_loop3A_905 : memref<32xf32, #tpu.memory_space<hbm>>) target(%parallel_loop3A_902 : memref<32xf32, #tpu.memory_space<vmem>>) target_semaphore(%arg18 : memref<!tpu.dma_semaphore, #tpu.memory_space<semaphore_mem>>)
        %parallel_loop3A_906 = arith.constant 0 : i32
        %parallel_loop3A_907 = tpu.memref_slice %arg16[%parallel_loop3A_893, %parallel_loop3A_906] : memref<128x32xf32, #tpu.memory_space<vmem>> -> memref<1x32xf32, #tpu.memory_space<vmem>>
        %parallel_loop3A_908 = tpu.memref_squeeze %parallel_loop3A_907 : memref<1x32xf32, #tpu.memory_space<vmem>> -> memref<32xf32, #tpu.memory_space<vmem>>
        %parallel_loop3A_909 = arith.constant 0 : i32
        %parallel_loop3A_910 = tpu.memref_slice %arg6[%parallel_loop3A_887, %parallel_loop3A_909] : memref<1000000x32xf32, #tpu.memory_space<hbm>> -> memref<1x32xf32, #tpu.memory_space<hbm>>
        %parallel_loop3A_911 = tpu.memref_squeeze %parallel_loop3A_910 : memref<1x32xf32, #tpu.memory_space<hbm>> -> memref<32xf32, #tpu.memory_space<hbm>>
        %parallel_loop3A_912 = arith.constant 0 : i32
        %parallel_loop3A_913 = tpu.memref_slice %arg16[%parallel_loop3A_893, %parallel_loop3A_912] : memref<128x32xf32, #tpu.memory_space<vmem>> -> memref<1x32xf32, #tpu.memory_space<vmem>>
        %parallel_loop3A_914 = tpu.memref_squeeze %parallel_loop3A_913 : memref<1x32xf32, #tpu.memory_space<vmem>> -> memref<32xf32, #tpu.memory_space<vmem>>
        %parallel_loop3A_915 = arith.constant 0 : i32
        %parallel_loop3A_916 = tpu.memref_slice %arg6[%parallel_loop3A_887, %parallel_loop3A_915] : memref<1000000x32xf32, #tpu.memory_space<hbm>> -> memref<1x32xf32, #tpu.memory_space<hbm>>
        %parallel_loop3A_917 = tpu.memref_squeeze %parallel_loop3A_916 : memref<1x32xf32, #tpu.memory_space<hbm>> -> memref<32xf32, #tpu.memory_space<hbm>>
        tpu.enqueue_dma source(%parallel_loop3A_917 : memref<32xf32, #tpu.memory_space<hbm>>) target(%parallel_loop3A_914 : memref<32xf32, #tpu.memory_space<vmem>>) target_semaphore(%arg18 : memref<!tpu.dma_semaphore, #tpu.memory_space<semaphore_mem>>)
        %parallel_loop3A_918 = arith.constant 0 : i32
        %parallel_loop3A_919 = tpu.memref_slice %arg15[%parallel_loop3A_893, %parallel_loop3A_918] : memref<128x32xf32, #tpu.memory_space<vmem>> -> memref<1x32xf32, #tpu.memory_space<vmem>>
        %parallel_loop3A_920 = tpu.memref_squeeze %parallel_loop3A_919 : memref<1x32xf32, #tpu.memory_space<vmem>> -> memref<32xf32, #tpu.memory_space<vmem>>
        %parallel_loop3A_921 = arith.constant 0 : i32
        %parallel_loop3A_922 = tpu.memref_slice %arg5[%parallel_loop3A_889, %parallel_loop3A_921] : memref<1000000x32xf32, #tpu.memory_space<hbm>> -> memref<1x32xf32, #tpu.memory_space<hbm>>
        %parallel_loop3A_923 = tpu.memref_squeeze %parallel_loop3A_922 : memref<1x32xf32, #tpu.memory_space<hbm>> -> memref<32xf32, #tpu.memory_space<hbm>>
        %parallel_loop3A_924 = arith.constant 0 : i32
        %parallel_loop3A_925 = tpu.memref_slice %arg15[%parallel_loop3A_893, %parallel_loop3A_924] : memref<128x32xf32, #tpu.memory_space<vmem>> -> memref<1x32xf32, #tpu.memory_space<vmem>>
        %parallel_loop3A_926 = tpu.memref_squeeze %parallel_loop3A_925 : memref<1x32xf32, #tpu.memory_space<vmem>> -> memref<32xf32, #tpu.memory_space<vmem>>
        %parallel_loop3A_927 = arith.constant 0 : i32
        %parallel_loop3A_928 = tpu.memref_slice %arg5[%parallel_loop3A_889, %parallel_loop3A_927] : memref<1000000x32xf32, #tpu.memory_space<hbm>> -> memref<1x32xf32, #tpu.memory_space<hbm>>
        %parallel_loop3A_929 = tpu.memref_squeeze %parallel_loop3A_928 : memref<1x32xf32, #tpu.memory_space<hbm>> -> memref<32xf32, #tpu.memory_space<hbm>>
        tpu.enqueue_dma source(%parallel_loop3A_929 : memref<32xf32, #tpu.memory_space<hbm>>) target(%parallel_loop3A_926 : memref<32xf32, #tpu.memory_space<vmem>>) target_semaphore(%arg18 : memref<!tpu.dma_semaphore, #tpu.memory_space<semaphore_mem>>)
        %parallel_loop3A_930 = arith.constant 0 : i32
        %parallel_loop3A_931 = tpu.memref_slice %arg17[%parallel_loop3A_893, %parallel_loop3A_930] : memref<128x32xf32, #tpu.memory_space<vmem>> -> memref<1x32xf32, #tpu.memory_space<vmem>>
        %parallel_loop3A_932 = tpu.memref_squeeze %parallel_loop3A_931 : memref<1x32xf32, #tpu.memory_space<vmem>> -> memref<32xf32, #tpu.memory_space<vmem>>
        %parallel_loop3A_933 = arith.constant 0 : i32
        %parallel_loop3A_934 = tpu.memref_slice %arg7[%parallel_loop3A_889, %parallel_loop3A_933] : memref<1000000x32xf32, #tpu.memory_space<hbm>> -> memref<1x32xf32, #tpu.memory_space<hbm>>
        %parallel_loop3A_935 = tpu.memref_squeeze %parallel_loop3A_934 : memref<1x32xf32, #tpu.memory_space<hbm>> -> memref<32xf32, #tpu.memory_space<hbm>>
        %parallel_loop3A_936 = arith.constant 0 : i32
        %parallel_loop3A_937 = tpu.memref_slice %arg17[%parallel_loop3A_893, %parallel_loop3A_936] : memref<128x32xf32, #tpu.memory_space<vmem>> -> memref<1x32xf32, #tpu.memory_space<vmem>>
        %parallel_loop3A_938 = tpu.memref_squeeze %parallel_loop3A_937 : memref<1x32xf32, #tpu.memory_space<vmem>> -> memref<32xf32, #tpu.memory_space<vmem>>
        %parallel_loop3A_939 = arith.constant 0 : i32
        %parallel_loop3A_940 = tpu.memref_slice %arg7[%parallel_loop3A_889, %parallel_loop3A_939] : memref<1000000x32xf32, #tpu.memory_space<hbm>> -> memref<1x32xf32, #tpu.memory_space<hbm>>
        %parallel_loop3A_941 = tpu.memref_squeeze %parallel_loop3A_940 : memref<1x32xf32, #tpu.memory_space<hbm>> -> memref<32xf32, #tpu.memory_space<hbm>>
        tpu.enqueue_dma source(%parallel_loop3A_941 : memref<32xf32, #tpu.memory_space<hbm>>) target(%parallel_loop3A_938 : memref<32xf32, #tpu.memory_space<vmem>>) target_semaphore(%arg18 : memref<!tpu.dma_semaphore, #tpu.memory_space<semaphore_mem>>)
      } {sc.loop_unroll_factor = 2 : i64, sc.parallel_access}
      %dma_wait3A = arith.constant 0 : i32
      %dma_wait3A_12 = arith.constant 0 : i32
      %dma_wait3A_13 = tpu.memref_slice %arg4[%dma_wait3A, %dma_wait3A_12] : memref<1000000x32xf32, #tpu.memory_space<hbm>> -> memref<128x32xf32, #tpu.memory_space<hbm>>
      %dma_wait3A_14 = arith.constant 0 : i32
      %dma_wait3A_15 = arith.constant 0 : i32
      %dma_wait3A_16 = tpu.memref_slice %arg4[%dma_wait3A_14, %dma_wait3A_15] : memref<1000000x32xf32, #tpu.memory_space<hbm>> -> memref<128x32xf32, #tpu.memory_space<hbm>>
      tpu.wait_dma2 semaphore(%arg18 : memref<!tpu.dma_semaphore, #tpu.memory_space<semaphore_mem>>) src(%dma_wait3A_16 : memref<128x32xf32, #tpu.memory_space<hbm>>) dst(%arg14 : memref<128x32xf32, #tpu.memory_space<vmem>>)
      %dma_wait3A_17 = arith.constant 0 : i32
      %dma_wait3A_18 = arith.constant 0 : i32
      %dma_wait3A_19 = tpu.memref_slice %arg4[%dma_wait3A_17, %dma_wait3A_18] : memref<1000000x32xf32, #tpu.memory_space<hbm>> -> memref<128x32xf32, #tpu.memory_space<hbm>>
      %dma_wait3A_20 = arith.constant 0 : i32
      %dma_wait3A_21 = arith.constant 0 : i32
      %dma_wait3A_22 = tpu.memref_slice %arg4[%dma_wait3A_20, %dma_wait3A_21] : memref<1000000x32xf32, #tpu.memory_space<hbm>> -> memref<128x32xf32, #tpu.memory_space<hbm>>
      tpu.wait_dma2 semaphore(%arg18 : memref<!tpu.dma_semaphore, #tpu.memory_space<semaphore_mem>>) src(%dma_wait3A_22 : memref<128x32xf32, #tpu.memory_space<hbm>>) dst(%arg16 : memref<128x32xf32, #tpu.memory_space<vmem>>)
      %dma_wait3A_23 = arith.constant 0 : i32
      %dma_wait3A_24 = arith.constant 0 : i32
      %dma_wait3A_25 = tpu.memref_slice %arg4[%dma_wait3A_23, %dma_wait3A_24] : memref<1000000x32xf32, #tpu.memory_space<hbm>> -> memref<128x32xf32, #tpu.memory_space<hbm>>
      %dma_wait3A_26 = arith.constant 0 : i32
      %dma_wait3A_27 = arith.constant 0 : i32
      %dma_wait3A_28 = tpu.memref_slice %arg4[%dma_wait3A_26, %dma_wait3A_27] : memref<1000000x32xf32, #tpu.memory_space<hbm>> -> memref<128x32xf32, #tpu.memory_space<hbm>>
      tpu.wait_dma2 semaphore(%arg18 : memref<!tpu.dma_semaphore, #tpu.memory_space<semaphore_mem>>) src(%dma_wait3A_28 : memref<128x32xf32, #tpu.memory_space<hbm>>) dst(%arg15 : memref<128x32xf32, #tpu.memory_space<vmem>>)
      %dma_wait3A_29 = arith.constant 0 : i32
      %dma_wait3A_30 = arith.constant 0 : i32
      %dma_wait3A_31 = tpu.memref_slice %arg4[%dma_wait3A_29, %dma_wait3A_30] : memref<1000000x32xf32, #tpu.memory_space<hbm>> -> memref<128x32xf32, #tpu.memory_space<hbm>>
      %dma_wait3A_32 = arith.constant 0 : i32
      %dma_wait3A_33 = arith.constant 0 : i32
      %dma_wait3A_34 = tpu.memref_slice %arg4[%dma_wait3A_32, %dma_wait3A_33] : memref<1000000x32xf32, #tpu.memory_space<hbm>> -> memref<128x32xf32, #tpu.memory_space<hbm>>
      tpu.wait_dma2 semaphore(%arg18 : memref<!tpu.dma_semaphore, #tpu.memory_space<semaphore_mem>>) src(%dma_wait3A_34 : memref<128x32xf32, #tpu.memory_space<hbm>>) dst(%arg17 : memref<128x32xf32, #tpu.memory_space<vmem>>)
      %add3A_35 = arith.addi %mul3A_2, %mul3A_9 : i32
      "tpu.region"() ({
        %run_scoped3A = tpu.sem_alloc : memref<!tpu.dma_semaphore, #tpu.memory_space<semaphore_mem>>
        %dma_start3A = arith.constant 0 : i32
        %dma_start3A_36 = tpu.memref_slice %arg8[%add3A_35, %dma_start3A] : memref<16384x32xf32, #tpu.memory_space<hbm>> -> memref<128x32xf32, #tpu.memory_space<hbm>>
        %dma_start3A_37 = arith.constant 0 : i32
        %dma_start3A_38 = tpu.memref_slice %arg8[%add3A_35, %dma_start3A_37] : memref<16384x32xf32, #tpu.memory_space<hbm>> -> memref<128x32xf32, #tpu.memory_space<hbm>>
        tpu.enqueue_dma source(%arg14 : memref<128x32xf32, #tpu.memory_space<vmem>>) target(%dma_start3A_38 : memref<128x32xf32, #tpu.memory_space<hbm>>) target_semaphore(%run_scoped3A : memref<!tpu.dma_semaphore, #tpu.memory_space<semaphore_mem>>)
        %dma_wait3A_39 = arith.constant 0 : i32
        %dma_wait3A_40 = tpu.memref_slice %arg8[%add3A_35, %dma_wait3A_39] : memref<16384x32xf32, #tpu.memory_space<hbm>> -> memref<128x32xf32, #tpu.memory_space<hbm>>
        %dma_wait3A_41 = arith.constant 0 : i32
        %dma_wait3A_42 = tpu.memref_slice %arg8[%add3A_35, %dma_wait3A_41] : memref<16384x32xf32, #tpu.memory_space<hbm>> -> memref<128x32xf32, #tpu.memory_space<hbm>>
        tpu.wait_dma2 semaphore(%run_scoped3A : memref<!tpu.dma_semaphore, #tpu.memory_space<semaphore_mem>>) src(%arg14 : memref<128x32xf32, #tpu.memory_space<vmem>>) dst(%dma_wait3A_42 : memref<128x32xf32, #tpu.memory_space<hbm>>)
        tpu.yield
      }) : () -> ()
      "tpu.region"() ({
        %run_scoped3A = tpu.sem_alloc : memref<!tpu.dma_semaphore, #tpu.memory_space<semaphore_mem>>
        %dma_start3A = arith.constant 0 : i32
        %dma_start3A_36 = tpu.memref_slice %arg10[%add3A_35, %dma_start3A] : memref<16384x32xf32, #tpu.memory_space<hbm>> -> memref<128x32xf32, #tpu.memory_space<hbm>>
        %dma_start3A_37 = arith.constant 0 : i32
        %dma_start3A_38 = tpu.memref_slice %arg10[%add3A_35, %dma_start3A_37] : memref<16384x32xf32, #tpu.memory_space<hbm>> -> memref<128x32xf32, #tpu.memory_space<hbm>>
        tpu.enqueue_dma source(%arg16 : memref<128x32xf32, #tpu.memory_space<vmem>>) target(%dma_start3A_38 : memref<128x32xf32, #tpu.memory_space<hbm>>) target_semaphore(%run_scoped3A : memref<!tpu.dma_semaphore, #tpu.memory_space<semaphore_mem>>)
        %dma_wait3A_39 = arith.constant 0 : i32
        %dma_wait3A_40 = tpu.memref_slice %arg10[%add3A_35, %dma_wait3A_39] : memref<16384x32xf32, #tpu.memory_space<hbm>> -> memref<128x32xf32, #tpu.memory_space<hbm>>
        %dma_wait3A_41 = arith.constant 0 : i32
        %dma_wait3A_42 = tpu.memref_slice %arg10[%add3A_35, %dma_wait3A_41] : memref<16384x32xf32, #tpu.memory_space<hbm>> -> memref<128x32xf32, #tpu.memory_space<hbm>>
        tpu.wait_dma2 semaphore(%run_scoped3A : memref<!tpu.dma_semaphore, #tpu.memory_space<semaphore_mem>>) src(%arg16 : memref<128x32xf32, #tpu.memory_space<vmem>>) dst(%dma_wait3A_42 : memref<128x32xf32, #tpu.memory_space<hbm>>)
        tpu.yield
      }) : () -> ()
      "tpu.region"() ({
        %run_scoped3A = tpu.sem_alloc : memref<!tpu.dma_semaphore, #tpu.memory_space<semaphore_mem>>
        %dma_start3A = arith.constant 0 : i32
        %dma_start3A_36 = tpu.memref_slice %arg9[%add3A_35, %dma_start3A] : memref<16384x32xf32, #tpu.memory_space<hbm>> -> memref<128x32xf32, #tpu.memory_space<hbm>>
        %dma_start3A_37 = arith.constant 0 : i32
        %dma_start3A_38 = tpu.memref_slice %arg9[%add3A_35, %dma_start3A_37] : memref<16384x32xf32, #tpu.memory_space<hbm>> -> memref<128x32xf32, #tpu.memory_space<hbm>>
        tpu.enqueue_dma source(%arg15 : memref<128x32xf32, #tpu.memory_space<vmem>>) target(%dma_start3A_38 : memref<128x32xf32, #tpu.memory_space<hbm>>) target_semaphore(%run_scoped3A : memref<!tpu.dma_semaphore, #tpu.memory_space<semaphore_mem>>)
        %dma_wait3A_39 = arith.constant 0 : i32
        %dma_wait3A_40 = tpu.memref_slice %arg9[%add3A_35, %dma_wait3A_39] : memref<16384x32xf32, #tpu.memory_space<hbm>> -> memref<128x32xf32, #tpu.memory_space<hbm>>
        %dma_wait3A_41 = arith.constant 0 : i32
        %dma_wait3A_42 = tpu.memref_slice %arg9[%add3A_35, %dma_wait3A_41] : memref<16384x32xf32, #tpu.memory_space<hbm>> -> memref<128x32xf32, #tpu.memory_space<hbm>>
        tpu.wait_dma2 semaphore(%run_scoped3A : memref<!tpu.dma_semaphore, #tpu.memory_space<semaphore_mem>>) src(%arg15 : memref<128x32xf32, #tpu.memory_space<vmem>>) dst(%dma_wait3A_42 : memref<128x32xf32, #tpu.memory_space<hbm>>)
        tpu.yield
      }) : () -> ()
      "tpu.region"() ({
        %run_scoped3A = tpu.sem_alloc : memref<!tpu.dma_semaphore, #tpu.memory_space<semaphore_mem>>
        %dma_start3A = arith.constant 0 : i32
        %dma_start3A_36 = tpu.memref_slice %arg11[%add3A_35, %dma_start3A] : memref<16384x32xf32, #tpu.memory_space<hbm>> -> memref<128x32xf32, #tpu.memory_space<hbm>>
        %dma_start3A_37 = arith.constant 0 : i32
        %dma_start3A_38 = tpu.memref_slice %arg11[%add3A_35, %dma_start3A_37] : memref<16384x32xf32, #tpu.memory_space<hbm>> -> memref<128x32xf32, #tpu.memory_space<hbm>>
        tpu.enqueue_dma source(%arg17 : memref<128x32xf32, #tpu.memory_space<vmem>>) target(%dma_start3A_38 : memref<128x32xf32, #tpu.memory_space<hbm>>) target_semaphore(%run_scoped3A : memref<!tpu.dma_semaphore, #tpu.memory_space<semaphore_mem>>)
        %dma_wait3A_39 = arith.constant 0 : i32
        %dma_wait3A_40 = tpu.memref_slice %arg11[%add3A_35, %dma_wait3A_39] : memref<16384x32xf32, #tpu.memory_space<hbm>> -> memref<128x32xf32, #tpu.memory_space<hbm>>
        %dma_wait3A_41 = arith.constant 0 : i32
        %dma_wait3A_42 = tpu.memref_slice %arg11[%add3A_35, %dma_wait3A_41] : memref<16384x32xf32, #tpu.memory_space<hbm>> -> memref<128x32xf32, #tpu.memory_space<hbm>>
        tpu.wait_dma2 semaphore(%run_scoped3A : memref<!tpu.dma_semaphore, #tpu.memory_space<semaphore_mem>>) src(%arg17 : memref<128x32xf32, #tpu.memory_space<vmem>>) dst(%dma_wait3A_42 : memref<128x32xf32, #tpu.memory_space<hbm>>)
        tpu.yield
      }) : () -> ()
    }
    %scan3A_6 = arith.constant 4 : i32
    return
  }
}

module attributes {stable_mosaic.version = 14 : i64} {
  func.func @_tc_tail_body(%arg0: i32, %arg1: memref<2048x32xf32, #tpu.memory_space<vmem>>, %arg2: memref<2048x32xf32, #tpu.memory_space<vmem>>, %arg3: memref<2048x32xf32, #tpu.memory_space<vmem>>, %arg4: memref<2048x32xf32, #tpu.memory_space<vmem>>, %arg5: memref<32x64xf32, #tpu.memory_space<vmem>>, %arg6: memref<1x32xf32, #tpu.memory_space<vmem>>, %arg7: memref<1x32xf32, #tpu.memory_space<vmem>>, %arg8: memref<1x32xf32, #tpu.memory_space<vmem>>, %arg9: memref<16x32xf32, #tpu.memory_space<vmem>>, %arg10: memref<1x16xf32, #tpu.memory_space<vmem>>, %arg11: memref<1x16xf32, #tpu.memory_space<vmem>>, %arg12: memref<1x16xf32, #tpu.memory_space<vmem>>, %arg13: memref<1x48xf32, #tpu.memory_space<vmem>>, %arg14: memref<1x1xf32, #tpu.memory_space<vmem>>, %arg15: memref<2048xf32, #tpu.memory_space<vmem>>) attributes {dimension_semantics = [#tpu.dimension_semantics<arbitrary>], iteration_bounds = array<i64: 8>, scalar_prefetch = 0 : i64, scratch_operands = 0 : i64, tpu.core_type = #tpu.core_type<tc>, window_params = [{transform_indices = @transform_0, window_bounds = array<i64: 2048, 32>}, {transform_indices = @transform_1, window_bounds = array<i64: 2048, 32>}, {transform_indices = @transform_2, window_bounds = array<i64: 2048, 32>}, {transform_indices = @transform_3, window_bounds = array<i64: 2048, 32>}, {pipeline_mode = #tpu.pipeline_mode<synchronous>, transform_indices = @transform_4, window_bounds = array<i64: 32, 64>}, {pipeline_mode = #tpu.pipeline_mode<synchronous>, transform_indices = @transform_5, window_bounds = array<i64: 1, 32>}, {pipeline_mode = #tpu.pipeline_mode<synchronous>, transform_indices = @transform_6, window_bounds = array<i64: 1, 32>}, {pipeline_mode = #tpu.pipeline_mode<synchronous>, transform_indices = @transform_7, window_bounds = array<i64: 1, 32>}, {pipeline_mode = #tpu.pipeline_mode<synchronous>, transform_indices = @transform_8, window_bounds = array<i64: 16, 32>}, {pipeline_mode = #tpu.pipeline_mode<synchronous>, transform_indices = @transform_9, window_bounds = array<i64: 1, 16>}, {pipeline_mode = #tpu.pipeline_mode<synchronous>, transform_indices = @transform_10, window_bounds = array<i64: 1, 16>}, {pipeline_mode = #tpu.pipeline_mode<synchronous>, transform_indices = @transform_11, window_bounds = array<i64: 1, 16>}, {pipeline_mode = #tpu.pipeline_mode<synchronous>, transform_indices = @transform_12, window_bounds = array<i64: 1, 48>}, {pipeline_mode = #tpu.pipeline_mode<synchronous>, transform_indices = @transform_13, window_bounds = array<i64: 1, 1>}, {transform_indices = @transform_14, window_bounds = array<i64: 2048>}]} {
    %get3A = arith.constant 0 : index
    %get3A_0 = arith.constant 0 : index
    %get3A_1 = vector.load %arg3[%get3A, %get3A_0] : memref<2048x32xf32, #tpu.memory_space<vmem>>, vector<2048x32xf32>
    %get3A_2 = arith.constant 0 : index
    %get3A_3 = arith.constant 0 : index
    %get3A_4 = vector.load %arg4[%get3A_2, %get3A_3] : memref<2048x32xf32, #tpu.memory_space<vmem>>, vector<2048x32xf32>
    %get3A_5 = arith.constant 0 : index
    %get3A_6 = arith.constant 0 : index
    %get3A_7 = vector.load %arg5[%get3A_5, %get3A_6] : memref<32x64xf32, #tpu.memory_space<vmem>>, vector<32x64xf32>
    %get3A_8 = arith.constant 0 : index
    %get3A_9 = arith.constant 0 : index
    %get3A_10 = vector.load %arg7[%get3A_8, %get3A_9] : memref<1x32xf32, #tpu.memory_space<vmem>>, vector<1x32xf32>
    %sqrt3A = arith.constant 1.000010e+00 : f32
    %sqrt3A_11 = math.sqrt %sqrt3A : f32
    %div3A = vector.broadcast %sqrt3A_11 : f32 to vector<1x32xf32>
    %div3A_12 = arith.divf %get3A_10, %div3A : vector<1x32xf32>
    %get3A_13 = arith.constant 0 : index
    %get3A_14 = arith.constant 0 : index
    %get3A_15 = vector.load %arg11[%get3A_13, %get3A_14] : memref<1x16xf32, #tpu.memory_space<vmem>>, vector<1x16xf32>
    %sqrt3A_16 = arith.constant 1.000010e+00 : f32
    %sqrt3A_17 = math.sqrt %sqrt3A_16 : f32
    %div3A_18 = vector.broadcast %sqrt3A_17 : f32 to vector<1x16xf32>
    %div3A_19 = arith.divf %get3A_15, %div3A_18 : vector<1x16xf32>
    %slice3A = vector.extract_strided_slice %get3A_7 {offsets = [0, 0], sizes = [32, 32], strides = [1, 1]} : vector<32x64xf32> to vector<32x32xf32>
    %dot_general3A = arith.constant dense<0.000000e+00> : vector<2048x32xf32>
    %dot_general3A_20 = tpu.matmul %get3A_1, %slice3A, %dot_general3A {dimension_numbers = #tpu.dot_dimension_numbers<[1], [1], [0], [0], [0, 0, 1, 0], [], []>, transpose_lhs_hint = false} : vector<2048x32xf32>, vector<32x32xf32>, vector<2048x32xf32> -> vector<2048x32xf32>
    %slice3A_21 = vector.extract_strided_slice %get3A_7 {offsets = [0, 32], sizes = [32, 32], strides = [1, 1]} : vector<32x64xf32> to vector<32x32xf32>
    %dot_general3A_22 = arith.constant dense<0.000000e+00> : vector<2048x32xf32>
    %dot_general3A_23 = tpu.matmul %get3A_4, %slice3A_21, %dot_general3A_22 {dimension_numbers = #tpu.dot_dimension_numbers<[1], [1], [0], [0], [0, 0, 1, 0], [], []>, transpose_lhs_hint = false} : vector<2048x32xf32>, vector<32x32xf32>, vector<2048x32xf32> -> vector<2048x32xf32>
    %add3A = arith.addf %dot_general3A_20, %dot_general3A_23 : vector<2048x32xf32>
    %get3A_24 = arith.constant 0 : index
    %get3A_25 = arith.constant 0 : index
    %get3A_26 = vector.load %arg6[%get3A_24, %get3A_25] : memref<1x32xf32, #tpu.memory_space<vmem>>, vector<1x32xf32>
    %add3A_27 = vector.broadcast %get3A_26 : vector<1x32xf32> to vector<2048x32xf32>
    %add3A_28 = arith.addf %add3A, %add3A_27 : vector<2048x32xf32>
    %mul3A = vector.broadcast %div3A_12 : vector<1x32xf32> to vector<2048x32xf32>
    %mul3A_29 = arith.mulf %add3A_28, %mul3A : vector<2048x32xf32>
    %get3A_30 = arith.constant 0 : index
    %get3A_31 = arith.constant 0 : index
    %get3A_32 = vector.load %arg8[%get3A_30, %get3A_31] : memref<1x32xf32, #tpu.memory_space<vmem>>, vector<1x32xf32>
    %add3A_33 = vector.broadcast %get3A_32 : vector<1x32xf32> to vector<2048x32xf32>
    %add3A_34 = arith.addf %mul3A_29, %add3A_33 : vector<2048x32xf32>
    %max3A = arith.constant 0.000000e+00 : f32
    %max3A_35 = vector.broadcast %max3A : f32 to vector<2048x32xf32>
    %max3A_36 = arith.maximumf %add3A_34, %max3A_35 : vector<2048x32xf32>
    %get3A_37 = arith.constant 0 : index
    %get3A_38 = arith.constant 0 : index
    %get3A_39 = vector.load %arg9[%get3A_37, %get3A_38] : memref<16x32xf32, #tpu.memory_space<vmem>>, vector<16x32xf32>
    %dot_general3A_40 = arith.constant dense<0.000000e+00> : vector<2048x16xf32>
    %dot_general3A_41 = tpu.matmul %max3A_36, %get3A_39, %dot_general3A_40 {dimension_numbers = #tpu.dot_dimension_numbers<[1], [1], [0], [0], [0, 0, 1, 0], [], []>, transpose_lhs_hint = false} : vector<2048x32xf32>, vector<16x32xf32>, vector<2048x16xf32> -> vector<2048x16xf32>
    %get3A_42 = arith.constant 0 : index
    %get3A_43 = arith.constant 0 : index
    %get3A_44 = vector.load %arg10[%get3A_42, %get3A_43] : memref<1x16xf32, #tpu.memory_space<vmem>>, vector<1x16xf32>
    %add3A_45 = vector.broadcast %get3A_44 : vector<1x16xf32> to vector<2048x16xf32>
    %add3A_46 = arith.addf %dot_general3A_41, %add3A_45 : vector<2048x16xf32>
    %mul3A_47 = vector.broadcast %div3A_19 : vector<1x16xf32> to vector<2048x16xf32>
    %mul3A_48 = arith.mulf %add3A_46, %mul3A_47 : vector<2048x16xf32>
    %get3A_49 = arith.constant 0 : index
    %get3A_50 = arith.constant 0 : index
    %get3A_51 = vector.load %arg12[%get3A_49, %get3A_50] : memref<1x16xf32, #tpu.memory_space<vmem>>, vector<1x16xf32>
    %add3A_52 = vector.broadcast %get3A_51 : vector<1x16xf32> to vector<2048x16xf32>
    %add3A_53 = arith.addf %mul3A_48, %add3A_52 : vector<2048x16xf32>
    %max3A_54 = arith.constant 0.000000e+00 : f32
    %max3A_55 = vector.broadcast %max3A_54 : f32 to vector<2048x16xf32>
    %max3A_56 = arith.maximumf %add3A_53, %max3A_55 : vector<2048x16xf32>
    %get3A_57 = arith.constant 0 : index
    %get3A_58 = arith.constant 0 : index
    %get3A_59 = vector.load %arg13[%get3A_57, %get3A_58] : memref<1x48xf32, #tpu.memory_space<vmem>>, vector<1x48xf32>
    %get3A_60 = arith.constant 0 : index
    %get3A_61 = arith.constant 0 : index
    %get3A_62 = vector.load %arg1[%get3A_60, %get3A_61] : memref<2048x32xf32, #tpu.memory_space<vmem>>, vector<2048x32xf32>
    %get3A_63 = arith.constant 0 : index
    %get3A_64 = arith.constant 0 : index
    %get3A_65 = vector.load %arg2[%get3A_63, %get3A_64] : memref<2048x32xf32, #tpu.memory_space<vmem>>, vector<2048x32xf32>
    %mul3A_66 = arith.mulf %get3A_62, %get3A_65 : vector<2048x32xf32>
    %slice3A_67 = vector.extract_strided_slice %get3A_59 {offsets = [0, 0], sizes = [1, 32], strides = [1, 1]} : vector<1x48xf32> to vector<1x32xf32>
    %mul3A_68 = vector.broadcast %slice3A_67 : vector<1x32xf32> to vector<2048x32xf32>
    %mul3A_69 = arith.mulf %mul3A_66, %mul3A_68 : vector<2048x32xf32>
    %reduce_sum3A = arith.constant dense<0.000000e+00> : vector<2048xf32>
    %reduce_sum3A_70 = vector.multi_reduction <add>, %mul3A_69, %reduce_sum3A [1] : vector<2048x32xf32> to vector<2048xf32>
    %slice3A_71 = vector.extract_strided_slice %get3A_59 {offsets = [0, 32], sizes = [1, 16], strides = [1, 1]} : vector<1x48xf32> to vector<1x16xf32>
    %mul3A_72 = vector.broadcast %slice3A_71 : vector<1x16xf32> to vector<2048x16xf32>
    %mul3A_73 = arith.mulf %max3A_56, %mul3A_72 : vector<2048x16xf32>
    %reduce_sum3A_74 = arith.constant dense<0.000000e+00> : vector<2048xf32>
    %reduce_sum3A_75 = vector.multi_reduction <add>, %mul3A_73, %reduce_sum3A_74 [1] : vector<2048x16xf32> to vector<2048xf32>
    %add3A_76 = arith.addf %reduce_sum3A_70, %reduce_sum3A_75 : vector<2048xf32>
    %get3A_77 = arith.constant 0 : index
    %get3A_78 = arith.constant 0 : index
    %get3A_79 = vector.load %arg14[%get3A_77, %get3A_78] : memref<1x1xf32, #tpu.memory_space<vmem>>, vector<1x1xf32>
    %get3A_80 = vector.extract %get3A_79[0, 0] : f32 from vector<1x1xf32>
    %add3A_81 = vector.broadcast %get3A_80 : f32 to vector<2048xf32>
    %add3A_82 = arith.addf %add3A_76, %add3A_81 : vector<2048xf32>
    %jit3A = arith.constant -2.000000e+00 : f32
    %jit3A_83 = arith.constant 2.000000e+00 : f32
    %max3A_84 = vector.broadcast %jit3A : f32 to vector<2048xf32>
    %max3A_85 = arith.maximumf %max3A_84, %add3A_82 : vector<2048xf32>
    %min3A = vector.broadcast %jit3A_83 : f32 to vector<2048xf32>
    %min3A_86 = arith.minimumf %min3A, %max3A_85 : vector<2048xf32>
    %swap3A = arith.constant 0 : index
    %swap3A_87 = vector.load %arg15[%swap3A] : memref<2048xf32, #tpu.memory_space<vmem>>, vector<2048xf32>
    tpu.vector_store %arg15[%swap3A], %min3A_86 {strides = array<i32>} : memref<2048xf32, #tpu.memory_space<vmem>>, vector<2048xf32>,
    return
  }
  func.func @transform_0(%arg0: i32) -> (i32, i32) {
    %c0_i32 = arith.constant 0 : i32
    %c0_i32_0 = arith.constant 0 : i32
    return %arg0, %c0_i32 : i32, i32
  }
  func.func @transform_1(%arg0: i32) -> (i32, i32) {
    %c0_i32 = arith.constant 0 : i32
    %c0_i32_0 = arith.constant 0 : i32
    return %arg0, %c0_i32 : i32, i32
  }
  func.func @transform_2(%arg0: i32) -> (i32, i32) {
    %c0_i32 = arith.constant 0 : i32
    %c0_i32_0 = arith.constant 0 : i32
    return %arg0, %c0_i32 : i32, i32
  }
  func.func @transform_3(%arg0: i32) -> (i32, i32) {
    %c0_i32 = arith.constant 0 : i32
    %c0_i32_0 = arith.constant 0 : i32
    return %arg0, %c0_i32 : i32, i32
  }
  func.func @transform_4(%arg0: i32) -> (i32, i32) {
    %c0_i32 = arith.constant 0 : i32
    %c0_i32_0 = arith.constant 0 : i32
    %c0_i32_1 = arith.constant 0 : i32
    return %c0_i32, %c0_i32_0 : i32, i32
  }
  func.func @transform_5(%arg0: i32) -> (i32, i32) {
    %c0_i32 = arith.constant 0 : i32
    %c0_i32_0 = arith.constant 0 : i32
    %c0_i32_1 = arith.constant 0 : i32
    return %c0_i32, %c0_i32_0 : i32, i32
  }
  func.func @transform_6(%arg0: i32) -> (i32, i32) {
    %c0_i32 = arith.constant 0 : i32
    %c0_i32_0 = arith.constant 0 : i32
    %c0_i32_1 = arith.constant 0 : i32
    return %c0_i32, %c0_i32_0 : i32, i32
  }
  func.func @transform_7(%arg0: i32) -> (i32, i32) {
    %c0_i32 = arith.constant 0 : i32
    %c0_i32_0 = arith.constant 0 : i32
    %c0_i32_1 = arith.constant 0 : i32
    return %c0_i32, %c0_i32_0 : i32, i32
  }
  func.func @transform_8(%arg0: i32) -> (i32, i32) {
    %c0_i32 = arith.constant 0 : i32
    %c0_i32_0 = arith.constant 0 : i32
    %c0_i32_1 = arith.constant 0 : i32
    return %c0_i32, %c0_i32_0 : i32, i32
  }
  func.func @transform_9(%arg0: i32) -> (i32, i32) {
    %c0_i32 = arith.constant 0 : i32
    %c0_i32_0 = arith.constant 0 : i32
    %c0_i32_1 = arith.constant 0 : i32
    return %c0_i32, %c0_i32_0 : i32, i32
  }
  func.func @transform_10(%arg0: i32) -> (i32, i32) {
    %c0_i32 = arith.constant 0 : i32
    %c0_i32_0 = arith.constant 0 : i32
    %c0_i32_1 = arith.constant 0 : i32
    return %c0_i32, %c0_i32_0 : i32, i32
  }
  func.func @transform_11(%arg0: i32) -> (i32, i32) {
    %c0_i32 = arith.constant 0 : i32
    %c0_i32_0 = arith.constant 0 : i32
    %c0_i32_1 = arith.constant 0 : i32
    return %c0_i32, %c0_i32_0 : i32, i32
  }
  func.func @transform_12(%arg0: i32) -> (i32, i32) {
    %c0_i32 = arith.constant 0 : i32
    %c0_i32_0 = arith.constant 0 : i32
    %c0_i32_1 = arith.constant 0 : i32
    return %c0_i32, %c0_i32_0 : i32, i32
  }
  func.func @transform_13(%arg0: i32) -> (i32, i32) {
    %c0_i32 = arith.constant 0 : i32
    %c0_i32_0 = arith.constant 0 : i32
    %c0_i32_1 = arith.constant 0 : i32
    return %c0_i32, %c0_i32_0 : i32, i32
  }
  func.func @transform_14(%arg0: i32) -> i32 {
    %c0_i32 = arith.constant 0 : i32
    return %arg0 : i32
  }
}

</mosaic_0001>

<sc_bundles>
// kernel: kernel.4.cloned.1.call-start
scs
__scs_entry_jumppad:
0x0: {  	(pc) =	sbr.rel $0x88, $3  }
0x1: {  	(tag) =	ssettag $0x0;
	lr =	simm.s32 $0x1  }
0x2: {  	[smem:$0x3F92] =	sst lr;
	_ =	strace $0xD0000000  }
0x3: {  	_ = 	snop  }
0x4: {  	_ = 	snop  }
0x5: {  	_ = 	snop  }
0x6: {  	_ = 	snop  }
0x7: {  	_ = 	snop  }
__scs_overlays_trampoline_lowered:
0x8: {  	[smem:$0x3FA1] =	sst s0  }
0x9: {  	[smem:$0x3FA2] =	sst s1  }
0xa: {  	[smem:$0x3FA3] =	sst s2  }
0xb: {  	[smem:$0x3FA4] =	sst s3  }
0xc: {  	[smem:$0x3FA5] =	sst s4  }
0xd: {  	[smem:$0x3FA6] =	sst s5  }
0xe: {  	[smem:$0x3FA7] =	sst s6  }
0xf: {  	[smem:$0x3FA8] =	sst s7  }
0x10: {  	[smem:$0x3FA9] =	sst s8  }
0x11: {  	[smem:$0x3FAA] =	sst s9;
	s0 =	simm.s32 @!p0 $0x0  }
0x12: {  	s1 =	sld [smem:$0x3F90];
	s0 =	simm.s32 @p0 $0x1  }
0x13: {  	[smem:$0x3FAB] =	sst s0;
	s0 =	simm.s32 @!p1 $0x0  }
0x14: {  	s2 =	sld [smem:$0x3F8F];
	s0 =	simm.s32 @p1 $0x1  }
0x15: {  	[smem:$0x3FAC] =	sst s0;
	s0 =	simm.s32 @!p2 $0x0  }
0x16: {  	s3 =	sld [smem:$0x3FDB];
	s0 =	simm.s32 @p2 $0x1  }
0x17: {  	s4 =	simm.s32 $0x1BF5;
	[smem:$0x3FAE] =	sst s0  }
0x18: {  	s0 =	sld [smem:$0x3F91];
	_ =	swait.ge [sflag:s4], $0x0  }
0x19: {  	s7 =	sld [smem:$0x3F92]  }
0x1a: {  	s8 =	sadd.s32 $0xFFFFE003, lr  }
0x1b: {  	s9 =	sadd.s32 $0xFFFFFEF7, lr;
	s5 =	simm.s32 $0xFFFFFFFF;
	p2 =	slt.u32 s8, $0xFFFFF086  }
0x1c: {  	p1 =	slt.u32 s9, $0xF7A;
	s5 =	simm.s32 @!p2 $0x0  }
0x1d: {  	s5 =	simm.s32 @p1 $0x1;
	p0 =	seq.s32 s7, s2  }
0x1e: {  	s7 =	smul.u32 @!p0 $0xF7A, s2;
	p2 =	seq.s32 @!p0 s5, $0x0  }
0x1f: {  	s9 =	smul.u32 $0xF7A, s1;
	s8 =	simm.s32 @!p0 $0x1BF5;
	p2 =	por !p2, p0  }
0x20: {  	[sflag:s8] =	ssyncset.s32 @!p0 $0xFFFFF086;
	s6 =	sadd.s32 @!p0 s3, s7;
	s7 =	simm.s32 @!p0 $0x108  }
0x21: {  	s3 =	sadd.s32 s3, s9;
	s6 =	sadd.s32 @!p0 $0x88, s6;
	s7 =	simm.s32 @p2 $0x1082  }
0x22: {  	[simem:s7], [sflag:s8] =	dma.local @!p0 [hbm:s6], $0xF7A  }
0x23: {  	s9 =	sor.u32 $0xD0000000, s2;
	s6 =	simm.s32 $0x108;
	_ =	swait.ge @!p0 [sflag:s8], $0x0  }
0x24: {  	s3 =	sadd.s32 $0x88, s3;
	s6 =	simm.s32 @!p1 $0x1082;
	[sflag:s4] =	ssyncset.s32 $0xFFFFF086  }
0x25: {  	[simem:s6], [sflag:s4] =	dma.local [hbm:s3], $0xF7A  }
0x26: {  	[smem:$0x3F92] =	sst s1;
	(tag) =	ssettag s2;
	_ =	strace s9  }
0x27: {  	s1 =	sld [smem:$0x3FA2]  }
0x28: {  	s2 =	sld [smem:$0x3FA3]  }
0x29: {  	s4 =	sld [smem:$0x3FA5]  }
0x2a: {  	p0 =	seq.s32 s5, $0x0;
	s5 =	sld [smem:$0x3FA6]  }
0x2b: {  	s6 =	sld [smem:$0x3FA7]  }
0x2c: {  	s7 =	sld [smem:$0x3FA8]  }
0x2d: {  	s3 =	simm.s32 $0x108;
	s8 =	sld [smem:$0x3FA9]  }
0x2e: {  	s3 =	simm.s32 @!p0 $0x1082;
	s9 =	sld [smem:$0x3FAA]  }
0x2f: {  	lr =	sadd.s32 s0, s3;
	s0 =	sld [smem:$0x3FA1]  }
0x30: {  	s3 =	sld [smem:$0x3FA4]  }
0x31: {  	[smem:$0x3FAD] =	sst s10  }
0x32: {  	s10 =	sld [smem:$0x3FAB];
	_ =	sdelay $0x3  }
0x33: {  	p0 =	seq.s32 s10, $0x1;
	s10 =	sld [smem:$0x3FAD];
	_ =	sdelay $0x3  }
0x34: {  	[smem:$0x3FAD] =	sst s10  }
0x35: {  	s10 =	sld [smem:$0x3FAC];
	_ =	sdelay $0x3  }
0x36: {  	p1 =	seq.s32 s10, $0x1;
	s10 =	sld [smem:$0x3FAD];
	_ =	sdelay $0x3  }
0x37: {  	[smem:$0x3FAD] =	sst s10  }
0x38: {  	s10 =	sld [smem:$0x3FAE]  }
0x39: {  	_ = 	snop;
	(pc) =	sbr.ind lr, $3  }
0x3a: {  	_ = 	snop  }
0x3b: {  	_ = 	snop  }
0x3c: {  	p2 =	seq.s32 s10, $0x1;
	s10 =	sld [smem:$0x3FAD]  }
0x3d: {  	_ =	shalt  }
0x3e: {  	_ =	shalt  }
0x3f: {  	_ =	shalt  }
0x40: {  	_ =	shalt  }
0x41: {  	_ =	shalt  }
0x42: {  	_ =	shalt  }
0x43: {  	_ =	shalt  }
0x44: {  	_ =	shalt  }
0x45: {  	_ =	shalt  }
0x46: {  	_ =	shalt  }
0x47: {  	_ =	shalt  }
0x48: {  	_ =	shalt  }
0x49: {  	_ =	shalt  }
0x4a: {  	_ =	shalt  }
0x4b: {  	_ =	shalt  }
0x4c: {  	_ =	shalt  }
0x4d: {  	_ =	shalt  }
0x4e: {  	_ =	shalt  }
0x4f: {  	_ =	shalt  }
0x50: {  	_ =	shalt  }
0x51: {  	_ =	shalt  }
0x52: {  	_ =	shalt  }
0x53: {  	_ =	shalt  }
0x54: {  	_ =	shalt  }
0x55: {  	_ =	shalt  }
0x56: {  	_ =	shalt  }
0x57: {  	_ =	shalt  }
0x58: {  	_ =	shalt  }
0x59: {  	_ =	shalt  }
0x5a: {  	_ =	shalt  }
0x5b: {  	_ =	shalt  }
0x5c: {  	_ =	shalt  }
0x5d: {  	_ =	shalt  }
0x5e: {  	_ =	shalt  }
0x5f: {  	_ =	shalt  }
0x60: {  	_ =	shalt  }
0x61: {  	_ =	shalt  }
0x62: {  	_ =	shalt  }
0x63: {  	_ =	shalt  }
0x64: {  	_ =	shalt  }
0x65: {  	_ =	shalt  }
0x66: {  	_ =	shalt  }
0x67: {  	_ =	shalt  }
0x68: {  	_ =	shalt  }
0x69: {  	_ =	shalt  }
0x6a: {  	_ =	shalt  }
0x6b: {  	_ =	shalt  }
0x6c: {  	_ =	shalt  }
0x6d: {  	_ =	shalt  }
0x6e: {  	_ =	shalt  }
0x6f: {  	_ =	shalt  }
0x70: {  	_ =	shalt  }
0x71: {  	_ =	shalt  }
0x72: {  	_ =	shalt  }
0x73: {  	_ =	shalt  }
0x74: {  	_ =	shalt  }
0x75: {  	_ =	shalt  }
0x76: {  	_ =	shalt  }
0x77: {  	_ =	shalt  }
0x78: {  	_ =	shalt  }
0x79: {  	_ =	shalt  }
0x7a: {  	_ =	shalt  }
0x7b: {  	_ =	shalt  }
0x7c: {  	_ =	shalt  }
0x7d: {  	_ =	shalt  }
0x7e: {  	_ =	shalt  }
0x7f: {  	_ =	shalt  }
0x80: {  	_ =	shalt  }
0x81: {  	_ =	shalt  }
0x82: {  	_ =	shalt  }
0x83: {  	_ =	shalt  }
0x84: {  	_ =	shalt  }
0x85: {  	_ =	shalt  }
0x86: {  	_ =	shalt  }
0x87: {  	_ =	shalt  }
.Lfunc_end0:
.L_simem_size_0:
called_computation_lowered:
.L_overlay_start_0:
0x88: {  	s2 =	sld [smem:$0x3FD9]  }
0x89: {  	s3 =	sld [smem:$0x3FFE];
	_ =	sdelay $0x1  }
0x8a: {  	s1 =	srdreg.scid  }
0x8b: {  	s0 =	sand.u32 $0x1, s1  }
0x8c: {  	s17 =	sshll.u32 s0, $0xA;
	s2 =	sadd.s32 s3, s2  }
0x8d: {  	s2 =	sadd.s32 s2, s17  }
0x8e: {  	[smem:$0x3FB9] =	sst s2  }
0x8f: {  	_ = 	snop  }
0x90: {  	s2 =	sld [smem:$0x3FD0];
	(tm) =	ssettm $0x1  }
0x91: {  	s18 =	sld [smem:$0x3FFB];
	_ =	sdelay $0x3  }
0x92: {  	_ =	strace s18  }
0x93: {  	s3 =	sld [smem:$0x3FFC];
	_ =	sdelay $0x3  }
0x94: {  	_ =	strace s3  }
0x95: {  	s3 =	sld [smem:$0x3FFD];
	_ =	sdelay $0x3  }
0x96: {  	_ =	strace s3  }
0x97: {  	_ =	strace $0x8FFFFFFF  }
0x98: {  	s19 =	sld [smem:$0x3FDB];
	_ =	sdelay $0x1  }
0x99: {  	s4 =	simm.s32 $_scs_section_size  }
0x9a: {  	s5 =	simm.s32 $_size__tile_overlayer_lowered;
	s6 =	simm.s32 $_tile_overlayer_lowered  }
0x9b: {  	s22 =	simm.s32 $0x1BFF;
	s21 =	sshll.u32 s6, $0x1;
	s3 =	sadd.s32 s4, s19  }
0x9c: {  	s7 =	simm.s32 $0x0;
	s20 =	sshll.u32 s5, $0x1;
	s5 =	sadd.s32 s21, s3  }
0x9d: {  	[timem:s7], [sflag:s22] =	dma.local [hbm:s5], s20  }
0x9e: {  	_ =	swait.ge [sflag:s22], s20  }
0x9f: {  	s4 =	ssub.s32 $0x0, s20;
	[sflag:s22] =	ssyncset.done $0x0  }
0xa0: {  	[sflag:s22] =	ssyncadd.s32 s4;
	_ =	sdelay $0x1  }
0xa1: {  	s23 =	simm.s32 $0x1B8B  }
0xa2: {  	_ =	swait.ge [sflag:s23], $0x1  }
0xa3: {  	[sflag:s23] =	ssyncset.done $0x0  }
0xa4: {  	s25 =	simm.s32 $0x1B8E;
	s24 =	sld [smem:$0x3FFE];
	[sflag:s23] =	ssyncadd.s32 $0xFFFFFFFF  }
0xa5: {  	s26 =	simm.s32 $execute0_lowered;
	[smem:$0x3FD2] =	sst s25  }
0xa6: {  	s5 =	sshll.u32 s26, $0x1;
	_ =	strace $0x80000046;
	[dreg:$0x1] =	wrdreg $0xFFFFFFFF  }
0xa7: {  	s28 =	simm.s32 $_size_execute0_lowered;
	s3 =	sadd.s32 s3, s5;
	[dreg:$0x0] =	wrdreg $0x0  }
0xa8: {  	s5 =	sshll.u32 s28, $0x1;
	[dreg:$0x2] =	wrdreg s3  }
0xa9: {  	[dreg:$0x3] =	wrdreg s5  }
0xaa: {  	[dreg:$0x4] =	wrdreg $0xC0  }
0xab: {  	_ =	task [dreg:s7], $0x5FFFF  }
0xac: {  	[dreg:$0x1] =	wrdreg $0xFFFFFFFF  }
0xad: {  	[dreg:$0x0] =	wrdreg $0x60  }
0xae: {  	[dreg:$0x2] =	wrdreg s24  }
0xaf: {  	[dreg:$0x3] =	wrdreg s2  }
0xb0: {  	[dreg:$0x4] =	wrdreg $0x9  }
0xb1: {  	_ =	task.clear_ibuf [dreg:s7], $0x5FFFF;
	_ =	strace $0x90000046  }
0xb2: {  	s29 =	simm.s32 $0x9;
	_ =	strace $0x80000048  }
0xb3: {  	_ =	swait.ge [sflag:s29], $0x1  }
0xb4: {  	[sflag:s29] =	ssyncadd.s32 $0xFFFFFFFF  }
0xb5: {  	_ =	strace $0x90000048  }
0xb6: {  	_ =	sfence  }
0xb7: {  	s30 =	sld [smem:$0x0];
	_ =	sdelay $0x2  }
0xb8: {  	s31 =	sshll.u32 s1, $0xD;
	s1 =	sshrl.u32 s1, $0x2  }
0xb9: {  	s3 =	sand.u32 $0x4000, s31;
	s1 =	sadd.s32 s1, s30  }
0xba: {  	s0 =	sor.u32 s3, s0;
	s1 =	sshll.u32 s1, $0x11  }
0xbb: {  	s0 =	sor.u32 s1, s0  }
0xbc: {  	s0 =	sadd.s32 $0x8F2B, s0  }
0xbd: {  	[sflag:s0] =	ssyncadd.remote.s32 $0x1  }
0xbe: {  	_ =	sfence.sel $0xFFFF  }
0xbf: {  	[dreg:$0x0] =	wrdreg $0xFFFFFFFF;
	(pc) =	sbr.abs _section_cstart, $3  }
0xc0: {  	[dreg:$0x1] =	wrdreg $0xFFFFFFFF  }
0xc1: {  	_ =	task.clear_ibuf [dreg:s7], $0x2FFFF;
	_ =	strace $0x9FFFFFFF  }
0xc2: {  	(tm) =	ssettm $0x7FFFFFFF  }
0xc3: {  	_ =	shalt  }
tec
execute0_lowered:
.L_overlay_start_1:
0x0: {  	(tag) =	ssettag $0x1  }
0x1: {  	s0 =	srdreg.scid  }
0x2: {  	s1 =	rddreg [dreg:$0x0];
	s2 =	stileid.u32  }
0x3: {  	s12 =	rddreg [dreg:$0x1];
	s15 =	simm.s32 $0x2;
	s17 =	simm.s32 $0x1  }
0x4: {  	s19 =	simm.s32 $0x8400;
	s20 =	simm.s32 $0x4400;
	s21 =	simm.s32 $0xC400  }
0x5: {  	s0 =	sand.u32 $0x1, s0;
	s3 =	sshll.u32 s2, $0xA;
	s5 =	sadd.s32 $0x2800, s1  }
0x6: {  	s2 =	simm.s32 $0x0;
	s7 =	sadd.s32 $0x2DC9400, s1;
	s8 =	sadd.s32 $0x3D0B800, s1  }
0x7: {  	s6 =	sadd.s32 $0x1E87000, s1;
	s9 =	sadd.s32 $0x3D4B800, s1;
	s4 =	sshll.u32 s0, $0x9  }
0x8: {  	s10 =	sadd.s32 $0x3D8B800, s1;
	s0 =	ssub.s32 $0x2, s0;
	s3 =	sor.u32 s4, s3  }
0x9: {  	[smem:$0x7FF] =	sst s2;
	s29 =	sshrl.u32 s0, $0x1;
	s13 =	sshrl.u32 s3, $0x3  }
0xa: {  	_ =	strace $0x80000047;
	s0 =	ssub.s32 s0, s29;
	s31 =	sadd.s32 s12, s13  }
0xb: {  	s14 =	sadd.s32 s13, s1;
	s0 =	smax.u32 s0, $0x1;
	[dreg:$0x4] =	wrdreg s31  }
0xc: {  	s11 =	sadd.s32 $0x3DCB800, s1;
	s30 =	sadd.s32 $0x2000, s14;
	[dreg:$0x5] =	wrdreg s0  }
0xd: {  	s4 =	sadd.s32 $0xF44C00, s1;
	s1 =	simm.s32 $0x0;
	[dreg:$0x3] =	wrdreg s30  }
.LBB2_1:
0xe: {  	[dreg:$0x6] =	wrdreg s1  }
0xf: {  	s0 =	rddreg [dreg:$0x3]  }
0x10: {  	[tilespmem:s2], [sflag:$0x2] =	stream.linear.gather [hbm4b:s0+s2], $0x200, $0x38;
	[tilespmem:$0x10400] =	vst v63  }
0x11: {  	_ =	swait.ge [sflag:s15], $0x200  }
0x12: {  	[sflag:s15] =	ssyncset.done $0x0  }
0x13: {  	s31 =	simm.s32 $0x200;
	s30 =	rddreg [dreg:$0x4];
	[sflag:s15] =	ssyncadd.s32 $0xFFFFFE00  }
0x14: {  	[tilespmem:s31], [sflag:$0x2] =	stream.linear.gather [hbm4b:s30+s2], $0x200, $0x38;
	[tilespmem:$0x10400] =	vst v63  }
0x15: {  	_ =	swait.ge [sflag:s15], $0x200  }
0x16: {  	s16 =	simm.s32 $0x10;
	[sflag:s15] =	ssyncset.done $0x0  }
0x17: {  	s25 =	simm.s32 $0x0;
	s0 =	simm.s32 $0x210;
	[sflag:s15] =	ssyncadd.s32 $0xFFFFFE00  }
.LBB2_2:
0x18: {  	v0 =	vld [tilespmem:s16+$0xFFFFFFF0];
	_ =	sdelay $0x1  }
0x19: {  	v2 =	vld [tilespmem:s0+$0xFFFFFFF0];
	_ =	sdelay $0x2  }
0x1a: {  	v1 =	vshll.u32 v0, $0x4  }
0x1b: {  	(v2sf) =	vpush v1, $0x0  }
0x1c: {  	v0 =	vshll.u32 v2, $0x4  }
0x1d: {  	(v2sf) =	vpush v0, $0x0;
	_ =	sdelay $0x3  }
0x1e: {  	(v2sf) =	vpush v1, $0x1;
	_ =	sdelay $0x3  }
0x1f: {  	(v2sf) =	vpush v0, $0x1;
	_ =	sdelay $0x4  }
0x20: {  	s1 =	spop (v2sf)  }
0x21: {  	s12 =	simm.s32 $0x400;
	s18 =	simm.s32 $0x8400;
	(v2sf) =	vpush v1, $0x2;
	s1 =	sand.u32 $0x1FFFFFF0, s1  }
0x22: {  	s23 =	simm.s32 $0x4400;
	s14 =	spop (v2sf);
	s13 =	sadd.s32 s5, s1  }
0x23: {  	(v2sf) =	vpush v0, $0x2;
	[tilespmem:s12], [sflag:$0x1] =	stream.linear.gather [hbm4b:s13+s2], $0x80, $0x38;
	[tilespmem:$0x10400] =	vst v63  }
0x24: {  	s29 =	simm.s32 $0x0;
	s1 =	sadd.s32 s6, s1;
	s22 =	sand.u32 $0x1FFFFFF0, s14  }
0x25: {  	[tilespmem:s18], [sflag:$0x1] =	stream.linear.gather [hbm4b:s1+s2], $0x80, $0x38;
	[tilespmem:$0x10400] =	vst v63  }
0x26: {  	s28 =	simm.s32 $0x0;
	(v2sf) =	vpush v1, $0x3;
	s26 =	spop (v2sf);
	s24 =	sadd.s32 s4, s22  }
0x27: {  	[tilespmem:s23], [sflag:$0x1] =	stream.linear.gather [hbm4b:s24+s2], $0x80, $0x38;
	[tilespmem:$0x10400] =	vst v63  }
0x28: {  	s12 =	simm.s32 $0xC400;
	s18 =	sadd.s32 s7, s22;
	s22 =	sand.u32 $0x1FFFFFF0, s26  }
0x29: {  	[tilespmem:s12], [sflag:$0x1] =	stream.linear.gather [hbm4b:s18+s2], $0x80, $0x38;
	[tilespmem:$0x10400] =	vst v63  }
0x2a: {  	s26 =	spop (v2sf);
	s23 =	simm.s32 $0x480;
	s24 =	sadd.s32 s5, s22  }
0x2b: {  	[tilespmem:s23], [sflag:$0x1] =	stream.linear.gather [hbm4b:s24+s2], $0x80, $0x38;
	[tilespmem:$0x10400] =	vst v63  }
0x2c: {  	(v2sf) =	vpush v0, $0x3;
	s12 =	simm.s32 $0x8480;
	s18 =	sadd.s32 s6, s22;
	s22 =	sand.u32 $0x1FFFFFF0, s26  }
0x2d: {  	[tilespmem:s12], [sflag:$0x1] =	stream.linear.gather [hbm4b:s18+s2], $0x80, $0x38;
	[tilespmem:$0x10400] =	vst v63  }
0x2e: {  	s30 =	simm.s32 $0x0;
	(v2sf) =	vpush v1, $0x4;
	s23 =	simm.s32 $0x4480;
	s24 =	sadd.s32 s4, s22  }
0x2f: {  	[tilespmem:s23], [sflag:$0x1] =	stream.linear.gather [hbm4b:s24+s2], $0x80, $0x38;
	[tilespmem:$0x10400] =	vst v63  }
0x30: {  	s26 =	spop (v2sf);
	s12 =	simm.s32 $0xC480;
	s18 =	sadd.s32 s7, s22  }
0x31: {  	[tilespmem:s12], [sflag:$0x1] =	stream.linear.gather [hbm4b:s18+s2], $0x80, $0x38;
	[tilespmem:$0x10400] =	vst v63  }
0x32: {  	s31 =	sadd.s32 $0x20, s16;
	s22 =	sand.u32 $0x1FFFFFF0, s26;
	s18 =	spop (v2sf);
	(v2sf) =	vpush v0, $0x4  }
0x33: {  	s14 =	sadd.s32 s6, s22;
	s23 =	simm.s32 $0x500;
	s24 =	sadd.s32 s5, s22  }
0x34: {  	[tilespmem:s23], [sflag:$0x1] =	stream.linear.gather [hbm4b:s24+s2], $0x80, $0x38;
	[tilespmem:$0x10400] =	vst v63  }
0x35: {  	s12 =	simm.s32 $0x8500;
	s22 =	sand.u32 $0x1FFFFFF0, s18;
	s24 =	spop (v2sf)  }
0x36: {  	(v2sf) =	vpush v1, $0x5;
	[tilespmem:s12], [sflag:$0x1] =	stream.linear.gather [hbm4b:s14+s2], $0x80, $0x38;
	[tilespmem:$0x10400] =	vst v63  }
0x37: {  	s23 =	simm.s32 $0x4500;
	s13 =	sadd.s32 s4, s22;
	s1 =	sadd.s32 s7, s22  }
0x38: {  	[tilespmem:s23], [sflag:$0x1] =	stream.linear.gather [hbm4b:s13+s2], $0x80, $0x38;
	[tilespmem:$0x10400] =	vst v63  }
0x39: {  	s22 =	simm.s32 $0x580;
	s18 =	sand.u32 $0x1FFFFFF0, s24;
	s13 =	simm.s32 $0xC500  }
0x3a: {  	(v2sf) =	vpush v0, $0x5;
	[tilespmem:s13], [sflag:$0x1] =	stream.linear.gather [hbm4b:s1+s2], $0x80, $0x38;
	[tilespmem:$0x10400] =	vst v63  }
0x3b: {  	s24 =	spop (v2sf);
	s12 =	simm.s32 $0x8580;
	s23 =	sadd.s32 s5, s18  }
0x3c: {  	[tilespmem:s22], [sflag:$0x1] =	stream.linear.gather [hbm4b:s23+s2], $0x80, $0x38;
	[tilespmem:$0x10400] =	vst v63  }
0x3d: {  	s13 =	sadd.s32 s6, s18;
	s18 =	sand.u32 $0x1FFFFFF0, s24;
	s24 =	spop (v2sf)  }
0x3e: {  	(v2sf) =	vpush v1, $0x6;
	[tilespmem:s12], [sflag:$0x1] =	stream.linear.gather [hbm4b:s13+s2], $0x80, $0x38;
	[tilespmem:$0x10400] =	vst v63  }
0x3f: {  	s22 =	simm.s32 $0x4580;
	s23 =	sadd.s32 s4, s18;
	s12 =	simm.s32 $0xC580  }
0x40: {  	[tilespmem:s22], [sflag:$0x1] =	stream.linear.gather [hbm4b:s23+s2], $0x80, $0x38;
	[tilespmem:$0x10400] =	vst v63  }
0x41: {  	s13 =	sadd.s32 s7, s18;
	s18 =	sand.u32 $0x1FFFFFF0, s24;
	s24 =	spop (v2sf)  }
0x42: {  	(v2sf) =	vpush v0, $0x6;
	[tilespmem:s12], [sflag:$0x1] =	stream.linear.gather [hbm4b:s13+s2], $0x80, $0x38;
	[tilespmem:$0x10400] =	vst v63  }
0x43: {  	s22 =	simm.s32 $0x600;
	s23 =	sadd.s32 s5, s18;
	s12 =	simm.s32 $0x8600  }
0x44: {  	[tilespmem:s22], [sflag:$0x1] =	stream.linear.gather [hbm4b:s23+s2], $0x80, $0x38;
	[tilespmem:$0x10400] =	vst v63  }
0x45: {  	s13 =	sadd.s32 s6, s18;
	s18 =	sand.u32 $0x1FFFFFF0, s24;
	s24 =	spop (v2sf)  }
0x46: {  	(v2sf) =	vpush v1, $0x7;
	[tilespmem:s12], [sflag:$0x1] =	stream.linear.gather [hbm4b:s13+s2], $0x80, $0x38;
	[tilespmem:$0x10400] =	vst v63  }
0x47: {  	s22 =	simm.s32 $0x4600;
	s23 =	sadd.s32 s4, s18;
	s12 =	simm.s32 $0xC600  }
0x48: {  	[tilespmem:s22], [sflag:$0x1] =	stream.linear.gather [hbm4b:s23+s2], $0x80, $0x38;
	[tilespmem:$0x10400] =	vst v63  }
0x49: {  	s13 =	sadd.s32 s7, s18;
	s18 =	sand.u32 $0x1FFFFFF0, s24;
	s24 =	spop (v2sf)  }
0x4a: {  	(v2sf) =	vpush v0, $0x7;
	[tilespmem:s12], [sflag:$0x1] =	stream.linear.gather [hbm4b:s13+s2], $0x80, $0x38;
	[tilespmem:$0x10400] =	vst v63  }
0x4b: {  	s22 =	simm.s32 $0x680;
	s23 =	sadd.s32 s5, s18;
	s12 =	simm.s32 $0x8680  }
0x4c: {  	[tilespmem:s22], [sflag:$0x1] =	stream.linear.gather [hbm4b:s23+s2], $0x80, $0x38;
	[tilespmem:$0x10400] =	vst v63  }
0x4d: {  	s13 =	sadd.s32 s6, s18;
	s18 =	sand.u32 $0x1FFFFFF0, s24;
	s24 =	spop (v2sf)  }
0x4e: {  	(v2sf) =	vpush v1, $0x8;
	[tilespmem:s12], [sflag:$0x1] =	stream.linear.gather [hbm4b:s13+s2], $0x80, $0x38;
	[tilespmem:$0x10400] =	vst v63  }
0x4f: {  	s22 =	simm.s32 $0x4680;
	s23 =	sadd.s32 s4, s18;
	s12 =	simm.s32 $0xC680  }
0x50: {  	[tilespmem:s22], [sflag:$0x1] =	stream.linear.gather [hbm4b:s23+s2], $0x80, $0x38;
	[tilespmem:$0x10400] =	vst v63  }
0x51: {  	s13 =	sadd.s32 s7, s18;
	s18 =	sand.u32 $0x1FFFFFF0, s24;
	s24 =	spop (v2sf)  }
0x52: {  	(v2sf) =	vpush v0, $0x8;
	[tilespmem:s12], [sflag:$0x1] =	stream.linear.gather [hbm4b:s13+s2], $0x80, $0x38;
	[tilespmem:$0x10400] =	vst v63  }
0x53: {  	s22 =	simm.s32 $0x700;
	s23 =	sadd.s32 s5, s18;
	s12 =	simm.s32 $0x8700  }
0x54: {  	[tilespmem:s22], [sflag:$0x1] =	stream.linear.gather [hbm4b:s23+s2], $0x80, $0x38;
	[tilespmem:$0x10400] =	vst v63  }
0x55: {  	s13 =	sadd.s32 s6, s18;
	s18 =	sand.u32 $0x1FFFFFF0, s24;
	s24 =	spop (v2sf)  }
0x56: {  	(v2sf) =	vpush v1, $0x9;
	[tilespmem:s12], [sflag:$0x1] =	stream.linear.gather [hbm4b:s13+s2], $0x80, $0x38;
	[tilespmem:$0x10400] =	vst v63  }
0x57: {  	s22 =	simm.s32 $0x4700;
	s23 =	sadd.s32 s4, s18;
	s12 =	simm.s32 $0xC700  }
0x58: {  	[tilespmem:s22], [sflag:$0x1] =	stream.linear.gather [hbm4b:s23+s2], $0x80, $0x38;
	[tilespmem:$0x10400] =	vst v63  }
0x59: {  	s13 =	sadd.s32 s7, s18;
	s18 =	sand.u32 $0x1FFFFFF0, s24;
	s24 =	spop (v2sf)  }
0x5a: {  	(v2sf) =	vpush v0, $0x9;
	[tilespmem:s12], [sflag:$0x1] =	stream.linear.gather [hbm4b:s13+s2], $0x80, $0x38;
	[tilespmem:$0x10400] =	vst v63  }
0x5b: {  	s22 =	simm.s32 $0x780;
	s23 =	sadd.s32 s5, s18;
	s12 =	simm.s32 $0x8780  }
0x5c: {  	[tilespmem:s22], [sflag:$0x1] =	stream.linear.gather [hbm4b:s23+s2], $0x80, $0x38;
	[tilespmem:$0x10400] =	vst v63  }
0x5d: {  	s13 =	sadd.s32 s6, s18;
	s18 =	sand.u32 $0x1FFFFFF0, s24;
	s24 =	spop (v2sf)  }
0x5e: {  	(v2sf) =	vpush v1, $0xA;
	[tilespmem:s12], [sflag:$0x1] =	stream.linear.gather [hbm4b:s13+s2], $0x80, $0x38;
	[tilespmem:$0x10400] =	vst v63  }
0x5f: {  	s22 =	simm.s32 $0x4780;
	s23 =	sadd.s32 s4, s18;
	s12 =	simm.s32 $0xC780  }
0x60: {  	[tilespmem:s22], [sflag:$0x1] =	stream.linear.gather [hbm4b:s23+s2], $0x80, $0x38;
	[tilespmem:$0x10400] =	vst v63  }
0x61: {  	s13 =	sadd.s32 s7, s18;
	s18 =	sand.u32 $0x1FFFFFF0, s24;
	s24 =	spop (v2sf)  }
0x62: {  	(v2sf) =	vpush v0, $0xA;
	[tilespmem:s12], [sflag:$0x1] =	stream.linear.gather [hbm4b:s13+s2], $0x80, $0x38;
	[tilespmem:$0x10400] =	vst v63  }
0x63: {  	s22 =	simm.s32 $0x800;
	s23 =	sadd.s32 s5, s18;
	s12 =	simm.s32 $0x8800  }
0x64: {  	[tilespmem:s22], [sflag:$0x1] =	stream.linear.gather [hbm4b:s23+s2], $0x80, $0x38;
	[tilespmem:$0x10400] =	vst v63  }
0x65: {  	s13 =	sadd.s32 s6, s18;
	s18 =	sand.u32 $0x1FFFFFF0, s24;
	s24 =	spop (v2sf)  }
0x66: {  	(v2sf) =	vpush v1, $0xB;
	[tilespmem:s12], [sflag:$0x1] =	stream.linear.gather [hbm4b:s13+s2], $0x80, $0x38;
	[tilespmem:$0x10400] =	vst v63  }
0x67: {  	s22 =	simm.s32 $0x4800;
	s23 =	sadd.s32 s4, s18;
	s12 =	simm.s32 $0xC800  }
0x68: {  	[tilespmem:s22], [sflag:$0x1] =	stream.linear.gather [hbm4b:s23+s2], $0x80, $0x38;
	[tilespmem:$0x10400] =	vst v63  }
0x69: {  	s13 =	sadd.s32 s7, s18;
	s18 =	sand.u32 $0x1FFFFFF0, s24;
	s24 =	spop (v2sf)  }
0x6a: {  	[tilespmem:s12], [sflag:$0x1] =	stream.linear.gather [hbm4b:s13+s2], $0x80, $0x38;
	[tilespmem:$0x10400] =	vst v63  }
0x6b: {  	s22 =	simm.s32 $0x880;
	s23 =	sadd.s32 s5, s18;
	s12 =	simm.s32 $0x8880  }
0x6c: {  	(v2sf) =	vpush v0, $0xB;
	[tilespmem:s22], [sflag:$0x1] =	stream.linear.gather [hbm4b:s23+s2], $0x80, $0x38;
	[tilespmem:$0x10400] =	vst v63  }
0x6d: {  	s13 =	sadd.s32 s6, s18;
	s18 =	sand.u32 $0x1FFFFFF0, s24;
	s24 =	spop (v2sf)  }
0x6e: {  	[tilespmem:s12], [sflag:$0x1] =	stream.linear.gather [hbm4b:s13+s2], $0x80, $0x38;
	[tilespmem:$0x10400] =	vst v63  }
0x6f: {  	s22 =	simm.s32 $0x4880;
	s23 =	sadd.s32 s4, s18;
	s12 =	simm.s32 $0xC880  }
0x70: {  	(v2sf) =	vpush v1, $0xC;
	[tilespmem:s22], [sflag:$0x1] =	stream.linear.gather [hbm4b:s23+s2], $0x80, $0x38;
	[tilespmem:$0x10400] =	vst v63  }
0x71: {  	s13 =	sadd.s32 s7, s18;
	s18 =	sand.u32 $0x1FFFFFF0, s24;
	s24 =	spop (v2sf)  }
0x72: {  	[tilespmem:s12], [sflag:$0x1] =	stream.linear.gather [hbm4b:s13+s2], $0x80, $0x38;
	[tilespmem:$0x10400] =	vst v63  }
0x73: {  	s22 =	simm.s32 $0x900;
	s23 =	sadd.s32 s5, s18;
	s12 =	simm.s32 $0x8900  }
0x74: {  	(v2sf) =	vpush v0, $0xC;
	[tilespmem:s22], [sflag:$0x1] =	stream.linear.gather [hbm4b:s23+s2], $0x80, $0x38;
	[tilespmem:$0x10400] =	vst v63  }
0x75: {  	s13 =	sadd.s32 s6, s18;
	s18 =	sand.u32 $0x1FFFFFF0, s24;
	s24 =	spop (v2sf)  }
0x76: {  	(v2sf) =	vpush v1, $0xD;
	[tilespmem:s12], [sflag:$0x1] =	stream.linear.gather [hbm4b:s13+s2], $0x80, $0x38;
	[tilespmem:$0x10400] =	vst v63  }
0x77: {  	s26 =	sshll.u32 s25, $0x7;
	s22 =	simm.s32 $0x4900;
	s23 =	sadd.s32 s4, s18  }
0x78: {  	[tilespmem:s22], [sflag:$0x1] =	stream.linear.gather [hbm4b:s23+s2], $0x80, $0x38;
	[tilespmem:$0x10400] =	vst v63  }
0x79: {  	s12 =	simm.s32 $0xC900;
	s13 =	sadd.s32 s7, s18;
	s18 =	sand.u32 $0x1FFFFFF0, s24  }
0x7a: {  	[tilespmem:s12], [sflag:$0x1] =	stream.linear.gather [hbm4b:s13+s2], $0x80, $0x38;
	[tilespmem:$0x10400] =	vst v63  }
0x7b: {  	s24 =	spop (v2sf);
	s22 =	simm.s32 $0x980;
	s23 =	sadd.s32 s5, s18  }
0x7c: {  	[tilespmem:s22], [sflag:$0x1] =	stream.linear.gather [hbm4b:s23+s2], $0x80, $0x38;
	[tilespmem:$0x10400] =	vst v63  }
0x7d: {  	(v2sf) =	vpush v0, $0xD;
	s12 =	simm.s32 $0x8980;
	s13 =	sadd.s32 s6, s18;
	s18 =	sand.u32 $0x1FFFFFF0, s24  }
0x7e: {  	[tilespmem:s12], [sflag:$0x1] =	stream.linear.gather [hbm4b:s13+s2], $0x80, $0x38;
	[tilespmem:$0x10400] =	vst v63  }
0x7f: {  	s24 =	spop (v2sf);
	s22 =	simm.s32 $0x4980;
	s23 =	sadd.s32 s4, s18  }
0x80: {  	[tilespmem:s22], [sflag:$0x1] =	stream.linear.gather [hbm4b:s23+s2], $0x80, $0x38;
	[tilespmem:$0x10400] =	vst v63  }
0x81: {  	(v2sf) =	vpush v1, $0xE;
	s12 =	simm.s32 $0xC980;
	s13 =	sadd.s32 s7, s18;
	s18 =	sand.u32 $0x1FFFFFF0, s24  }
0x82: {  	[tilespmem:s12], [sflag:$0x1] =	stream.linear.gather [hbm4b:s13+s2], $0x80, $0x38;
	[tilespmem:$0x10400] =	vst v63  }
0x83: {  	s24 =	spop (v2sf);
	s22 =	simm.s32 $0xA00;
	s23 =	sadd.s32 s5, s18  }
0x84: {  	[tilespmem:s22], [sflag:$0x1] =	stream.linear.gather [hbm4b:s23+s2], $0x80, $0x38;
	[tilespmem:$0x10400] =	vst v63  }
0x85: {  	s1 =	sadd.s32 $0x20, s0;
	s14 =	sand.u32 $0x1FFFFFF0, s24;
	s23 =	spop (v2sf);
	(v2sf) =	vpush v0, $0xE  }
0x86: {  	s24 =	simm.s32 $0xCA00;
	s12 =	simm.s32 $0x8A00;
	s13 =	sadd.s32 s6, s18  }
0x87: {  	[tilespmem:s12], [sflag:$0x1] =	stream.linear.gather [hbm4b:s13+s2], $0x80, $0x38;
	[tilespmem:$0x10400] =	vst v63  }
0x88: {  	s18 =	simm.s32 $0x4A00;
	s22 =	sadd.s32 s4, s14;
	s13 =	sadd.s32 s7, s14  }
0x89: {  	(v2sf) =	vpush v1, $0xF;
	[tilespmem:s18], [sflag:$0x1] =	stream.linear.gather [hbm4b:s22+s2], $0x80, $0x38;
	[tilespmem:$0x10400] =	vst v63  }
0x8a: {  	s12 =	sand.u32 $0x1FFFFFF0, s23;
	s14 =	simm.s32 $0xA80;
	s23 =	smov.u32 s16  }
0x8b: {  	[tilespmem:s24], [sflag:$0x1] =	stream.linear.gather [hbm4b:s13+s2], $0x80, $0x38;
	[tilespmem:$0x10400] =	vst v63  }
0x8c: {  	s22 =	sadd.s32 s5, s12;
	s13 =	spop (v2sf);
	s24 =	smov.u32 s0  }
.LBB2_3:
0x8d: {  	v1 =	vld [tilespmem:s31+$0xFFFFFFF0];
	[tilespmem:s14], [sflag:$0x1] =	stream.linear.gather [hbm4b:s22+s2], $0x80, $0x38;
	(v2sf) =	vpush v0, $0xF  }
0x8e: {  	s14 =	sadd.s32 $0x8A80, s28;
	s12 =	sadd.s32 s6, s12;
	s13 =	sand.u32 $0x1FFFFFF0, s13  }
0x8f: {  	[tilespmem:s14], [sflag:$0x1] =	stream.linear.gather [hbm4b:s12+s2], $0x80, $0x38;
	[tilespmem:$0x10400] =	vst v63  }
0x90: {  	s12 =	sadd.s32 $0x4A80, s28;
	s14 =	sadd.s32 s4, s13;
	v0 =	vld [tilespmem:s1+$0xFFFFFFF0];
	s22 =	spop (v2sf)  }
0x91: {  	[tilespmem:s12], [sflag:$0x1] =	stream.linear.gather [hbm4b:s14+s2], $0x80, $0x38;
	[tilespmem:$0x10400] =	vst v63  }
0x92: {  	s13 =	sadd.s32 s7, s13;
	s12 =	sadd.s32 $0xCA80, s28;
	s14 =	sand.u32 $0x1FFFFFF0, s22;
	v1 =	vshll.u32 v1, $0x4  }
0x93: {  	(v2sf) =	vpush v1, $0x0;
	[tilespmem:s12], [sflag:$0x1] =	stream.linear.gather [hbm4b:s13+s2], $0x80, $0x38;
	[tilespmem:$0x10400] =	vst v63  }
0x94: {  	s12 =	sadd.s32 $0xB00, s28;
	s13 =	sadd.s32 s5, s14;
	s22 =	spop (v2sf)  }
0x95: {  	v0 =	vshll.u32 v0, $0x4;
	[tilespmem:s12], [sflag:$0x1] =	stream.linear.gather [hbm4b:s13+s2], $0x80, $0x38;
	[tilespmem:$0x10400] =	vst v63  }
0x96: {  	s12 =	sadd.s32 $0x8B00, s28;
	s13 =	sadd.s32 s6, s14;
	s14 =	sand.u32 $0x1FFFFFF0, s22;
	(v2sf) =	vpush v0, $0x0  }
0x97: {  	[tilespmem:s12], [sflag:$0x1] =	stream.linear.gather [hbm4b:s13+s2], $0x80, $0x38;
	[tilespmem:$0x10400] =	vst v63  }
0x98: {  	s12 =	sadd.s32 $0x4B00, s28;
	s13 =	sadd.s32 s4, s14;
	s22 =	spop (v2sf)  }
0x99: {  	[tilespmem:s12], [sflag:$0x1] =	stream.linear.gather [hbm4b:s13+s2], $0x80, $0x38;
	[tilespmem:$0x10400] =	vst v63  }
0x9a: {  	s12 =	sadd.s32 $0xCB00, s28;
	s13 =	sadd.s32 s7, s14;
	s14 =	sand.u32 $0x1FFFFFF0, s22;
	(v2sf) =	vpush v1, $0x1  }
0x9b: {  	[tilespmem:s12], [sflag:$0x1] =	stream.linear.gather [hbm4b:s13+s2], $0x80, $0x38;
	[tilespmem:$0x10400] =	vst v63  }
0x9c: {  	s12 =	sadd.s32 $0xB80, s28;
	s13 =	sadd.s32 s5, s14;
	s22 =	spop (v2sf)  }
0x9d: {  	[tilespmem:s12], [sflag:$0x1] =	stream.linear.gather [hbm4b:s13+s2], $0x80, $0x38;
	[tilespmem:$0x10400] =	vst v63  }
0x9e: {  	s12 =	sadd.s32 $0x8B80, s28;
	s13 =	sadd.s32 s6, s14;
	s14 =	sand.u32 $0x1FFFFFF0, s22;
	(v2sf) =	vpush v0, $0x1  }
0x9f: {  	[tilespmem:s12], [sflag:$0x1] =	stream.linear.gather [hbm4b:s13+s2], $0x80, $0x38;
	[tilespmem:$0x10400] =	vst v63  }
0xa0: {  	s29 =	sadd.s32 $0x4000, s29;
	s12 =	sadd.s32 $0x4B80, s28;
	s13 =	sadd.s32 s4, s14  }
0xa1: {  	[tilespmem:s12], [sflag:$0x1] =	stream.linear.gather [hbm4b:s13+s2], $0x80, $0x38;
	[tilespmem:$0x10400] =	vst v63  }
0xa2: {  	s14 =	sadd.s32 s7, s14;
	s13 =	sadd.s32 $0xCB80, s28;
	s12 =	spop (v2sf);
	(v2sf) =	vpush v1, $0x2  }
0xa3: {  	[tilespmem:s13], [sflag:$0x1] =	stream.linear.gather [hbm4b:s14+s2], $0x80, $0x38;
	[tilespmem:$0x10400] =	vst v63  }
0xa4: {  	s13 =	sand.u32 $0x1FFFFFF0, s12;
	s12 =	smov.u32 s28;
	s28 =	sshra.s32 s29, $0x2;
	v2 =	vld [tilespmem:s23+$0x0]  }
0xa5: {  	s14 =	sadd.s32 $0x400, s28;
	s22 =	sadd.s32 s5, s13;
	s23 =	spop (v2sf)  }
0xa6: {  	[tilespmem:s14], [sflag:$0x1] =	stream.linear.gather [hbm4b:s22+s2], $0x80, $0x38;
	v4 =	vld [tilespmem:s24+$0x0]  }
0xa7: {  	s13 =	sadd.s32 s6, s13;
	s14 =	sadd.s32 $0x8400, s28;
	s22 =	sand.u32 $0x1FFFFFF0, s23  }
0xa8: {  	[tilespmem:s14], [sflag:$0x1] =	stream.linear.gather [hbm4b:s13+s2], $0x80, $0x38;
	[tilespmem:$0x10400] =	vst v63  }
0xa9: {  	s13 =	sadd.s32 $0x4400, s28;
	s14 =	sadd.s32 s4, s22;
	s23 =	spop (v2sf);
	v3 =	vshll.u32 v2, $0x4  }
0xaa: {  	[tilespmem:s13], [sflag:$0x1] =	stream.linear.gather [hbm4b:s14+s2], $0x80, $0x38;
	(v2sf) =	vpush v3, $0x0;
	[tilespmem:$0x10400] =	vst v63  }
0xab: {  	s13 =	sadd.s32 $0xC400, s28;
	s14 =	sadd.s32 s7, s22;
	s22 =	sand.u32 $0x1FFFFFF0, s23;
	v2 =	vshll.u32 v4, $0x4  }
0xac: {  	[tilespmem:s13], [sflag:$0x1] =	stream.linear.gather [hbm4b:s14+s2], $0x80, $0x38;
	(v2sf) =	vpush v2, $0x0;
	[tilespmem:$0x10400] =	vst v63  }
0xad: {  	s13 =	sadd.s32 $0x480, s28;
	s14 =	sadd.s32 s5, s22;
	s23 =	spop (v2sf)  }
0xae: {  	[tilespmem:s13], [sflag:$0x1] =	stream.linear.gather [hbm4b:s14+s2], $0x80, $0x38;
	[tilespmem:$0x10400] =	vst v63  }
0xaf: {  	s13 =	sadd.s32 $0x8480, s28;
	s14 =	sadd.s32 s6, s22;
	s22 =	sand.u32 $0x1FFFFFF0, s23  }
0xb0: {  	[tilespmem:s13], [sflag:$0x1] =	stream.linear.gather [hbm4b:s14+s2], $0x80, $0x38;
	(v2sf) =	vpush v3, $0x1;
	[tilespmem:$0x10400] =	vst v63  }
0xb1: {  	s13 =	sadd.s32 $0x4480, s28;
	s14 =	sadd.s32 s4, s22;
	s23 =	spop (v2sf)  }
0xb2: {  	[tilespmem:s13], [sflag:$0x1] =	stream.linear.gather [hbm4b:s14+s2], $0x80, $0x38;
	[tilespmem:$0x10400] =	vst v63  }
0xb3: {  	s13 =	sadd.s32 $0xC480, s28;
	s14 =	sadd.s32 s7, s22;
	s22 =	sand.u32 $0x1FFFFFF0, s23  }
0xb4: {  	[tilespmem:s13], [sflag:$0x1] =	stream.linear.gather [hbm4b:s14+s2], $0x80, $0x38;
	(v2sf) =	vpush v2, $0x1;
	[tilespmem:$0x10400] =	vst v63  }
0xb5: {  	s23 =	smov.u32 s31;
	s13 =	sadd.s32 $0x500, s28;
	s14 =	sadd.s32 s5, s22  }
0xb6: {  	[tilespmem:s13], [sflag:$0x1] =	stream.linear.gather [hbm4b:s14+s2], $0x80, $0x38;
	[tilespmem:$0x10400] =	vst v63  }
0xb7: {  	s24 =	smov.u32 s1;
	s13 =	sadd.s32 $0x8500, s28;
	s14 =	sadd.s32 s6, s22  }
0xb8: {  	[tilespmem:s13], [sflag:$0x1] =	stream.linear.gather [hbm4b:s14+s2], $0x80, $0x38;
	(v2sf) =	vpush v3, $0x2;
	[tilespmem:$0x10400] =	vst v63  }
0xb9: {  	s13 =	spop (v2sf)  }
0xba: {  	s13 =	sand.u32 $0x1FFFFFF0, s13  }
0xbb: {  	s14 =	sadd.s32 $0xC00, s12;
	s22 =	sadd.s32 s5, s13;
	s18 =	spop (v2sf)  }
0xbc: {  	[tilespmem:s14], [sflag:$0x1] =	stream.linear.gather [hbm4b:s22+s2], $0x80, $0x38;
	(v2sf) =	vpush v2, $0x2;
	[tilespmem:$0x10400] =	vst v63  }
0xbd: {  	s13 =	sadd.s32 s6, s13;
	s14 =	sadd.s32 $0x8C00, s12;
	s18 =	sand.u32 $0x1FFFFFF0, s18  }
0xbe: {  	[tilespmem:s14], [sflag:$0x1] =	stream.linear.gather [hbm4b:s13+s2], $0x80, $0x38;
	[tilespmem:$0x10400] =	vst v63  }
0xbf: {  	s13 =	sadd.s32 $0x4C00, s12;
	s14 =	sadd.s32 s4, s18;
	s22 =	spop (v2sf)  }
0xc0: {  	[tilespmem:s13], [sflag:$0x1] =	stream.linear.gather [hbm4b:s14+s2], $0x80, $0x38;
	(v2sf) =	vpush v3, $0x3;
	[tilespmem:$0x10400] =	vst v63  }
0xc1: {  	s13 =	sadd.s32 $0xCC00, s12;
	s14 =	sadd.s32 s7, s18;
	s18 =	sand.u32 $0x1FFFFFF0, s22  }
0xc2: {  	[tilespmem:s13], [sflag:$0x1] =	stream.linear.gather [hbm4b:s14+s2], $0x80, $0x38;
	[tilespmem:$0x10400] =	vst v63  }
0xc3: {  	s13 =	sadd.s32 $0xC80, s12;
	s14 =	sadd.s32 s5, s18;
	s22 =	spop (v2sf)  }
0xc4: {  	[tilespmem:s13], [sflag:$0x1] =	stream.linear.gather [hbm4b:s14+s2], $0x80, $0x38;
	(v2sf) =	vpush v2, $0x3;
	[tilespmem:$0x10400] =	vst v63  }
0xc5: {  	s13 =	sadd.s32 $0x8C80, s12;
	s14 =	sadd.s32 s6, s18;
	s18 =	sand.u32 $0x1FFFFFF0, s22  }
0xc6: {  	[tilespmem:s13], [sflag:$0x1] =	stream.linear.gather [hbm4b:s14+s2], $0x80, $0x38;
	[tilespmem:$0x10400] =	vst v63  }
0xc7: {  	s13 =	sadd.s32 $0x4C80, s12;
	s14 =	sadd.s32 s4, s18;
	s22 =	spop (v2sf)  }
0xc8: {  	[tilespmem:s13], [sflag:$0x1] =	stream.linear.gather [hbm4b:s14+s2], $0x80, $0x38;
	(v2sf) =	vpush v3, $0x4;
	[tilespmem:$0x10400] =	vst v63  }
0xc9: {  	s13 =	sadd.s32 $0xCC80, s12;
	s14 =	sadd.s32 s7, s18;
	s18 =	sand.u32 $0x1FFFFFF0, s22  }
0xca: {  	[tilespmem:s13], [sflag:$0x1] =	stream.linear.gather [hbm4b:s14+s2], $0x80, $0x38;
	[tilespmem:$0x10400] =	vst v63  }
0xcb: {  	s13 =	sadd.s32 $0xD00, s12;
	s14 =	sadd.s32 s5, s18;
	s22 =	spop (v2sf)  }
0xcc: {  	[tilespmem:s13], [sflag:$0x1] =	stream.linear.gather [hbm4b:s14+s2], $0x80, $0x38;
	(v2sf) =	vpush v2, $0x4;
	[tilespmem:$0x10400] =	vst v63  }
0xcd: {  	s13 =	sadd.s32 $0x8D00, s12;
	s14 =	sadd.s32 s6, s18;
	s18 =	sand.u32 $0x1FFFFFF0, s22  }
0xce: {  	[tilespmem:s13], [sflag:$0x1] =	stream.linear.gather [hbm4b:s14+s2], $0x80, $0x38;
	[tilespmem:$0x10400] =	vst v63  }
0xcf: {  	s13 =	sadd.s32 $0x4D00, s12;
	s14 =	sadd.s32 s4, s18;
	s22 =	spop (v2sf)  }
0xd0: {  	[tilespmem:s13], [sflag:$0x1] =	stream.linear.gather [hbm4b:s14+s2], $0x80, $0x38;
	(v2sf) =	vpush v3, $0x5;
	[tilespmem:$0x10400] =	vst v63  }
0xd1: {  	s13 =	sadd.s32 $0xCD00, s12;
	s14 =	sadd.s32 s7, s18;
	s18 =	sand.u32 $0x1FFFFFF0, s22  }
0xd2: {  	[tilespmem:s13], [sflag:$0x1] =	stream.linear.gather [hbm4b:s14+s2], $0x80, $0x38;
	[tilespmem:$0x10400] =	vst v63  }
0xd3: {  	s13 =	sadd.s32 $0xD80, s12;
	s14 =	sadd.s32 s5, s18;
	s22 =	spop (v2sf)  }
0xd4: {  	[tilespmem:s13], [sflag:$0x1] =	stream.linear.gather [hbm4b:s14+s2], $0x80, $0x38;
	(v2sf) =	vpush v2, $0x5;
	[tilespmem:$0x10400] =	vst v63  }
0xd5: {  	s13 =	sadd.s32 $0x8D80, s12;
	s14 =	sadd.s32 s6, s18;
	s18 =	sand.u32 $0x1FFFFFF0, s22  }
0xd6: {  	[tilespmem:s13], [sflag:$0x1] =	stream.linear.gather [hbm4b:s14+s2], $0x80, $0x38;
	[tilespmem:$0x10400] =	vst v63  }
0xd7: {  	s13 =	sadd.s32 $0x4D80, s12;
	s14 =	sadd.s32 s4, s18;
	s22 =	spop (v2sf)  }
0xd8: {  	[tilespmem:s13], [sflag:$0x1] =	stream.linear.gather [hbm4b:s14+s2], $0x80, $0x38;
	(v2sf) =	vpush v3, $0x6;
	[tilespmem:$0x10400] =	vst v63  }
0xd9: {  	s13 =	sadd.s32 $0xCD80, s12;
	s14 =	sadd.s32 s7, s18;
	s18 =	sand.u32 $0x1FFFFFF0, s22  }
0xda: {  	[tilespmem:s13], [sflag:$0x1] =	stream.linear.gather [hbm4b:s14+s2], $0x80, $0x38;
	[tilespmem:$0x10400] =	vst v63  }
0xdb: {  	s13 =	sadd.s32 $0xE00, s12;
	s14 =	sadd.s32 s5, s18;
	s22 =	spop (v2sf)  }
0xdc: {  	[tilespmem:s13], [sflag:$0x1] =	stream.linear.gather [hbm4b:s14+s2], $0x80, $0x38;
	(v2sf) =	vpush v2, $0x6;
	[tilespmem:$0x10400] =	vst v63  }
0xdd: {  	s13 =	sadd.s32 $0x8E00, s12;
	s14 =	sadd.s32 s6, s18;
	s18 =	sand.u32 $0x1FFFFFF0, s22  }
0xde: {  	[tilespmem:s13], [sflag:$0x1] =	stream.linear.gather [hbm4b:s14+s2], $0x80, $0x38;
	[tilespmem:$0x10400] =	vst v63  }
0xdf: {  	s13 =	sadd.s32 $0x4E00, s12;
	s14 =	sadd.s32 s4, s18;
	s22 =	spop (v2sf)  }
0xe0: {  	[tilespmem:s13], [sflag:$0x1] =	stream.linear.gather [hbm4b:s14+s2], $0x80, $0x38;
	(v2sf) =	vpush v3, $0x7;
	[tilespmem:$0x10400] =	vst v63  }
0xe1: {  	s13 =	sadd.s32 $0xCE00, s12;
	s14 =	sadd.s32 s7, s18;
	s18 =	sand.u32 $0x1FFFFFF0, s22  }
0xe2: {  	[tilespmem:s13], [sflag:$0x1] =	stream.linear.gather [hbm4b:s14+s2], $0x80, $0x38;
	[tilespmem:$0x10400] =	vst v63  }
0xe3: {  	s13 =	sadd.s32 $0xE80, s12;
	s14 =	sadd.s32 s5, s18;
	s22 =	spop (v2sf)  }
0xe4: {  	[tilespmem:s13], [sflag:$0x1] =	stream.linear.gather [hbm4b:s14+s2], $0x80, $0x38;
	(v2sf) =	vpush v2, $0x7;
	[tilespmem:$0x10400] =	vst v63  }
0xe5: {  	s13 =	sadd.s32 $0x8E80, s12;
	s14 =	sadd.s32 s6, s18;
	s18 =	sand.u32 $0x1FFFFFF0, s22  }
0xe6: {  	[tilespmem:s13], [sflag:$0x1] =	stream.linear.gather [hbm4b:s14+s2], $0x80, $0x38;
	[tilespmem:$0x10400] =	vst v63  }
0xe7: {  	s13 =	sadd.s32 $0x4E80, s12;
	s14 =	sadd.s32 s4, s18;
	s22 =	spop (v2sf)  }
0xe8: {  	[tilespmem:s13], [sflag:$0x1] =	stream.linear.gather [hbm4b:s14+s2], $0x80, $0x38;
	(v2sf) =	vpush v3, $0x8;
	[tilespmem:$0x10400] =	vst v63  }
0xe9: {  	s13 =	sadd.s32 $0xCE80, s12;
	s14 =	sadd.s32 s7, s18;
	s18 =	sand.u32 $0x1FFFFFF0, s22  }
0xea: {  	[tilespmem:s13], [sflag:$0x1] =	stream.linear.gather [hbm4b:s14+s2], $0x80, $0x38;
	[tilespmem:$0x10400] =	vst v63  }
0xeb: {  	s13 =	sadd.s32 $0xF00, s12;
	s14 =	sadd.s32 s5, s18;
	s22 =	spop (v2sf)  }
0xec: {  	[tilespmem:s13], [sflag:$0x1] =	stream.linear.gather [hbm4b:s14+s2], $0x80, $0x38;
	(v2sf) =	vpush v2, $0x8;
	[tilespmem:$0x10400] =	vst v63  }
0xed: {  	s13 =	sadd.s32 $0x8F00, s12;
	s14 =	sadd.s32 s6, s18;
	s18 =	sand.u32 $0x1FFFFFF0, s22  }
0xee: {  	[tilespmem:s13], [sflag:$0x1] =	stream.linear.gather [hbm4b:s14+s2], $0x80, $0x38;
	[tilespmem:$0x10400] =	vst v63  }
0xef: {  	s13 =	sadd.s32 $0x4F00, s12;
	s14 =	sadd.s32 s4, s18;
	s22 =	spop (v2sf)  }
0xf0: {  	[tilespmem:s13], [sflag:$0x1] =	stream.linear.gather [hbm4b:s14+s2], $0x80, $0x38;
	(v2sf) =	vpush v3, $0x9;
	[tilespmem:$0x10400] =	vst v63  }
0xf1: {  	s13 =	sadd.s32 $0xCF00, s12;
	s14 =	sadd.s32 s7, s18;
	s18 =	sand.u32 $0x1FFFFFF0, s22  }
0xf2: {  	[tilespmem:s13], [sflag:$0x1] =	stream.linear.gather [hbm4b:s14+s2], $0x80, $0x38;
	[tilespmem:$0x10400] =	vst v63  }
0xf3: {  	s13 =	sadd.s32 $0xF80, s12;
	s14 =	sadd.s32 s5, s18;
	s22 =	spop (v2sf)  }
0xf4: {  	[tilespmem:s13], [sflag:$0x1] =	stream.linear.gather [hbm4b:s14+s2], $0x80, $0x38;
	(v2sf) =	vpush v2, $0x9;
	[tilespmem:$0x10400] =	vst v63  }
0xf5: {  	s13 =	sadd.s32 $0x8F80, s12;
	s14 =	sadd.s32 s6, s18;
	s18 =	sand.u32 $0x1FFFFFF0, s22  }
0xf6: {  	[tilespmem:s13], [sflag:$0x1] =	stream.linear.gather [hbm4b:s14+s2], $0x80, $0x38;
	[tilespmem:$0x10400] =	vst v63  }
0xf7: {  	s13 =	sadd.s32 $0x4F80, s12;
	s14 =	sadd.s32 s4, s18;
	s22 =	spop (v2sf)  }
0xf8: {  	[tilespmem:s13], [sflag:$0x1] =	stream.linear.gather [hbm4b:s14+s2], $0x80, $0x38;
	(v2sf) =	vpush v3, $0xA;
	[tilespmem:$0x10400] =	vst v63  }
0xf9: {  	s13 =	sadd.s32 $0xCF80, s12;
	s14 =	sadd.s32 s7, s18;
	s18 =	sand.u32 $0x1FFFFFF0, s22  }
0xfa: {  	[tilespmem:s13], [sflag:$0x1] =	stream.linear.gather [hbm4b:s14+s2], $0x80, $0x38;
	[tilespmem:$0x10400] =	vst v63  }
0xfb: {  	s13 =	sadd.s32 $0x1000, s12;
	s14 =	sadd.s32 s5, s18;
	s22 =	spop (v2sf)  }
0xfc: {  	[tilespmem:s13], [sflag:$0x1] =	stream.linear.gather [hbm4b:s14+s2], $0x80, $0x38;
	(v2sf) =	vpush v2, $0xA;
	[tilespmem:$0x10400] =	vst v63  }
0xfd: {  	s13 =	sadd.s32 $0x9000, s12;
	s14 =	sadd.s32 s6, s18;
	s18 =	sand.u32 $0x1FFFFFF0, s22  }
0xfe: {  	[tilespmem:s13], [sflag:$0x1] =	stream.linear.gather [hbm4b:s14+s2], $0x80, $0x38;
	[tilespmem:$0x10400] =	vst v63  }
0xff: {  	s13 =	sadd.s32 $0x5000, s12;
	s14 =	sadd.s32 s4, s18;
	s22 =	spop (v2sf)  }
0x100: {  	[tilespmem:s13], [sflag:$0x1] =	stream.linear.gather [hbm4b:s14+s2], $0x80, $0x38;
	[tilespmem:$0x10400] =	vst v63  }
0x101: {  	s13 =	sadd.s32 $0xD000, s12;
	s14 =	sadd.s32 s7, s18;
	s18 =	sand.u32 $0x1FFFFFF0, s22  }
0x102: {  	[tilespmem:s13], [sflag:$0x1] =	stream.linear.gather [hbm4b:s14+s2], $0x80, $0x38;
	(v2sf) =	vpush v3, $0xB;
	[tilespmem:$0x10400] =	vst v63  }
0x103: {  	s13 =	sadd.s32 $0x1080, s12;
	s14 =	sadd.s32 s5, s18;
	s22 =	spop (v2sf)  }
0x104: {  	[tilespmem:s13], [sflag:$0x1] =	stream.linear.gather [hbm4b:s14+s2], $0x80, $0x38;
	[tilespmem:$0x10400] =	vst v63  }
0x105: {  	s13 =	sadd.s32 $0x9080, s12;
	s14 =	sadd.s32 s6, s18;
	s18 =	sand.u32 $0x1FFFFFF0, s22;
	(v2sf) =	vpush v2, $0xB  }
0x106: {  	[tilespmem:s13], [sflag:$0x1] =	stream.linear.gather [hbm4b:s14+s2], $0x80, $0x38;
	[tilespmem:$0x10400] =	vst v63  }
0x107: {  	s13 =	sadd.s32 $0x5080, s12;
	s14 =	sadd.s32 s4, s18;
	s22 =	spop (v2sf)  }
0x108: {  	[tilespmem:s13], [sflag:$0x1] =	stream.linear.gather [hbm4b:s14+s2], $0x80, $0x38;
	[tilespmem:$0x10400] =	vst v63  }
0x109: {  	s13 =	sadd.s32 $0xD080, s12;
	s14 =	sadd.s32 s7, s18;
	s18 =	sand.u32 $0x1FFFFFF0, s22;
	(v2sf) =	vpush v3, $0xC  }
0x10a: {  	[tilespmem:s13], [sflag:$0x1] =	stream.linear.gather [hbm4b:s14+s2], $0x80, $0x38;
	[tilespmem:$0x10400] =	vst v63  }
0x10b: {  	s13 =	sadd.s32 $0x1100, s12;
	s14 =	sadd.s32 s5, s18;
	s22 =	spop (v2sf)  }
0x10c: {  	[tilespmem:s13], [sflag:$0x1] =	stream.linear.gather [hbm4b:s14+s2], $0x80, $0x38;
	[tilespmem:$0x10400] =	vst v63  }
0x10d: {  	s13 =	sadd.s32 $0x9100, s12;
	s14 =	sadd.s32 s6, s18;
	s18 =	sand.u32 $0x1FFFFFF0, s22;
	(v2sf) =	vpush v2, $0xC  }
0x10e: {  	[tilespmem:s13], [sflag:$0x1] =	stream.linear.gather [hbm4b:s14+s2], $0x80, $0x38;
	[tilespmem:$0x10400] =	vst v63  }
0x10f: {  	s13 =	sadd.s32 $0x5100, s12;
	s14 =	sadd.s32 s4, s18  }
0x110: {  	[tilespmem:s13], [sflag:$0x1] =	stream.linear.gather [hbm4b:s14+s2], $0x80, $0x38;
	[tilespmem:$0x10400] =	vst v63  }
0x111: {  	s13 =	sadd.s32 $0xD100, s12;
	s14 =	sadd.s32 s7, s18;
	s18 =	spop (v2sf);
	(v2sf) =	vpush v3, $0xD  }
0x112: {  	[tilespmem:s13], [sflag:$0x1] =	stream.linear.gather [hbm4b:s14+s2], $0x80, $0x38;
	[tilespmem:$0x10400] =	vst v63  }
0x113: {  	s30 =	sadd.s32 $0x2, s30;
	s13 =	sadd.s32 $0x1180, s12;
	s14 =	sand.u32 $0x1FFFFFF0, s18  }
0x114: {  	p0 =	slt.u32 s30, $0x6;
	s18 =	sadd.s32 s5, s14;
	s22 =	spop (v2sf)  }
0x115: {  	[tilespmem:s13], [sflag:$0x1] =	stream.linear.gather [hbm4b:s18+s2], $0x80, $0x38;
	(v2sf) =	vpush v2, $0xD;
	[tilespmem:$0x10400] =	vst v63  }
0x116: {  	s14 =	sadd.s32 s6, s14;
	s13 =	sadd.s32 $0x9180, s12;
	s18 =	sand.u32 $0x1FFFFFF0, s22  }
0x117: {  	[tilespmem:s13], [sflag:$0x1] =	stream.linear.gather [hbm4b:s14+s2], $0x80, $0x38;
	[tilespmem:$0x10400] =	vst v63  }
0x118: {  	s13 =	sadd.s32 $0x5180, s12;
	s14 =	sadd.s32 s4, s18;
	s22 =	spop (v2sf)  }
0x119: {  	[tilespmem:s13], [sflag:$0x1] =	stream.linear.gather [hbm4b:s14+s2], $0x80, $0x38;
	(v2sf) =	vpush v3, $0xE;
	[tilespmem:$0x10400] =	vst v63  }
0x11a: {  	s13 =	sadd.s32 $0xD180, s12;
	s14 =	sadd.s32 s7, s18;
	s18 =	sand.u32 $0x1FFFFFF0, s22  }
0x11b: {  	[tilespmem:s13], [sflag:$0x1] =	stream.linear.gather [hbm4b:s14+s2], $0x80, $0x38;
	[tilespmem:$0x10400] =	vst v63  }
0x11c: {  	s13 =	sadd.s32 $0x1200, s12;
	s14 =	sadd.s32 s5, s18;
	s22 =	spop (v2sf)  }
0x11d: {  	[tilespmem:s13], [sflag:$0x1] =	stream.linear.gather [hbm4b:s14+s2], $0x80, $0x38;
	(v2sf) =	vpush v2, $0xE;
	[tilespmem:$0x10400] =	vst v63  }
0x11e: {  	s13 =	sadd.s32 $0x9200, s12;
	s14 =	sadd.s32 s6, s18;
	s18 =	sand.u32 $0x1FFFFFF0, s22  }
0x11f: {  	[tilespmem:s13], [sflag:$0x1] =	stream.linear.gather [hbm4b:s14+s2], $0x80, $0x38;
	[tilespmem:$0x10400] =	vst v63  }
0x120: {  	s13 =	sadd.s32 $0x5200, s12;
	s14 =	sadd.s32 s4, s18;
	s22 =	spop (v2sf)  }
0x121: {  	[tilespmem:s13], [sflag:$0x1] =	stream.linear.gather [hbm4b:s14+s2], $0x80, $0x38;
	(v2sf) =	vpush v3, $0xF;
	[tilespmem:$0x10400] =	vst v63  }
0x122: {  	s13 =	sadd.s32 $0xD200, s12;
	s14 =	sadd.s32 s7, s18;
	s18 =	sand.u32 $0x1FFFFFF0, s22  }
0x123: {  	[tilespmem:s13], [sflag:$0x1] =	stream.linear.gather [hbm4b:s14+s2], $0x80, $0x38;
	[tilespmem:$0x10400] =	vst v63  }
0x124: {  	s13 =	sadd.s32 $0x1280, s12;
	s14 =	sadd.s32 s5, s18;
	s22 =	spop (v2sf)  }
0x125: {  	[tilespmem:s13], [sflag:$0x1] =	stream.linear.gather [hbm4b:s14+s2], $0x80, $0x38;
	(v2sf) =	vpush v2, $0xF;
	[tilespmem:$0x10400] =	vst v63  }
0x126: {  	s13 =	sadd.s32 $0x9280, s12;
	s14 =	sadd.s32 s6, s18;
	s18 =	sand.u32 $0x1FFFFFF0, s22  }
0x127: {  	[tilespmem:s13], [sflag:$0x1] =	stream.linear.gather [hbm4b:s14+s2], $0x80, $0x38;
	[tilespmem:$0x10400] =	vst v63  }
0x128: {  	s13 =	sadd.s32 $0x5280, s12;
	s14 =	sadd.s32 s4, s18;
	s22 =	spop (v2sf)  }
0x129: {  	[tilespmem:s13], [sflag:$0x1] =	stream.linear.gather [hbm4b:s14+s2], $0x80, $0x38;
	[tilespmem:$0x10400] =	vst v63  }
0x12a: {  	s13 =	sadd.s32 $0xD280, s12;
	s14 =	sadd.s32 s7, s18;
	s18 =	sand.u32 $0x1FFFFFF0, s22  }
0x12b: {  	(v2sf) =	vpush v0, $0x2;
	[tilespmem:s13], [sflag:$0x1] =	stream.linear.gather [hbm4b:s14+s2], $0x80, $0x38;
	[tilespmem:$0x10400] =	vst v63  }
0x12c: {  	s13 =	sadd.s32 $0x1300, s12;
	s14 =	sadd.s32 s5, s18;
	s22 =	spop (v2sf)  }
0x12d: {  	[tilespmem:s13], [sflag:$0x1] =	stream.linear.gather [hbm4b:s14+s2], $0x80, $0x38;
	[tilespmem:$0x10400] =	vst v63  }
0x12e: {  	s13 =	sadd.s32 $0x9300, s12;
	s14 =	sadd.s32 s6, s18;
	s18 =	sand.u32 $0x1FFFFFF0, s22;
	(v2sf) =	vpush v1, $0x3  }
0x12f: {  	[tilespmem:s13], [sflag:$0x1] =	stream.linear.gather [hbm4b:s14+s2], $0x80, $0x38;
	[tilespmem:$0x10400] =	vst v63  }
0x130: {  	s13 =	sadd.s32 $0x5300, s12;
	s14 =	sadd.s32 s4, s18;
	s22 =	spop (v2sf)  }
0x131: {  	[tilespmem:s13], [sflag:$0x1] =	stream.linear.gather [hbm4b:s14+s2], $0x80, $0x38;
	[tilespmem:$0x10400] =	vst v63  }
0x132: {  	s13 =	sadd.s32 $0xD300, s12;
	s14 =	sadd.s32 s7, s18;
	s18 =	sand.u32 $0x1FFFFFF0, s22;
	(v2sf) =	vpush v0, $0x3  }
0x133: {  	[tilespmem:s13], [sflag:$0x1] =	stream.linear.gather [hbm4b:s14+s2], $0x80, $0x38;
	[tilespmem:$0x10400] =	vst v63  }
0x134: {  	s13 =	sadd.s32 $0x1380, s12;
	s14 =	sadd.s32 s5, s18;
	s22 =	spop (v2sf)  }
0x135: {  	[tilespmem:s13], [sflag:$0x1] =	stream.linear.gather [hbm4b:s14+s2], $0x80, $0x38;
	[tilespmem:$0x10400] =	vst v63  }
0x136: {  	s13 =	sadd.s32 $0x9380, s12;
	s14 =	sadd.s32 s6, s18;
	s18 =	sand.u32 $0x1FFFFFF0, s22;
	(v2sf) =	vpush v1, $0x4  }
0x137: {  	[tilespmem:s13], [sflag:$0x1] =	stream.linear.gather [hbm4b:s14+s2], $0x80, $0x38;
	[tilespmem:$0x10400] =	vst v63  }
0x138: {  	s13 =	sadd.s32 $0x5380, s12;
	s14 =	sadd.s32 s4, s18  }
0x139: {  	[tilespmem:s13], [sflag:$0x1] =	stream.linear.gather [hbm4b:s14+s2], $0x80, $0x38;
	[tilespmem:$0x10400] =	vst v63  }
0x13a: {  	s12 =	sadd.s32 $0xD380, s12;
	s14 =	sadd.s32 s7, s18;
	s13 =	spop (v2sf);
	(v2sf) =	vpush v0, $0x4  }
0x13b: {  	[tilespmem:s12], [sflag:$0x1] =	stream.linear.gather [hbm4b:s14+s2], $0x80, $0x38;
	[tilespmem:$0x10400] =	vst v63  }
0x13c: {  	s1 =	sadd.s32 $0x20, s1;
	s31 =	sadd.s32 $0x20, s31;
	s12 =	sand.u32 $0x1FFFFFF0, s13  }
0x13d: {  	s13 =	sadd.s32 $0x4500, s28;
	s14 =	sadd.s32 s4, s12;
	s18 =	spop (v2sf)  }
0x13e: {  	[tilespmem:s13], [sflag:$0x1] =	stream.linear.gather [hbm4b:s14+s2], $0x80, $0x38;
	(v2sf) =	vpush v1, $0x5;
	[tilespmem:$0x10400] =	vst v63  }
0x13f: {  	s12 =	sadd.s32 s7, s12;
	s13 =	sadd.s32 $0xC500, s28;
	s14 =	sand.u32 $0x1FFFFFF0, s18  }
0x140: {  	[tilespmem:s13], [sflag:$0x1] =	stream.linear.gather [hbm4b:s12+s2], $0x80, $0x38;
	[tilespmem:$0x10400] =	vst v63  }
0x141: {  	s12 =	sadd.s32 $0x580, s28;
	s13 =	sadd.s32 s5, s14;
	s18 =	spop (v2sf)  }
0x142: {  	[tilespmem:s12], [sflag:$0x1] =	stream.linear.gather [hbm4b:s13+s2], $0x80, $0x38;
	(v2sf) =	vpush v0, $0x5;
	[tilespmem:$0x10400] =	vst v63  }
0x143: {  	s12 =	sadd.s32 $0x8580, s28;
	s13 =	sadd.s32 s6, s14;
	s14 =	sand.u32 $0x1FFFFFF0, s18  }
0x144: {  	[tilespmem:s12], [sflag:$0x1] =	stream.linear.gather [hbm4b:s13+s2], $0x80, $0x38;
	[tilespmem:$0x10400] =	vst v63  }
0x145: {  	s12 =	sadd.s32 $0x4580, s28;
	s13 =	sadd.s32 s4, s14;
	s18 =	spop (v2sf)  }
0x146: {  	[tilespmem:s12], [sflag:$0x1] =	stream.linear.gather [hbm4b:s13+s2], $0x80, $0x38;
	(v2sf) =	vpush v1, $0x6;
	[tilespmem:$0x10400] =	vst v63  }
0x147: {  	s12 =	sadd.s32 $0xC580, s28;
	s13 =	sadd.s32 s7, s14;
	s14 =	sand.u32 $0x1FFFFFF0, s18  }
0x148: {  	[tilespmem:s12], [sflag:$0x1] =	stream.linear.gather [hbm4b:s13+s2], $0x80, $0x38;
	[tilespmem:$0x10400] =	vst v63  }
0x149: {  	s12 =	sadd.s32 $0x600, s28;
	s13 =	sadd.s32 s5, s14;
	s18 =	spop (v2sf)  }
0x14a: {  	[tilespmem:s12], [sflag:$0x1] =	stream.linear.gather [hbm4b:s13+s2], $0x80, $0x38;
	(v2sf) =	vpush v0, $0x6;
	[tilespmem:$0x10400] =	vst v63  }
0x14b: {  	s12 =	sadd.s32 $0x8600, s28;
	s13 =	sadd.s32 s6, s14;
	s14 =	sand.u32 $0x1FFFFFF0, s18  }
0x14c: {  	[tilespmem:s12], [sflag:$0x1] =	stream.linear.gather [hbm4b:s13+s2], $0x80, $0x38;
	[tilespmem:$0x10400] =	vst v63  }
0x14d: {  	s12 =	sadd.s32 $0x4600, s28;
	s13 =	sadd.s32 s4, s14;
	s18 =	spop (v2sf)  }
0x14e: {  	[tilespmem:s12], [sflag:$0x1] =	stream.linear.gather [hbm4b:s13+s2], $0x80, $0x38;
	(v2sf) =	vpush v1, $0x7;
	[tilespmem:$0x10400] =	vst v63  }
0x14f: {  	s12 =	sadd.s32 $0xC600, s28;
	s13 =	sadd.s32 s7, s14;
	s14 =	sand.u32 $0x1FFFFFF0, s18  }
0x150: {  	[tilespmem:s12], [sflag:$0x1] =	stream.linear.gather [hbm4b:s13+s2], $0x80, $0x38;
	[tilespmem:$0x10400] =	vst v63  }
0x151: {  	s12 =	sadd.s32 $0x680, s28;
	s13 =	sadd.s32 s5, s14;
	s18 =	spop (v2sf)  }
0x152: {  	[tilespmem:s12], [sflag:$0x1] =	stream.linear.gather [hbm4b:s13+s2], $0x80, $0x38;
	(v2sf) =	vpush v0, $0x7;
	[tilespmem:$0x10400] =	vst v63  }
0x153: {  	s12 =	sadd.s32 $0x8680, s28;
	s13 =	sadd.s32 s6, s14;
	s14 =	sand.u32 $0x1FFFFFF0, s18  }
0x154: {  	[tilespmem:s12], [sflag:$0x1] =	stream.linear.gather [hbm4b:s13+s2], $0x80, $0x38;
	[tilespmem:$0x10400] =	vst v63  }
0x155: {  	s12 =	sadd.s32 $0x4680, s28;
	s13 =	sadd.s32 s4, s14;
	s18 =	spop (v2sf)  }
0x156: {  	[tilespmem:s12], [sflag:$0x1] =	stream.linear.gather [hbm4b:s13+s2], $0x80, $0x38;
	(v2sf) =	vpush v1, $0x8;
	[tilespmem:$0x10400] =	vst v63  }
0x157: {  	s12 =	sadd.s32 $0xC680, s28;
	s13 =	sadd.s32 s7, s14;
	s14 =	sand.u32 $0x1FFFFFF0, s18  }
0x158: {  	[tilespmem:s12], [sflag:$0x1] =	stream.linear.gather [hbm4b:s13+s2], $0x80, $0x38;
	[tilespmem:$0x10400] =	vst v63  }
0x159: {  	s12 =	sadd.s32 $0x700, s28;
	s13 =	sadd.s32 s5, s14;
	s18 =	spop (v2sf)  }
0x15a: {  	[tilespmem:s12], [sflag:$0x1] =	stream.linear.gather [hbm4b:s13+s2], $0x80, $0x38;
	(v2sf) =	vpush v0, $0x8;
	[tilespmem:$0x10400] =	vst v63  }
0x15b: {  	s12 =	sadd.s32 $0x8700, s28;
	s13 =	sadd.s32 s6, s14;
	s14 =	sand.u32 $0x1FFFFFF0, s18  }
0x15c: {  	[tilespmem:s12], [sflag:$0x1] =	stream.linear.gather [hbm4b:s13+s2], $0x80, $0x38;
	[tilespmem:$0x10400] =	vst v63  }
0x15d: {  	s12 =	sadd.s32 $0x4700, s28;
	s13 =	sadd.s32 s4, s14;
	s18 =	spop (v2sf)  }
0x15e: {  	[tilespmem:s12], [sflag:$0x1] =	stream.linear.gather [hbm4b:s13+s2], $0x80, $0x38;
	(v2sf) =	vpush v1, $0x9;
	[tilespmem:$0x10400] =	vst v63  }
0x15f: {  	s12 =	sadd.s32 $0xC700, s28;
	s13 =	sadd.s32 s7, s14;
	s14 =	sand.u32 $0x1FFFFFF0, s18  }
0x160: {  	[tilespmem:s12], [sflag:$0x1] =	stream.linear.gather [hbm4b:s13+s2], $0x80, $0x38;
	[tilespmem:$0x10400] =	vst v63  }
0x161: {  	s12 =	sadd.s32 $0x780, s28;
	s13 =	sadd.s32 s5, s14;
	s18 =	spop (v2sf)  }
0x162: {  	[tilespmem:s12], [sflag:$0x1] =	stream.linear.gather [hbm4b:s13+s2], $0x80, $0x38;
	(v2sf) =	vpush v0, $0x9;
	[tilespmem:$0x10400] =	vst v63  }
0x163: {  	s12 =	sadd.s32 $0x8780, s28;
	s13 =	sadd.s32 s6, s14;
	s14 =	sand.u32 $0x1FFFFFF0, s18  }
0x164: {  	[tilespmem:s12], [sflag:$0x1] =	stream.linear.gather [hbm4b:s13+s2], $0x80, $0x38;
	[tilespmem:$0x10400] =	vst v63  }
0x165: {  	s12 =	sadd.s32 $0x4780, s28;
	s13 =	sadd.s32 s4, s14;
	s18 =	spop (v2sf)  }
0x166: {  	[tilespmem:s12], [sflag:$0x1] =	stream.linear.gather [hbm4b:s13+s2], $0x80, $0x38;
	(v2sf) =	vpush v1, $0xA;
	[tilespmem:$0x10400] =	vst v63  }
0x167: {  	s12 =	sadd.s32 $0xC780, s28;
	s13 =	sadd.s32 s7, s14;
	s14 =	sand.u32 $0x1FFFFFF0, s18  }
0x168: {  	[tilespmem:s12], [sflag:$0x1] =	stream.linear.gather [hbm4b:s13+s2], $0x80, $0x38;
	[tilespmem:$0x10400] =	vst v63  }
0x169: {  	s12 =	sadd.s32 $0x800, s28;
	s13 =	sadd.s32 s5, s14;
	s18 =	spop (v2sf)  }
0x16a: {  	[tilespmem:s12], [sflag:$0x1] =	stream.linear.gather [hbm4b:s13+s2], $0x80, $0x38;
	(v2sf) =	vpush v0, $0xA;
	[tilespmem:$0x10400] =	vst v63  }
0x16b: {  	s12 =	sadd.s32 $0x8800, s28;
	s13 =	sadd.s32 s6, s14;
	s14 =	sand.u32 $0x1FFFFFF0, s18  }
0x16c: {  	[tilespmem:s12], [sflag:$0x1] =	stream.linear.gather [hbm4b:s13+s2], $0x80, $0x38;
	[tilespmem:$0x10400] =	vst v63  }
0x16d: {  	s12 =	sadd.s32 $0x4800, s28;
	s13 =	sadd.s32 s4, s14;
	s18 =	spop (v2sf)  }
0x16e: {  	[tilespmem:s12], [sflag:$0x1] =	stream.linear.gather [hbm4b:s13+s2], $0x80, $0x38;
	(v2sf) =	vpush v1, $0xB;
	[tilespmem:$0x10400] =	vst v63  }
0x16f: {  	s12 =	sadd.s32 $0xC800, s28;
	s13 =	sadd.s32 s7, s14;
	s14 =	sand.u32 $0x1FFFFFF0, s18  }
0x170: {  	[tilespmem:s12], [sflag:$0x1] =	stream.linear.gather [hbm4b:s13+s2], $0x80, $0x38;
	[tilespmem:$0x10400] =	vst v63  }
0x171: {  	s12 =	sadd.s32 $0x880, s28;
	s13 =	sadd.s32 s5, s14;
	s18 =	spop (v2sf)  }
0x172: {  	[tilespmem:s12], [sflag:$0x1] =	stream.linear.gather [hbm4b:s13+s2], $0x80, $0x38;
	(v2sf) =	vpush v0, $0xB;
	[tilespmem:$0x10400] =	vst v63  }
0x173: {  	s12 =	sadd.s32 $0x8880, s28;
	s13 =	sadd.s32 s6, s14;
	s14 =	sand.u32 $0x1FFFFFF0, s18  }
0x174: {  	[tilespmem:s12], [sflag:$0x1] =	stream.linear.gather [hbm4b:s13+s2], $0x80, $0x38;
	[tilespmem:$0x10400] =	vst v63  }
0x175: {  	s12 =	sadd.s32 $0x4880, s28;
	s13 =	sadd.s32 s4, s14;
	s18 =	spop (v2sf)  }
0x176: {  	[tilespmem:s12], [sflag:$0x1] =	stream.linear.gather [hbm4b:s13+s2], $0x80, $0x38;
	(v2sf) =	vpush v1, $0xC;
	[tilespmem:$0x10400] =	vst v63  }
0x177: {  	s12 =	sadd.s32 $0xC880, s28;
	s13 =	sadd.s32 s7, s14;
	s14 =	sand.u32 $0x1FFFFFF0, s18  }
0x178: {  	[tilespmem:s12], [sflag:$0x1] =	stream.linear.gather [hbm4b:s13+s2], $0x80, $0x38;
	[tilespmem:$0x10400] =	vst v63  }
0x179: {  	s12 =	sadd.s32 $0x900, s28;
	s13 =	sadd.s32 s5, s14;
	s18 =	spop (v2sf)  }
0x17a: {  	[tilespmem:s12], [sflag:$0x1] =	stream.linear.gather [hbm4b:s13+s2], $0x80, $0x38;
	(v2sf) =	vpush v0, $0xC;
	[tilespmem:$0x10400] =	vst v63  }
0x17b: {  	s12 =	sadd.s32 $0x8900, s28;
	s13 =	sadd.s32 s6, s14;
	s14 =	sand.u32 $0x1FFFFFF0, s18  }
0x17c: {  	[tilespmem:s12], [sflag:$0x1] =	stream.linear.gather [hbm4b:s13+s2], $0x80, $0x38;
	[tilespmem:$0x10400] =	vst v63  }
0x17d: {  	s12 =	sadd.s32 $0x4900, s28;
	s13 =	sadd.s32 s4, s14;
	s18 =	spop (v2sf)  }
0x17e: {  	[tilespmem:s12], [sflag:$0x1] =	stream.linear.gather [hbm4b:s13+s2], $0x80, $0x38;
	(v2sf) =	vpush v1, $0xD;
	[tilespmem:$0x10400] =	vst v63  }
0x17f: {  	s12 =	sadd.s32 $0xC900, s28;
	s13 =	sadd.s32 s7, s14;
	s14 =	sand.u32 $0x1FFFFFF0, s18  }
0x180: {  	[tilespmem:s12], [sflag:$0x1] =	stream.linear.gather [hbm4b:s13+s2], $0x80, $0x38;
	[tilespmem:$0x10400] =	vst v63  }
0x181: {  	s12 =	sadd.s32 $0x980, s28;
	s13 =	sadd.s32 s5, s14;
	s18 =	spop (v2sf)  }
0x182: {  	[tilespmem:s12], [sflag:$0x1] =	stream.linear.gather [hbm4b:s13+s2], $0x80, $0x38;
	(v2sf) =	vpush v0, $0xD;
	[tilespmem:$0x10400] =	vst v63  }
0x183: {  	s12 =	sadd.s32 $0x8980, s28;
	s13 =	sadd.s32 s6, s14;
	s14 =	sand.u32 $0x1FFFFFF0, s18  }
0x184: {  	[tilespmem:s12], [sflag:$0x1] =	stream.linear.gather [hbm4b:s13+s2], $0x80, $0x38;
	[tilespmem:$0x10400] =	vst v63  }
0x185: {  	s12 =	sadd.s32 $0x4980, s28;
	s13 =	sadd.s32 s4, s14;
	s18 =	spop (v2sf)  }
0x186: {  	[tilespmem:s12], [sflag:$0x1] =	stream.linear.gather [hbm4b:s13+s2], $0x80, $0x38;
	(v2sf) =	vpush v1, $0xE;
	[tilespmem:$0x10400] =	vst v63  }
0x187: {  	s12 =	sadd.s32 $0xC980, s28;
	s13 =	sadd.s32 s7, s14;
	s14 =	sand.u32 $0x1FFFFFF0, s18  }
0x188: {  	[tilespmem:s12], [sflag:$0x1] =	stream.linear.gather [hbm4b:s13+s2], $0x80, $0x38;
	[tilespmem:$0x10400] =	vst v63  }
0x189: {  	s12 =	sadd.s32 $0xA00, s28;
	s13 =	sadd.s32 s5, s14;
	s18 =	spop (v2sf)  }
0x18a: {  	[tilespmem:s12], [sflag:$0x1] =	stream.linear.gather [hbm4b:s13+s2], $0x80, $0x38;
	(v2sf) =	vpush v0, $0xE;
	[tilespmem:$0x10400] =	vst v63  }
0x18b: {  	s12 =	sadd.s32 $0x8A00, s28;
	s13 =	sadd.s32 s6, s14;
	s14 =	sand.u32 $0x1FFFFFF0, s18  }
0x18c: {  	[tilespmem:s12], [sflag:$0x1] =	stream.linear.gather [hbm4b:s13+s2], $0x80, $0x38;
	[tilespmem:$0x10400] =	vst v63  }
0x18d: {  	s12 =	sadd.s32 $0x4A00, s28  }
.Ltmp0:
0x18e: {  	s13 =	sadd.s32 s4, s14;
	s18 =	spop (v2sf);
	(pc) =	sbr.rel @p0 .LBB2_3-.Ltmp0, $4  }
0x18f: {  	[tilespmem:s12], [sflag:$0x1] =	stream.linear.gather [hbm4b:s13+s2], $0x80, $0x38;
	(v2sf) =	vpush v1, $0xF;
	[tilespmem:$0x10400] =	vst v63  }
0x190: {  	s14 =	sadd.s32 s7, s14;
	s13 =	sadd.s32 $0xCA00, s28;
	s12 =	sand.u32 $0x1FFFFFF0, s18  }
0x191: {  	[tilespmem:s13], [sflag:$0x1] =	stream.linear.gather [hbm4b:s14+s2], $0x80, $0x38;
	[tilespmem:$0x10400] =	vst v63  }
0x192: {  	s22 =	sadd.s32 s5, s12;
	s14 =	sadd.s32 $0xA80, s28;
	s13 =	spop (v2sf)  }
0x193: {  	[tilespmem:s14], [sflag:$0x1] =	stream.linear.gather [hbm4b:s22+s2], $0x80, $0x38;
	(v2sf) =	vpush v0, $0xF;
	[tilespmem:$0x10400] =	vst v63  }
0x194: {  	s1 =	sadd.s32 $0x8A80, s28;
	s12 =	sadd.s32 s6, s12;
	s13 =	sand.u32 $0x1FFFFFF0, s13  }
0x195: {  	[tilespmem:s1], [sflag:$0x1] =	stream.linear.gather [hbm4b:s12+s2], $0x80, $0x38;
	[tilespmem:$0x10400] =	vst v63  }
0x196: {  	s22 =	sadd.s32 $0x4A80, s28;
	s29 =	sadd.s32 s4, s13;
	s30 =	spop (v2sf)  }
0x197: {  	[tilespmem:s22], [sflag:$0x1] =	stream.linear.gather [hbm4b:s29+s2], $0x80, $0x38;
	[tilespmem:$0x10400] =	vst v63  }
0x198: {  	s31 =	sadd.s32 $0xCA80, s28;
	s13 =	sadd.s32 s7, s13;
	s1 =	sand.u32 $0x1FFFFFF0, s30  }
0x199: {  	[tilespmem:s31], [sflag:$0x1] =	stream.linear.gather [hbm4b:s13+s2], $0x80, $0x38;
	[tilespmem:$0x10400] =	vst v63  }
0x19a: {  	s14 =	sadd.s32 $0xB00, s28;
	s18 =	sadd.s32 s5, s1;
	s22 =	spop (v2sf)  }
0x19b: {  	[tilespmem:s14], [sflag:$0x1] =	stream.linear.gather [hbm4b:s18+s2], $0x80, $0x38;
	[tilespmem:$0x10400] =	vst v63  }
0x19c: {  	s29 =	sadd.s32 $0x8B00, s28;
	s1 =	sadd.s32 s6, s1;
	s12 =	sand.u32 $0x1FFFFFF0, s22  }
0x19d: {  	[tilespmem:s29], [sflag:$0x1] =	stream.linear.gather [hbm4b:s1+s2], $0x80, $0x38;
	[tilespmem:$0x10400] =	vst v63  }
0x19e: {  	s30 =	sadd.s32 $0x4B00, s28;
	s31 =	sadd.s32 s4, s12;
	s14 =	spop (v2sf)  }
0x19f: {  	[tilespmem:s30], [sflag:$0x1] =	stream.linear.gather [hbm4b:s31+s2], $0x80, $0x38;
	[tilespmem:$0x10400] =	vst v63  }
0x1a0: {  	s18 =	sadd.s32 $0xCB00, s28;
	s12 =	sadd.s32 s7, s12;
	s1 =	sand.u32 $0x1FFFFFF0, s14  }
0x1a1: {  	[tilespmem:s18], [sflag:$0x1] =	stream.linear.gather [hbm4b:s12+s2], $0x80, $0x38;
	[tilespmem:$0x10400] =	vst v63  }
0x1a2: {  	s22 =	sadd.s32 $0xB80, s28;
	s29 =	sadd.s32 s5, s1;
	s30 =	spop (v2sf)  }
0x1a3: {  	[tilespmem:s22], [sflag:$0x1] =	stream.linear.gather [hbm4b:s29+s2], $0x80, $0x38;
	[tilespmem:$0x10400] =	vst v63  }
0x1a4: {  	s31 =	sadd.s32 $0x8B80, s28;
	s1 =	sadd.s32 s6, s1;
	s12 =	sand.u32 $0x1FFFFFF0, s30  }
0x1a5: {  	[tilespmem:s31], [sflag:$0x1] =	stream.linear.gather [hbm4b:s1+s2], $0x80, $0x38;
	[tilespmem:$0x10400] =	vst v63  }
0x1a6: {  	s14 =	sadd.s32 $0x4B80, s28;
	s18 =	sadd.s32 s4, s12  }
0x1a7: {  	[tilespmem:s14], [sflag:$0x1] =	stream.linear.gather [hbm4b:s18+s2], $0x80, $0x38;
	[tilespmem:$0x10400] =	vst v63  }
0x1a8: {  	s22 =	sadd.s32 $0xCB80, s28;
	s12 =	sadd.s32 s7, s12  }
0x1a9: {  	[tilespmem:s22], [sflag:$0x1] =	stream.linear.gather [hbm4b:s12+s2], $0x80, $0x38;
	[tilespmem:$0x10400] =	vst v63  }
0x1aa: {  	v62 =	vld [tilespmem:s23+$0x0];
	_ =	sdelay $0x1  }
0x1ab: {  	v2 =	vld [tilespmem:s24+$0x0];
	_ =	sdelay $0x2  }
0x1ac: {  	v1 =	vshll.u32 v62, $0x4  }
0x1ad: {  	(v2sf) =	vpush v1, $0x0  }
0x1ae: {  	v63 =	vshll.u32 v2, $0x4  }
0x1af: {  	(v2sf) =	vpush v63, $0x0;
	_ =	sdelay $0x3  }
0x1b0: {  	(v2sf) =	vpush v1, $0x1;
	_ =	sdelay $0x3  }
0x1b1: {  	(v2sf) =	vpush v63, $0x1;
	_ =	sdelay $0x4  }
0x1b2: {  	s29 =	spop (v2sf)  }
0x1b3: {  	(v2sf) =	vpush v1, $0x2;
	s1 =	sand.u32 $0x1FFFFFF0, s29  }
0x1b4: {  	s30 =	sadd.s32 $0xC00, s28;
	s14 =	spop (v2sf);
	s31 =	sadd.s32 s5, s1  }
0x1b5: {  	[tilespmem:s30], [sflag:$0x1] =	stream.linear.gather [hbm4b:s31+s2], $0x80, $0x38;
	[tilespmem:$0x10400] =	vst v63  }
0x1b6: {  	s18 =	sadd.s32 $0x8C00, s28;
	(v2sf) =	vpush v63, $0x2;
	s1 =	sadd.s32 s6, s1;
	s12 =	sand.u32 $0x1FFFFFF0, s14  }
0x1b7: {  	[tilespmem:s18], [sflag:$0x1] =	stream.linear.gather [hbm4b:s1+s2], $0x80, $0x38;
	[tilespmem:$0x10400] =	vst v63  }
0x1b8: {  	s22 =	sadd.s32 $0x4C00, s28;
	s24 =	spop (v2sf);
	s23 =	sadd.s32 s4, s12  }
0x1b9: {  	[tilespmem:s22], [sflag:$0x1] =	stream.linear.gather [hbm4b:s23+s2], $0x80, $0x38;
	[tilespmem:$0x10400] =	vst v63  }
0x1ba: {  	s29 =	sadd.s32 $0xCC00, s28;
	(v2sf) =	vpush v1, $0x3;
	s12 =	sadd.s32 s7, s12;
	s1 =	sand.u32 $0x1FFFFFF0, s24  }
0x1bb: {  	[tilespmem:s29], [sflag:$0x1] =	stream.linear.gather [hbm4b:s12+s2], $0x80, $0x38;
	[tilespmem:$0x10400] =	vst v63  }
0x1bc: {  	s30 =	sadd.s32 $0xC80, s28;
	s14 =	spop (v2sf);
	s31 =	sadd.s32 s5, s1  }
0x1bd: {  	[tilespmem:s30], [sflag:$0x1] =	stream.linear.gather [hbm4b:s31+s2], $0x80, $0x38;
	[tilespmem:$0x10400] =	vst v63  }
0x1be: {  	(v2sf) =	vpush v63, $0x3;
	s18 =	sadd.s32 $0x8C80, s28;
	s1 =	sadd.s32 s6, s1;
	s12 =	sand.u32 $0x1FFFFFF0, s14  }
0x1bf: {  	[tilespmem:s18], [sflag:$0x1] =	stream.linear.gather [hbm4b:s1+s2], $0x80, $0x38;
	[tilespmem:$0x10400] =	vst v63  }
0x1c0: {  	s22 =	sadd.s32 $0x4C80, s28;
	s23 =	sadd.s32 s4, s12  }
0x1c1: {  	[tilespmem:s22], [sflag:$0x1] =	stream.linear.gather [hbm4b:s23+s2], $0x80, $0x38;
	[tilespmem:$0x10400] =	vst v63  }
0x1c2: {  	s24 =	spop (v2sf);
	(v2sf) =	vpush v1, $0x4  }
0x1c3: {  	s29 =	sadd.s32 $0xCC80, s28;
	s12 =	sadd.s32 s7, s12;
	s1 =	sand.u32 $0x1FFFFFF0, s24  }
0x1c4: {  	[tilespmem:s29], [sflag:$0x1] =	stream.linear.gather [hbm4b:s12+s2], $0x80, $0x38;
	[tilespmem:$0x10400] =	vst v63  }
0x1c5: {  	s30 =	sadd.s32 $0xD00, s28;
	s14 =	spop (v2sf);
	s31 =	sadd.s32 s5, s1  }
0x1c6: {  	(v2sf) =	vpush v63, $0x4;
	[tilespmem:s30], [sflag:$0x1] =	stream.linear.gather [hbm4b:s31+s2], $0x80, $0x38;
	[tilespmem:$0x10400] =	vst v63  }
0x1c7: {  	s18 =	sadd.s32 $0x8D00, s28;
	s1 =	sadd.s32 s6, s1;
	s12 =	sand.u32 $0x1FFFFFF0, s14  }
0x1c8: {  	[tilespmem:s18], [sflag:$0x1] =	stream.linear.gather [hbm4b:s1+s2], $0x80, $0x38;
	[tilespmem:$0x10400] =	vst v63  }
0x1c9: {  	s22 =	sadd.s32 $0x4D00, s28;
	s24 =	spop (v2sf);
	s23 =	sadd.s32 s4, s12  }
0x1ca: {  	(v2sf) =	vpush v1, $0x5;
	[tilespmem:s22], [sflag:$0x1] =	stream.linear.gather [hbm4b:s23+s2], $0x80, $0x38;
	[tilespmem:$0x10400] =	vst v63  }
0x1cb: {  	s29 =	sadd.s32 $0xCD00, s28;
	s12 =	sadd.s32 s7, s12;
	s1 =	sand.u32 $0x1FFFFFF0, s24  }
0x1cc: {  	[tilespmem:s29], [sflag:$0x1] =	stream.linear.gather [hbm4b:s12+s2], $0x80, $0x38;
	[tilespmem:$0x10400] =	vst v63  }
0x1cd: {  	s14 =	spop (v2sf);
	s30 =	sadd.s32 $0xD80, s28;
	s31 =	sadd.s32 s5, s1  }
0x1ce: {  	(v2sf) =	vpush v63, $0x5;
	[tilespmem:s30], [sflag:$0x1] =	stream.linear.gather [hbm4b:s31+s2], $0x80, $0x38;
	[tilespmem:$0x10400] =	vst v63  }
0x1cf: {  	s18 =	sadd.s32 $0x8D80, s28;
	s1 =	sadd.s32 s6, s1;
	s12 =	sand.u32 $0x1FFFFFF0, s14  }
0x1d0: {  	[tilespmem:s18], [sflag:$0x1] =	stream.linear.gather [hbm4b:s1+s2], $0x80, $0x38;
	[tilespmem:$0x10400] =	vst v63  }
0x1d1: {  	s22 =	sadd.s32 $0x4D80, s28;
	s23 =	sadd.s32 s4, s12;
	s24 =	spop (v2sf)  }
0x1d2: {  	(v2sf) =	vpush v1, $0x6;
	[tilespmem:s22], [sflag:$0x1] =	stream.linear.gather [hbm4b:s23+s2], $0x80, $0x38;
	[tilespmem:$0x10400] =	vst v63  }
0x1d3: {  	s29 =	sadd.s32 $0xCD80, s28;
	s12 =	sadd.s32 s7, s12;
	s1 =	sand.u32 $0x1FFFFFF0, s24  }
0x1d4: {  	[tilespmem:s29], [sflag:$0x1] =	stream.linear.gather [hbm4b:s12+s2], $0x80, $0x38;
	[tilespmem:$0x10400] =	vst v63  }
0x1d5: {  	s30 =	sadd.s32 $0xE00, s28;
	s14 =	spop (v2sf);
	s31 =	sadd.s32 s5, s1  }
0x1d6: {  	(v2sf) =	vpush v63, $0x6;
	[tilespmem:s30], [sflag:$0x1] =	stream.linear.gather [hbm4b:s31+s2], $0x80, $0x38;
	[tilespmem:$0x10400] =	vst v63  }
0x1d7: {  	s18 =	sadd.s32 $0x8E00, s28;
	s1 =	sadd.s32 s6, s1;
	s12 =	sand.u32 $0x1FFFFFF0, s14  }
0x1d8: {  	[tilespmem:s18], [sflag:$0x1] =	stream.linear.gather [hbm4b:s1+s2], $0x80, $0x38;
	[tilespmem:$0x10400] =	vst v63  }
0x1d9: {  	s22 =	sadd.s32 $0x4E00, s28;
	s24 =	spop (v2sf);
	s23 =	sadd.s32 s4, s12  }
0x1da: {  	(v2sf) =	vpush v1, $0x7;
	[tilespmem:s22], [sflag:$0x1] =	stream.linear.gather [hbm4b:s23+s2], $0x80, $0x38;
	[tilespmem:$0x10400] =	vst v63  }
0x1db: {  	s29 =	sadd.s32 $0xCE00, s28;
	s12 =	sadd.s32 s7, s12;
	s1 =	sand.u32 $0x1FFFFFF0, s24  }
0x1dc: {  	[tilespmem:s29], [sflag:$0x1] =	stream.linear.gather [hbm4b:s12+s2], $0x80, $0x38;
	[tilespmem:$0x10400] =	vst v63  }
0x1dd: {  	s14 =	spop (v2sf);
	s30 =	sadd.s32 $0xE80, s28;
	s31 =	sadd.s32 s5, s1  }
0x1de: {  	(v2sf) =	vpush v63, $0x7;
	[tilespmem:s30], [sflag:$0x1] =	stream.linear.gather [hbm4b:s31+s2], $0x80, $0x38;
	[tilespmem:$0x10400] =	vst v63  }
0x1df: {  	s18 =	sadd.s32 $0x8E80, s28;
	s1 =	sadd.s32 s6, s1;
	s12 =	sand.u32 $0x1FFFFFF0, s14  }
0x1e0: {  	[tilespmem:s18], [sflag:$0x1] =	stream.linear.gather [hbm4b:s1+s2], $0x80, $0x38;
	[tilespmem:$0x10400] =	vst v63  }
0x1e1: {  	s22 =	sadd.s32 $0x4E80, s28;
	s23 =	sadd.s32 s4, s12;
	s24 =	spop (v2sf)  }
0x1e2: {  	(v2sf) =	vpush v1, $0x8;
	[tilespmem:s22], [sflag:$0x1] =	stream.linear.gather [hbm4b:s23+s2], $0x80, $0x38;
	[tilespmem:$0x10400] =	vst v63  }
0x1e3: {  	s29 =	sadd.s32 $0xCE80, s28;
	s12 =	sadd.s32 s7, s12;
	s1 =	sand.u32 $0x1FFFFFF0, s24  }
0x1e4: {  	[tilespmem:s29], [sflag:$0x1] =	stream.linear.gather [hbm4b:s12+s2], $0x80, $0x38;
	[tilespmem:$0x10400] =	vst v63  }
0x1e5: {  	s30 =	sadd.s32 $0xF00, s28;
	s14 =	spop (v2sf);
	s31 =	sadd.s32 s5, s1  }
0x1e6: {  	(v2sf) =	vpush v63, $0x8;
	[tilespmem:s30], [sflag:$0x1] =	stream.linear.gather [hbm4b:s31+s2], $0x80, $0x38;
	[tilespmem:$0x10400] =	vst v63  }
0x1e7: {  	s18 =	sadd.s32 $0x8F00, s28;
	s1 =	sadd.s32 s6, s1;
	s12 =	sand.u32 $0x1FFFFFF0, s14  }
0x1e8: {  	[tilespmem:s18], [sflag:$0x1] =	stream.linear.gather [hbm4b:s1+s2], $0x80, $0x38;
	[tilespmem:$0x10400] =	vst v63  }
0x1e9: {  	s22 =	sadd.s32 $0x4F00, s28;
	s24 =	spop (v2sf);
	s23 =	sadd.s32 s4, s12  }
0x1ea: {  	(v2sf) =	vpush v1, $0x9;
	[tilespmem:s22], [sflag:$0x1] =	stream.linear.gather [hbm4b:s23+s2], $0x80, $0x38;
	[tilespmem:$0x10400] =	vst v63  }
0x1eb: {  	s29 =	sadd.s32 $0xCF00, s28;
	s12 =	sadd.s32 s7, s12;
	s1 =	sand.u32 $0x1FFFFFF0, s24  }
0x1ec: {  	[tilespmem:s29], [sflag:$0x1] =	stream.linear.gather [hbm4b:s12+s2], $0x80, $0x38;
	[tilespmem:$0x10400] =	vst v63  }
0x1ed: {  	s14 =	spop (v2sf);
	s30 =	sadd.s32 $0xF80, s28;
	s31 =	sadd.s32 s5, s1  }
0x1ee: {  	(v2sf) =	vpush v63, $0x9;
	[tilespmem:s30], [sflag:$0x1] =	stream.linear.gather [hbm4b:s31+s2], $0x80, $0x38;
	[tilespmem:$0x10400] =	vst v63  }
0x1ef: {  	s18 =	sadd.s32 $0x8F80, s28;
	s1 =	sadd.s32 s6, s1;
	s12 =	sand.u32 $0x1FFFFFF0, s14  }
0x1f0: {  	[tilespmem:s18], [sflag:$0x1] =	stream.linear.gather [hbm4b:s1+s2], $0x80, $0x38;
	[tilespmem:$0x10400] =	vst v63  }
0x1f1: {  	s22 =	sadd.s32 $0x4F80, s28;
	s23 =	sadd.s32 s4, s12;
	s24 =	spop (v2sf)  }
0x1f2: {  	(v2sf) =	vpush v1, $0xA;
	[tilespmem:s22], [sflag:$0x1] =	stream.linear.gather [hbm4b:s23+s2], $0x80, $0x38;
	[tilespmem:$0x10400] =	vst v63  }
0x1f3: {  	s29 =	sadd.s32 $0xCF80, s28;
	s12 =	sadd.s32 s7, s12;
	s1 =	sand.u32 $0x1FFFFFF0, s24  }
0x1f4: {  	[tilespmem:s29], [sflag:$0x1] =	stream.linear.gather [hbm4b:s12+s2], $0x80, $0x38;
	[tilespmem:$0x10400] =	vst v63  }
0x1f5: {  	s30 =	sadd.s32 $0x1000, s28;
	s14 =	spop (v2sf);
	s31 =	sadd.s32 s5, s1  }
0x1f6: {  	(v2sf) =	vpush v63, $0xA;
	[tilespmem:s30], [sflag:$0x1] =	stream.linear.gather [hbm4b:s31+s2], $0x80, $0x38;
	[tilespmem:$0x10400] =	vst v63  }
0x1f7: {  	s18 =	sadd.s32 $0x9000, s28;
	s1 =	sadd.s32 s6, s1;
	s12 =	sand.u32 $0x1FFFFFF0, s14  }
0x1f8: {  	[tilespmem:s18], [sflag:$0x1] =	stream.linear.gather [hbm4b:s1+s2], $0x80, $0x38;
	[tilespmem:$0x10400] =	vst v63  }
0x1f9: {  	s24 =	spop (v2sf);
	s22 =	sadd.s32 $0x5000, s28;
	s23 =	sadd.s32 s4, s12  }
0x1fa: {  	(v2sf) =	vpush v1, $0xB;
	[tilespmem:s22], [sflag:$0x1] =	stream.linear.gather [hbm4b:s23+s2], $0x80, $0x38;
	[tilespmem:$0x10400] =	vst v63  }
0x1fb: {  	s29 =	sadd.s32 $0xD000, s28;
	s12 =	sadd.s32 s7, s12;
	s1 =	sand.u32 $0x1FFFFFF0, s24  }
0x1fc: {  	[tilespmem:s29], [sflag:$0x1] =	stream.linear.gather [hbm4b:s12+s2], $0x80, $0x38;
	[tilespmem:$0x10400] =	vst v63  }
0x1fd: {  	s14 =	spop (v2sf);
	s30 =	sadd.s32 $0x1080, s28;
	s31 =	sadd.s32 s5, s1  }
0x1fe: {  	(v2sf) =	vpush v63, $0xB;
	[tilespmem:s30], [sflag:$0x1] =	stream.linear.gather [hbm4b:s31+s2], $0x80, $0x38;
	[tilespmem:$0x10400] =	vst v63  }
0x1ff: {  	s18 =	sadd.s32 $0x9080, s28;
	s1 =	sadd.s32 s6, s1;
	s12 =	sand.u32 $0x1FFFFFF0, s14  }
0x200: {  	[tilespmem:s18], [sflag:$0x1] =	stream.linear.gather [hbm4b:s1+s2], $0x80, $0x38;
	[tilespmem:$0x10400] =	vst v63  }
0x201: {  	s22 =	sadd.s32 $0x5080, s28;
	s23 =	sadd.s32 s4, s12;
	s24 =	spop (v2sf)  }
0x202: {  	(v2sf) =	vpush v1, $0xC;
	[tilespmem:s22], [sflag:$0x1] =	stream.linear.gather [hbm4b:s23+s2], $0x80, $0x38;
	[tilespmem:$0x10400] =	vst v63  }
0x203: {  	s29 =	sadd.s32 $0xD080, s28;
	s12 =	sadd.s32 s7, s12;
	s1 =	sand.u32 $0x1FFFFFF0, s24  }
0x204: {  	[tilespmem:s29], [sflag:$0x1] =	stream.linear.gather [hbm4b:s12+s2], $0x80, $0x38;
	[tilespmem:$0x10400] =	vst v63  }
0x205: {  	s30 =	sadd.s32 $0x1100, s28;
	s14 =	spop (v2sf);
	s31 =	sadd.s32 s5, s1  }
0x206: {  	(v2sf) =	vpush v63, $0xC;
	[tilespmem:s30], [sflag:$0x1] =	stream.linear.gather [hbm4b:s31+s2], $0x80, $0x38;
	[tilespmem:$0x10400] =	vst v63  }
0x207: {  	s18 =	sadd.s32 $0x9100, s28;
	s1 =	sadd.s32 s6, s1;
	s12 =	sand.u32 $0x1FFFFFF0, s14  }
0x208: {  	[tilespmem:s18], [sflag:$0x1] =	stream.linear.gather [hbm4b:s1+s2], $0x80, $0x38;
	[tilespmem:$0x10400] =	vst v63  }
0x209: {  	s22 =	sadd.s32 $0x5100, s28;
	s29 =	spop (v2sf);
	s23 =	sadd.s32 s4, s12  }
0x20a: {  	(v2sf) =	vpush v1, $0xD;
	[tilespmem:s22], [sflag:$0x1] =	stream.linear.gather [hbm4b:s23+s2], $0x80, $0x38;
	[tilespmem:$0x10400] =	vst v63  }
0x20b: {  	s24 =	sadd.s32 $0xD100, s28;
	s12 =	sadd.s32 s7, s12;
	s30 =	sand.u32 $0x1FFFFFF0, s29  }
0x20c: {  	[tilespmem:s24], [sflag:$0x1] =	stream.linear.gather [hbm4b:s12+s2], $0x80, $0x38;
	[tilespmem:$0x10400] =	vst v63  }
0x20d: {  	s14 =	spop (v2sf);
	s31 =	sadd.s32 $0x1180, s28;
	s13 =	sadd.s32 s5, s30  }
0x20e: {  	(v2sf) =	vpush v63, $0xD;
	[tilespmem:s31], [sflag:$0x1] =	stream.linear.gather [hbm4b:s13+s2], $0x80, $0x38;
	[tilespmem:$0x10400] =	vst v63  }
0x20f: {  	s18 =	sadd.s32 $0x9180, s28;
	s1 =	sadd.s32 s6, s30;
	s12 =	sand.u32 $0x1FFFFFF0, s14  }
0x210: {  	[tilespmem:s18], [sflag:$0x1] =	stream.linear.gather [hbm4b:s1+s2], $0x80, $0x38;
	[tilespmem:$0x10400] =	vst v63  }
0x211: {  	s22 =	sadd.s32 $0x5180, s28;
	s23 =	sadd.s32 s4, s12;
	s24 =	spop (v2sf)  }
0x212: {  	(v2sf) =	vpush v1, $0xE;
	[tilespmem:s22], [sflag:$0x1] =	stream.linear.gather [hbm4b:s23+s2], $0x80, $0x38;
	[tilespmem:$0x10400] =	vst v63  }
0x213: {  	s29 =	sadd.s32 $0xD180, s28;
	s12 =	sadd.s32 s7, s12;
	s1 =	sand.u32 $0x1FFFFFF0, s24  }
0x214: {  	[tilespmem:s29], [sflag:$0x1] =	stream.linear.gather [hbm4b:s12+s2], $0x80, $0x38;
	[tilespmem:$0x10400] =	vst v63  }
0x215: {  	s30 =	sadd.s32 $0x1200, s28;
	s14 =	spop (v2sf);
	s31 =	sadd.s32 s5, s1  }
0x216: {  	(v2sf) =	vpush v63, $0xE;
	[tilespmem:s30], [sflag:$0x1] =	stream.linear.gather [hbm4b:s31+s2], $0x80, $0x38;
	[tilespmem:$0x10400] =	vst v63  }
0x217: {  	s18 =	sadd.s32 $0x9200, s28;
	s1 =	sadd.s32 s6, s1;
	s12 =	sand.u32 $0x1FFFFFF0, s14  }
0x218: {  	[tilespmem:s18], [sflag:$0x1] =	stream.linear.gather [hbm4b:s1+s2], $0x80, $0x38;
	[tilespmem:$0x10400] =	vst v63  }
0x219: {  	s22 =	sadd.s32 $0x5200, s28;
	s24 =	spop (v2sf);
	s23 =	sadd.s32 s4, s12  }
0x21a: {  	(v2sf) =	vpush v1, $0xF;
	[tilespmem:s22], [sflag:$0x1] =	stream.linear.gather [hbm4b:s23+s2], $0x80, $0x38;
	[tilespmem:$0x10400] =	vst v63  }
0x21b: {  	s29 =	sadd.s32 $0xD200, s28;
	s12 =	sadd.s32 s7, s12;
	s1 =	sand.u32 $0x1FFFFFF0, s24  }
0x21c: {  	[tilespmem:s29], [sflag:$0x1] =	stream.linear.gather [hbm4b:s12+s2], $0x80, $0x38;
	[tilespmem:$0x10400] =	vst v63  }
0x21d: {  	s14 =	spop (v2sf);
	s30 =	sadd.s32 $0x1280, s28;
	s31 =	sadd.s32 s5, s1  }
0x21e: {  	(v2sf) =	vpush v63, $0xF;
	[tilespmem:s30], [sflag:$0x1] =	stream.linear.gather [hbm4b:s31+s2], $0x80, $0x38;
	[tilespmem:$0x10400] =	vst v63  }
0x21f: {  	s18 =	sadd.s32 $0x9280, s28;
	s1 =	sadd.s32 s6, s1;
	s12 =	sand.u32 $0x1FFFFFF0, s14  }
0x220: {  	[tilespmem:s18], [sflag:$0x1] =	stream.linear.gather [hbm4b:s1+s2], $0x80, $0x38;
	[tilespmem:$0x10400] =	vst v63  }
0x221: {  	s22 =	sadd.s32 $0x5280, s28;
	s24 =	spop (v2sf);
	s23 =	sadd.s32 s4, s12  }
0x222: {  	[tilespmem:s22], [sflag:$0x1] =	stream.linear.gather [hbm4b:s23+s2], $0x80, $0x38;
	[tilespmem:$0x10400] =	vst v63  }
0x223: {  	s29 =	sadd.s32 $0xD280, s28;
	s12 =	sadd.s32 s7, s12;
	s1 =	sand.u32 $0x1FFFFFF0, s24  }
0x224: {  	[tilespmem:s29], [sflag:$0x1] =	stream.linear.gather [hbm4b:s12+s2], $0x80, $0x38;
	[tilespmem:$0x10400] =	vst v63  }
0x225: {  	s14 =	spop (v2sf);
	s30 =	sadd.s32 $0x1300, s28;
	s31 =	sadd.s32 s5, s1  }
0x226: {  	[tilespmem:s30], [sflag:$0x1] =	stream.linear.gather [hbm4b:s31+s2], $0x80, $0x38;
	[tilespmem:$0x10400] =	vst v63  }
0x227: {  	s18 =	sadd.s32 $0x9300, s28;
	s1 =	sadd.s32 s6, s1;
	s12 =	sand.u32 $0x1FFFFFF0, s14  }
0x228: {  	[tilespmem:s18], [sflag:$0x1] =	stream.linear.gather [hbm4b:s1+s2], $0x80, $0x38;
	[tilespmem:$0x10400] =	vst v63  }
0x229: {  	s22 =	sadd.s32 $0x5300, s28;
	s24 =	spop (v2sf);
	s23 =	sadd.s32 s4, s12  }
0x22a: {  	[tilespmem:s22], [sflag:$0x1] =	stream.linear.gather [hbm4b:s23+s2], $0x80, $0x38;
	[tilespmem:$0x10400] =	vst v63  }
0x22b: {  	s29 =	sadd.s32 $0xD300, s28;
	s12 =	sadd.s32 s7, s12;
	s1 =	sand.u32 $0x1FFFFFF0, s24  }
0x22c: {  	[tilespmem:s29], [sflag:$0x1] =	stream.linear.gather [hbm4b:s12+s2], $0x80, $0x38;
	[tilespmem:$0x10400] =	vst v63  }
0x22d: {  	s14 =	spop (v2sf);
	s30 =	sadd.s32 $0x1380, s28;
	s31 =	sadd.s32 s5, s1  }
0x22e: {  	[tilespmem:s30], [sflag:$0x1] =	stream.linear.gather [hbm4b:s31+s2], $0x80, $0x38;
	[tilespmem:$0x10400] =	vst v63  }
0x22f: {  	s18 =	sadd.s32 $0x9380, s28;
	s1 =	sadd.s32 s6, s1;
	s12 =	sand.u32 $0x1FFFFFF0, s14  }
0x230: {  	[tilespmem:s18], [sflag:$0x1] =	stream.linear.gather [hbm4b:s1+s2], $0x80, $0x38;
	[tilespmem:$0x10400] =	vst v63  }
0x231: {  	s22 =	sadd.s32 $0x5380, s28;
	s23 =	sadd.s32 s4, s12  }
0x232: {  	[tilespmem:s22], [sflag:$0x1] =	stream.linear.gather [hbm4b:s23+s2], $0x80, $0x38;
	[tilespmem:$0x10400] =	vst v63  }
0x233: {  	s24 =	sadd.s32 $0xD380, s28;
	s12 =	sadd.s32 s7, s12  }
0x234: {  	[tilespmem:s24], [sflag:$0x1] =	stream.linear.gather [hbm4b:s12+s2], $0x80, $0x38;
	[tilespmem:$0x10400] =	vst v63  }
0x235: {  	_ =	swait.ge [sflag:s17], $0x4000  }
0x236: {  	[sflag:s17] =	ssyncset.done $0x0  }
0x237: {  	[sflag:s17] =	ssyncadd.s32 $0xFFFFC000  }
0x238: {  	_ =	swait.ge [sflag:s17], $0x4000  }
0x239: {  	[sflag:s17] =	ssyncset.done $0x0  }
0x23a: {  	[sflag:s17] =	ssyncadd.s32 $0xFFFFC000  }
0x23b: {  	_ =	swait.ge [sflag:s17], $0x4000  }
0x23c: {  	[sflag:s17] =	ssyncset.done $0x0  }
0x23d: {  	[sflag:s17] =	ssyncadd.s32 $0xFFFFC000  }
0x23e: {  	s26 =	sor.u32 s3, s26;
	_ =	swait.ge [sflag:s17], $0x4000  }
0x23f: {  	s1 =	sshll.u32 s26, $0x4;
	[sflag:s17] =	ssyncset.done $0x0  }
0x240: {  	s29 =	simm.s32 $0x400;
	s28 =	sadd.s32 s8, s1;
	[sflag:s17] =	ssyncadd.s32 $0xFFFFC000  }
0x241: {  	[hbm4b:s28+s2] =	stream.linear.scatter [tilespmem:s29], [sflag:$0x2], $0x4000, $0x38;
	[tilespmem:$0x10400] =	vst v63  }
0x242: {  	_ =	swait.ge [sflag:s15], $0x4000  }
0x243: {  	[sflag:s15] =	ssyncset.done $0x0  }
0x244: {  	s30 =	sadd.s32 s10, s1;
	[sflag:s15] =	ssyncadd.s32 $0xFFFFC000  }
0x245: {  	[hbm4b:s30+s2] =	stream.linear.scatter [tilespmem:s19], [sflag:$0x2], $0x4000, $0x38;
	[tilespmem:$0x10400] =	vst v63  }
0x246: {  	_ =	swait.ge [sflag:s15], $0x4000  }
0x247: {  	[sflag:s15] =	ssyncset.done $0x0  }
0x248: {  	s31 =	sadd.s32 s9, s1;
	[sflag:s15] =	ssyncadd.s32 $0xFFFFC000  }
0x249: {  	[hbm4b:s31+s2] =	stream.linear.scatter [tilespmem:s20], [sflag:$0x2], $0x4000, $0x38;
	[tilespmem:$0x10400] =	vst v63  }
0x24a: {  	s25 =	sadd.s32 $0x1, s25;
	_ =	swait.ge [sflag:s15], $0x4000  }
0x24b: {  	p0 =	sne.s32 s25, $0x4;
	[sflag:s15] =	ssyncset.done $0x0  }
.Ltmp1:
0x24c: {  	s1 =	sadd.s32 s11, s1;
	[sflag:s15] =	ssyncadd.s32 $0xFFFFC000;
	(pc) =	sbr.rel @p0 .LBB2_2-.Ltmp1, $4  }
0x24d: {  	[hbm4b:s1+s2] =	stream.linear.scatter [tilespmem:s21], [sflag:$0x2], $0x4000, $0x38;
	[tilespmem:$0x10400] =	vst v63  }
0x24e: {  	_ =	swait.ge [sflag:s15], $0x4000  }
0x24f: {  	[sflag:s15] =	ssyncset.done $0x0  }
0x250: {  	s16 =	sadd.s32 $0x80, s16;
	s0 =	sadd.s32 $0x80, s0;
	[sflag:s15] =	ssyncadd.s32 $0xFFFFC000  }
0x251: {  	s1 =	rddreg [dreg:$0x6]  }
0x252: {  	s0 =	rddreg [dreg:$0x5];
	s1 =	sadd.s32 $0x1, s1  }
0x253: {  	p0 =	sne.s32 s1, s0  }
.Ltmp2:
0x254: {  	_ = 	snop;
	(pc) =	sbr.rel @p0 .LBB2_1-.Ltmp2, $1  }
0x255: {  	_ =	sdelay $0x3  }
0x256: {  	_ =	sfence.sel $0x180000  }
0x257: {  	[bflag:$0x0] =	sbarrier.arrive $0xFFFF  }
0x258: {  	_ =	strace $0x90000047  }
0x259: {  	s0 =	stileid.u32;
	[bflag:$0x2] =	sbarrier.arrive $0xFFFF  }
0x25a: {  	p0 =	sne.s32 s0, $0x0;
	s0 =	rddreg [dreg:$0x2]  }
0x25b: {  	s0 =	sadd.s32 @!p0 $0x100000, s0  }
0x25c: {  	[sflag:s0] =	ssyncadd.tile.s32 @!p0 $0x1;
	_ =	shalt  }
.Lfunc_end2:
_tile_overlayer_lowered:
.L_overlay_start_2:
0x25d: {  	(tag) =	ssettag $0x2  }
0x25e: {  	s0 =	rddreg [dreg:$0x0];
	s2 =	stileid.u32  }
0x25f: {  	s1 =	rddreg [dreg:$0x1];
	p0 =	sne.s32 s2, $0x0  }
0x260: {  	s3 =	rddreg [dreg:$0x2];
	[bflag:$0x3] =	sbarrier.arrive $0xFFFF;
	s2 =	simm.s32 @!p0 $0x1C02  }
0x261: {  	[timem:s3], [sflag:s2] =	dma.local @!p0 [hbm:s0], s1  }
0x262: {  	s0 =	simm.s32 @!p0 $0x2  }
0x263: {  	_ =	swait.ge @!p0 [sflag:s0], s1  }
0x264: {  	s1 =	ssub.s32 @!p0 $0x0, s1;
	[sflag:s0] =	ssyncset.done @!p0 $0x0  }
0x265: {  	[sflag:s0] =	ssyncadd.s32 @!p0 s1  }
0x266: {  	[bflag:$0x3] =	sbarrier.arrive $0xFFFF  }
0x267: {  	_ =	shalt  }

</sc_bundles>
